<compile_context>
chip_gen: v7x
topology: tpu7x:2x2x1
jax: 0.10.2.dev20260603
libtpu: 0.0.44.dev20260713+nightly
codegen_flags: <defaults>
</compile_context>

<pallas_src>
import functools
import math

import jax
import jax.numpy as jnp
from jax import lax
from jax.experimental import pallas as pl
from jax.experimental.pallas import tpu as pltpu
from jax.experimental.pallas import tpu_sc as plsc

B, N, T = 4, 1024, 96
D, H, NLAYERS = 64, 8, 2
PATCH, STRIDE = 4, 2
L = (T - PATCH) // STRIDE + 1
LP = 48
K, TAU, PRED = 16, 0.5, 24
DH = D // H
RBLK = 128
NB = N // RBLK

_i32 = jnp.int32
_f32 = jnp.float32
_bf16 = jnp.bfloat16
_MM = (((1,), (0,)), ((), ()))


def _bmm(a, b):
    return jax.lax.dot_general(a.astype(_bf16), b.astype(_bf16), _MM,
                               preferred_element_type=_f32)


def _route_body(obsr_ref, posg_ref, nobs_ref):
    o = obsr_ref[0]
    c = o
    s = 1
    while s < N:
        c = c + jnp.concatenate(
            [jnp.zeros((1, s), _f32), c[:, :N - s]], axis=1)
        s *= 2
    nob = c[:, N - 1:N]
    iota_r = jax.lax.broadcasted_iota(_i32, (1, N), 1).astype(_f32)
    pos = jnp.where(o > 0.0, c - 1.0, nob + iota_r - c)
    posg_ref[0] = pos.astype(_i32) + pl.program_id(0) * N
    nobs_ref[0] = nob


_SC_NC, _SC_NW = 2, 32
_ROWS = B * N
_CW = 128
_WPER = _ROWS // _SC_NW


def _sc_scatter_body(xp_hbm, vep_hbm, posg_hbm, xgp_hbm, vegp_hbm,
                     idx_v, xrows_v, verows_v, sem1, sem2):
    wid = lax.axis_index("s") * _SC_NC + lax.axis_index("c")
    base = wid * _WPER
    nbase = base - (base // N) * N
    pltpu.sync_copy(posg_hbm.at[pl.ds(base, _WPER)], idx_v)
    pltpu.sync_copy(xp_hbm.at[pl.ds(base, _WPER)], xrows_v)
    pltpu.sync_copy(vep_hbm.at[pl.ds(nbase, _WPER)], verows_v)
    cp1 = pltpu.async_copy(xrows_v, xgp_hbm.at[idx_v], sem1)
    cp2 = pltpu.async_copy(verows_v, vegp_hbm.at[idx_v], sem2)
    cp1.wait()
    cp2.wait()


def _mixer_body(pt_ref, veg_ref, nobs_ref, Wp_ref, bp_ref, Wt1_ref, ck_ref,
                Wt2_ref, Wh_ref, tok_ref, y_ref):
    nob_i = nobs_ref[0, 0, 0].astype(_i32)

    @pl.when(pl.program_id(1) * RBLK < nob_i)
    def _():
        pt = pt_ref[0].reshape(LP * RBLK, PATCH)
        h = pt @ Wp_ref[...] + bp_ref[...]
        u = _bmm(h, Wt1_ref[...]).reshape(LP, RBLK, 2 * D)
        c0 = ck_ref[0:1, :][None]
        c1 = ck_ref[1:2, :][None]
        c2 = ck_ref[2:3, :][None]
        c3 = ck_ref[3:4, :][None]
        v = (u * c3
             + jnp.concatenate([jnp.zeros((1, RBLK, 2 * D), _f32),
                                u[:LP - 1]], axis=0) * c2
             + jnp.concatenate([jnp.zeros((2, RBLK, 2 * D), _f32),
                                u[:LP - 2]], axis=0) * c1
             + jnp.concatenate([jnp.zeros((3, RBLK, 2 * D), _f32),
                                u[:LP - 3]], axis=0) * c0)
        sil = (v * jax.nn.sigmoid(v)).reshape(LP * RBLK, 2 * D)
        h2 = (h + _bmm(sil, Wt2_ref[...])).reshape(LP, RBLK, D)
        tok_ref[0] = (jnp.sum(h2[:L], axis=0) * _f32(1.0 / L) + veg_ref[0])
        h2b = h2.astype(_bf16)
        Whb = Wh_ref[...].astype(_bf16)
        acc = jax.lax.dot_general(h2b[0], Whb[0:D, :], _MM,
                                  preferred_element_type=_f32)
        for l in range(1, L):
            acc = acc + jax.lax.dot_general(h2b[l], Whb[l * D:(l + 1) * D, :],
                                            _MM, preferred_element_type=_f32)
        y_ref[0] = acc


_KD = (((1,), (1,)), ((), ()))


_WIDTHS = (256, 512, 768, 1024)


def _enc_attn(tok_ref, nob_i, tq, Wq_ref, Wk_ref, Wv_ref, Wo_ref, W):
    tokf = tok_ref[0, pl.ds(0, W), :]
    cio = jax.lax.broadcasted_iota(_i32, (W, 1), 0)
    tokm = jnp.where(cio < nob_i, tokf, 0.0)
    q = tq @ Wq_ref[...]
    kk = tokm @ Wk_ref[...]
    vv = tokm @ Wv_ref[...]
    rio = jax.lax.broadcasted_iota(_i32, (1, W), 1)
    bias = jnp.where(rio < nob_i, 0.0, -1e9).astype(_f32)
    s1 = _f32(1.0 / math.sqrt(float(DH)))
    outs = []
    for hh in range(H):
        qh = q[:, hh * DH:(hh + 1) * DH]
        kh = kk[:, hh * DH:(hh + 1) * DH]
        vh = vv[:, hh * DH:(hh + 1) * DH]
        sc = jax.lax.dot_general(qh, kh, _KD) * s1 + bias
        m = jnp.max(sc, axis=-1, keepdims=True)
        e = jnp.exp(sc - m)
        ssum = jnp.sum(e, axis=-1, keepdims=True)
        outs.append((e @ vh) / ssum)
    return tq + jnp.concatenate(outs, axis=1) @ Wo_ref[...]


def _enc_body(tok_ref, nobs_ref, Wq_ref, Wk_ref, Wv_ref, Wo_ref, out_ref):
    nob = nobs_ref[0, 0, 0]
    nob_i = nob.astype(_i32)
    qb = pl.program_id(1)

    @pl.when(qb * RBLK < nob_i)
    def _():
        tq = tok_ref[0, pl.ds(qb * RBLK, RBLK), :]
        for wi, W in enumerate(_WIDTHS):
            lo = 0 if wi == 0 else _WIDTHS[wi - 1]

            @pl.when((nob_i > lo) & (nob_i <= W))
            def _(W=W):
                out_ref[0] = _enc_attn(tok_ref, nob_i, tq, Wq_ref, Wk_ref,
                                       Wv_ref, Wo_ref, W)


def _dec_attn(tokm, nob_i, mt, Wq2_ref, Wk2_ref, Wv2_ref, Wo2_ref,
              Whs_ref, W):
    q2 = mt @ Wq2_ref[...]
    k2 = tokm @ Wk2_ref[...]
    v2 = tokm @ Wv2_ref[...]
    rio = jax.lax.broadcasted_iota(_i32, (1, W), 1)
    bias = jnp.where(rio < nob_i, 0.0, -1e9).astype(_f32)
    sc2 = (jax.lax.dot_general(q2, k2, _KD)
           * _f32(1.0 / math.sqrt(float(D))) + bias)
    m2 = jnp.max(sc2, axis=-1, keepdims=True)
    e2 = jnp.exp(sc2 - m2)
    s2 = jnp.sum(e2, axis=-1, keepdims=True)
    mo = mt + ((e2 @ v2) / s2) @ Wo2_ref[...]
    return mo @ Whs_ref[...]


def _dec_body(tok_ref, veg_ref, nobs_ref, Wq2_ref, Wk2_ref, Wv2_ref, Wo2_ref,
              C_ref, CT_ref, Whs_ref, ydec_ref, qsub_ref, wsub_ref):
    nob = nobs_ref[0, 0, 0]
    nob_i = nob.astype(_i32)
    qb = pl.program_id(1)

    @pl.when((qb + 1) * RBLK > nob_i)
    def _():
        for wi, W in enumerate(_WIDTHS):
            lo = 0 if wi == 0 else _WIDTHS[wi - 1]

            @pl.when((nob_i > lo) & (nob_i <= W))
            def _(W=W):
                tokf = tok_ref[0, pl.ds(0, W), :]
                cio = jax.lax.broadcasted_iota(_i32, (W, 1), 0)
                tokm = jnp.where(cio < nob_i, tokf, 0.0)
                qsub = jnp.sum(tokm, axis=0, keepdims=True) / nob
                CT = CT_ref[...]
                cn2 = jnp.sum(CT * CT, axis=0, keepdims=True)
                logits = (2.0 * (qsub @ CT) - cn2) * _f32(1.0 / TAU)
                m = jnp.max(logits, axis=-1, keepdims=True)
                e = jnp.exp(logits - m)
                wsub = e / jnp.sum(e, axis=-1, keepdims=True)

                @pl.when(qb == NB - 1)
                def _():
                    qsub_ref[0] = qsub
                    wsub_ref[0] = wsub

                mt = veg_ref[0] + (wsub @ C_ref[...])
                ydec_ref[0] = _dec_attn(tokm, nob_i, mt, Wq2_ref,
                                        Wk2_ref, Wv2_ref, Wo2_ref,
                                        Whs_ref, W)


def _fin_body(obsc_ref, ymix_ref, ydec_ref, bh_ref, y_ref):
    oc = obsc_ref[0]
    c = oc
    s = 1
    while s < N:
        c = c + jnp.concatenate(
            [jnp.zeros((s, 1), _f32), c[:N - s]], axis=0)
        s *= 2
    nob = c[N - 1:N, :]
    cio = jax.lax.broadcasted_iota(_i32, (N, 1), 0).astype(_f32)
    posT = jnp.where(oc > 0.0, c - 1.0, nob + cio - c)
    rio = jax.lax.broadcasted_iota(_i32, (N, N), 1)
    PT = (rio == posT.astype(_i32)).astype(_f32)
    sel = cio < nob
    yc = jnp.where(sel, ymix_ref[0], ydec_ref[0])
    y_ref[0] = PT @ yc + bh_ref[...]


def kernel(x_full, obs_mask, W_patch, b_patch, Wt1, conv_k, Wt2, var_emb,
           Wq, Wk, Wv, Wo, Wq2, Wk2, Wv2, Wo2, C, W_head, b_head):
    obsf = obs_mask.astype(_f32)
    obs_col = obsf.reshape(B, N, 1)
    obs_row = obsf.reshape(B, 1, N)
    bp2 = b_patch.reshape(1, D)
    ckT = conv_k.T
    bh2 = b_head.reshape(1, PRED)
    CT = C.T
    Whs = W_head.reshape(L, D, PRED).sum(axis=0)

    g2 = lambda b: (0, 0)
    g3 = lambda b: (b, 0, 0)
    posg, nobs = pl.pallas_call(
        _route_body,
        grid=(B,),
        in_specs=[pl.BlockSpec((1, 1, N), g3)],
        out_specs=[
            pl.BlockSpec((1, 1, N), g3),
            pl.BlockSpec((1, 1, 1), g3),
        ],
        out_shape=[
            jax.ShapeDtypeStruct((B, 1, N), _i32),
            jax.ShapeDtypeStruct((B, 1, 1), _f32),
        ],
    )(obs_row)

    xp = jnp.pad(x_full.reshape(_ROWS, T), ((0, 0), (0, 128 - T)))
    vep = jnp.pad(var_emb, ((0, 0), (0, 128 - D)))
    sc_scatter = functools.partial(
        pl.kernel, _sc_scatter_body,
        mesh=plsc.VectorSubcoreMesh(core_axis_name="c", subcore_axis_name="s"),
        out_type=[
            jax.ShapeDtypeStruct((_ROWS, 128), _f32),
            jax.ShapeDtypeStruct((_ROWS, 128), _f32),
        ],
        scratch_types=[
            pltpu.VMEM((_WPER,), _i32),
            pltpu.VMEM((_WPER, 128), _f32),
            pltpu.VMEM((_WPER, 128), _f32),
            pltpu.SemaphoreType.DMA,
            pltpu.SemaphoreType.DMA,
        ],
    )()
    xgp, vegp = sc_scatter(xp, vep, posg.reshape(_ROWS))
    xg = xgp[:, :T].reshape(B, N, T)
    veg = vegp[:, :D].reshape(B, N, D)

    x_pad = jnp.pad(xg, ((0, 0), (0, 0), (0, 2)))
    widx = jnp.arange(LP)[:, None] * STRIDE + jnp.arange(PATCH)[None, :]
    patches_tm = x_pad[:, :, widx].transpose(0, 2, 1, 3)

    w2 = lambda b, n: (0, 0)
    nb3 = lambda b, n: (b, 0, 0)
    tok, y_mix = pl.pallas_call(
        _mixer_body,
        grid=(B, NB),
        in_specs=[
            pl.BlockSpec((1, LP, RBLK, PATCH), lambda b, n: (b, 0, n, 0)),
            pl.BlockSpec((1, RBLK, D), lambda b, n: (b, n, 0)),
            pl.BlockSpec((1, 1, 1), nb3),
            pl.BlockSpec((PATCH, D), w2),
            pl.BlockSpec((1, D), w2),
            pl.BlockSpec((D, 2 * D), w2),
            pl.BlockSpec((PATCH, 2 * D), w2),
            pl.BlockSpec((2 * D, D), w2),
            pl.BlockSpec((L * D, PRED), w2),
        ],
        out_specs=[
            pl.BlockSpec((1, RBLK, D), lambda b, n: (b, n, 0)),
            pl.BlockSpec((1, RBLK, PRED), lambda b, n: (b, n, 0)),
        ],
        out_shape=[
            jax.ShapeDtypeStruct((B, N, D), _f32),
            jax.ShapeDtypeStruct((B, N, PRED), _f32),
        ],
    )(patches_tm, veg, nobs, W_patch, bp2, Wt1, ckT, Wt2, W_head)

    for lyr in range(NLAYERS):
        tok = pl.pallas_call(
            _enc_body,
            grid=(B, NB),
            in_specs=[
                pl.BlockSpec((1, N, D), nb3),
                pl.BlockSpec((1, 1, 1), nb3),
                pl.BlockSpec((D, D), w2),
                pl.BlockSpec((D, D), w2),
                pl.BlockSpec((D, D), w2),
                pl.BlockSpec((D, D), w2),
            ],
            out_specs=pl.BlockSpec((1, RBLK, D), lambda b, n: (b, n, 0)),
            out_shape=jax.ShapeDtypeStruct((B, N, D), _f32),
        )(tok, nobs, Wq[lyr], Wk[lyr], Wv[lyr], Wo[lyr])

    y_dec, q_sub, w_sub = pl.pallas_call(
        _dec_body,
        grid=(B, NB),
        in_specs=[
            pl.BlockSpec((1, N, D), nb3),
            pl.BlockSpec((1, RBLK, D), lambda b, n: (b, n, 0)),
            pl.BlockSpec((1, 1, 1), nb3),
            pl.BlockSpec((D, D), w2),
            pl.BlockSpec((D, D), w2),
            pl.BlockSpec((D, D), w2),
            pl.BlockSpec((D, D), w2),
            pl.BlockSpec((K, D), w2),
            pl.BlockSpec((D, K), w2),
            pl.BlockSpec((D, PRED), w2),
        ],
        out_specs=[
            pl.BlockSpec((1, RBLK, PRED), lambda b, n: (b, n, 0)),
            pl.BlockSpec((1, 1, D), nb3),
            pl.BlockSpec((1, 1, K), nb3),
        ],
        out_shape=[
            jax.ShapeDtypeStruct((B, N, PRED), _f32),
            jax.ShapeDtypeStruct((B, 1, D), _f32),
            jax.ShapeDtypeStruct((B, 1, K), _f32),
        ],
    )(tok, veg, nobs, Wq2, Wk2, Wv2, Wo2, C, CT, Whs)

    y_hat = pl.pallas_call(
        _fin_body,
        grid=(B,),
        in_specs=[
            pl.BlockSpec((1, N, 1), g3),
            pl.BlockSpec((1, N, PRED), g3),
            pl.BlockSpec((1, N, PRED), g3),
            pl.BlockSpec((1, PRED), g2),
        ],
        out_specs=pl.BlockSpec((1, N, PRED), g3),
        out_shape=jax.ShapeDtypeStruct((B, N, PRED), _f32),
    )(obs_col, y_mix, y_dec, bh2)

    return (y_hat, q_sub.reshape(B, D), w_sub.reshape(B, K))

# --- scband reference (transcript-rebuilt; emitter-appended) ---
"""Pipeline reference for scband-comet-68813966017138 (READ-ONLY COPY).

The authoritative reference and input builder live on the scoring server;
editing this copy changes nothing except your own understanding.
"""

import jax, jax.numpy as jnp
import numpy as np

B, N, T = 4, 1024, 96
D, H, NLAYERS = 64, 8, 2
PATCH, STRIDE = 4, 2
L = (T - PATCH) // STRIDE + 1  # 47
K, TAU, PRED = 16, 0.5, 24
DH = D // H


def setup_inputs(seed: int = 0):
    key = jax.random.key(seed)
    ks = jax.random.split(key, 24)
    s = 0.02
    x_full = jax.random.normal(ks[0], (B, N, T), dtype=jnp.float32)
    obs_mask = jax.random.bernoulli(ks[1], 0.5, (B, N))
    # guarantee at least one observed and one missing variate per batch element
    obs_mask = obs_mask.at[:, 0].set(True).at[:, 1].set(False)
    return {
        "x_full": x_full,
        "obs_mask": obs_mask,
        "W_patch": jax.random.normal(ks[2], (PATCH, D), jnp.float32) * s,
        "b_patch": jnp.zeros((D,), jnp.float32),
        "Wt1": jax.random.normal(ks[3], (D, 2 * D), jnp.float32) * s,
        "conv_k": jax.random.normal(ks[4], (2 * D, 4), jnp.float32) * s,
        "Wt2": jax.random.normal(ks[5], (2 * D, D), jnp.float32) * s,
        "var_emb": jax.random.normal(ks[6], (N, D), jnp.float32) * s,
        "Wq": jax.random.normal(ks[7], (NLAYERS, D, D), jnp.float32) * s,
        "Wk": jax.random.normal(ks[8], (NLAYERS, D, D), jnp.float32) * s,
        "Wv": jax.random.normal(ks[9], (NLAYERS, D, D), jnp.float32) * s,
        "Wo": jax.random.normal(ks[10], (NLAYERS, D, D), jnp.float32) * s,
        "Wq2": jax.random.normal(ks[11], (D, D), jnp.float32) * s,
        "Wk2": jax.random.normal(ks[12], (D, D), jnp.float32) * s,
        "Wv2": jax.random.normal(ks[13], (D, D), jnp.float32) * s,
        "Wo2": jax.random.normal(ks[14], (D, D), jnp.float32) * s,
        "C": jax.random.normal(ks[15], (K, D), jnp.float32) * s,
        "W_head": jax.random.normal(ks[16], (L * D, PRED), jnp.float32) * s,
        "b_head": jnp.zeros((PRED,), jnp.float32),
    }


def reference(x_full, obs_mask, W_patch, b_patch, Wt1, conv_k, Wt2, var_emb, Wq, Wk, Wv, Wo, Wq2, Wk2, Wv2, Wo2, C, W_head, b_head):
    pad = ~obs_mask                              # [B,N] True where missing
    # zero-fill missing variates
    x = x_full * obs_mask[:, :, None].astype(x_full.dtype)
    # patch embedding (unfold + linear)
    widx = jnp.arange(L)[:, None] * STRIDE + jnp.arange(PATCH)[None, :]
    patches = x[:, :, widx]                      # [B,N,L,PATCH] gather
    h = patches @ W_patch + b_patch              # [B,N,L,D]
    # temporal path: causal depthwise conv + gating (mamba-style mixer)
    u = h @ Wt1                                  # [B,N,L,2D]
    u_pad = jnp.pad(u, ((0, 0), (0, 0), (3, 0), (0, 0)))
    v = sum(u_pad[:, :, j:j + L, :] * conv_k[:, j] for j in range(4))
    h = h + jax.nn.silu(v) @ Wt2                 # [B,N,L,D]
    tok = h.mean(axis=2) + var_emb[None, :, :]   # [B,N,D] (embedding lookup)
    # patch-level encoder: masked self-attention over observed variates
    for l in range(NLAYERS):
        q = (tok @ Wq[l]).reshape(B, N, H, DH)
        kk = (tok @ Wk[l]).reshape(B, N, H, DH)
        vv = (tok @ Wv[l]).reshape(B, N, H, DH)
        sc = jnp.einsum('bqhd,bkhd->bhqk', q, kk) / jnp.sqrt(float(DH))
        sc = jnp.where(pad[:, None, None, :], -1e9, sc)
        a = jax.nn.softmax(sc, axis=-1)
        o = jnp.einsum('bhqk,bkhd->bqhd', a, vv).reshape(B, N, D)
        tok = tok + o @ Wo[l]
    valid = obs_mask.astype(tok.dtype)[:, :, None]
    Q_sub = (tok * valid).sum(axis=1) / valid.sum(axis=1)  # [B,D]
    # codebook soft lookup
    d2 = (Q_sub ** 2).sum(-1, keepdims=True) + (C ** 2).sum(-1)[None, :] - 2.0 * (Q_sub @ C.T)
    w_sub = jax.nn.softmax(-d2 / TAU, axis=-1)             # [B,K]
    # two-stage decoder: missing tokens cross-attend to observed tokens
    m_tok = var_emb[None, :, :] + (w_sub @ C)[:, None, :]  # [B,N,D]
    q2 = m_tok @ Wq2
    k2 = tok @ Wk2
    v2 = tok @ Wv2
    sc2 = (q2 @ jnp.swapaxes(k2, 1, 2)) / jnp.sqrt(float(D))
    sc2 = jnp.where(pad[:, None, :], -1e9, sc2)
    a2 = jax.nn.softmax(sc2, axis=-1)
    m_out = m_tok + (a2 @ v2) @ Wo2                        # [B,N,D]
    # write restored missing variates back (observed rows keep temporal-mixer output)
    E = jnp.where(obs_mask[:, :, None, None], h, m_out[:, :, None, :])  # [B,N,L,D]
    # forecasting head
    y_hat = E.reshape(B, N, L * D) @ W_head + b_head       # [B,N,PRED]
    return (y_hat, Q_sub, w_sub)

if __name__ == "__main__":
    import jax
    _d = setup_inputs()
    print(jax.jit(kernel)(*tuple(_d.values())))

</pallas_src>

<mosaic_0001>
#map = affine_map<(d0, d1) -> (0, 0)>
#map1 = affine_map<(d0, d1) -> (0)>
module attributes {stable_mosaic.version = 14 : i64} {
  func.func @_sc_scatter_body(%arg0: i32, %arg1: i32, %arg2: memref<4096x128xf32, #tpu.memory_space<hbm>>, %arg3: memref<1024x128xf32, #tpu.memory_space<hbm>>, %arg4: memref<4096xi32, #tpu.memory_space<hbm>>, %arg5: memref<4096x128xf32, #tpu.memory_space<hbm>>, %arg6: memref<4096x128xf32, #tpu.memory_space<hbm>>, %arg7: memref<128xi32, #tpu.memory_space<vmem>>, %arg8: memref<128x128xf32, #tpu.memory_space<vmem>>, %arg9: memref<128x128xf32, #tpu.memory_space<vmem>>, %arg10: memref<!tpu.dma_semaphore, #tpu.memory_space<semaphore_mem>>, %arg11: memref<!tpu.dma_semaphore, #tpu.memory_space<semaphore_mem>>) attributes {dimension_semantics = [#tpu.dimension_semantics<core_parallel>, #tpu.dimension_semantics<subcore_parallel>], iteration_bounds = array<i64: 2, 16>, scalar_prefetch = 0 : i64, scratch_operands = 5 : i64, tpu.core_type = #tpu.core_type<sc_vector_subcore>, window_params = [{transform_indices = #map}, {transform_indices = #map}, {transform_indices = #map1}, {transform_indices = #map}, {transform_indices = #map}]} {
    %mul3A = arith.constant 2 : i32
    %mul3A_0 = arith.muli %arg1, %mul3A : i32
    %add3A = arith.addi %mul3A_0, %arg0 : i32
    %mul3A_1 = arith.constant 128 : i32
    %mul3A_2 = arith.muli %add3A, %mul3A_1 : i32
    %jit3A = arith.constant 1024 : i32
    %div3A = arith.divsi %mul3A_2, %jit3A : i32
    %sign3A = arith.constant 0 : i32
    %sign3A_3 = arith.cmpi sgt, %mul3A_2, %sign3A : i32
    %sign3A_4 = arith.extui %sign3A_3 : i1 to i32
    %sign3A_5 = arith.constant 0 : i32
    %sign3A_6 = arith.cmpi slt, %mul3A_2, %sign3A_5 : i32
    %sign3A_7 = arith.extui %sign3A_6 : i1 to i32
    %sign3A_8 = arith.subi %sign3A_4, %sign3A_7 : i32
    %sign3A_9 = arith.constant 0 : i32
    %sign3A_10 = arith.cmpi sgt, %jit3A, %sign3A_9 : i32
    %sign3A_11 = arith.extui %sign3A_10 : i1 to i32
    %sign3A_12 = arith.constant 0 : i32
    %sign3A_13 = arith.cmpi slt, %jit3A, %sign3A_12 : i32
    %sign3A_14 = arith.extui %sign3A_13 : i1 to i32
    %sign3A_15 = arith.subi %sign3A_11, %sign3A_14 : i32
    %ne3A = arith.cmpi ne, %sign3A_8, %sign3A_15 : i32
    %rem3A = arith.remsi %mul3A_2, %jit3A : i32
    %ne3A_16 = arith.constant 0 : i32
    %ne3A_17 = arith.cmpi ne, %rem3A, %ne3A_16 : i32
    %and3A = arith.andi %ne3A, %ne3A_17 : i1
    %sub3A = arith.constant 1 : i32
    %sub3A_18 = arith.subi %div3A, %sub3A : i32
    %select_n3A = arith.select %and3A, %sub3A_18, %div3A : i32
    %mul3A_19 = arith.constant 1024 : i32
    %mul3A_20 = arith.muli %select_n3A, %mul3A_19 : i32
    %sub3A_21 = arith.subi %mul3A_2, %mul3A_20 : i32
    "tpu.region"() ({
      %run_scoped3A = tpu.sem_alloc : memref<!tpu.dma_semaphore, #tpu.memory_space<semaphore_mem>>
      %dma_start3A_32 = tpu.memref_slice %arg4[%mul3A_2] : memref<4096xi32, #tpu.memory_space<hbm>> -> memref<128xi32, #tpu.memory_space<hbm>>
      %dma_start3A_33 = tpu.memref_slice %arg4[%mul3A_2] : memref<4096xi32, #tpu.memory_space<hbm>> -> memref<128xi32, #tpu.memory_space<hbm>>
      tpu.enqueue_dma source(%dma_start3A_33 : memref<128xi32, #tpu.memory_space<hbm>>) target(%arg7 : memref<128xi32, #tpu.memory_space<vmem>>) target_semaphore(%run_scoped3A : memref<!tpu.dma_semaphore, #tpu.memory_space<semaphore_mem>>)
      %dma_wait3A_34 = tpu.memref_slice %arg4[%mul3A_2] : memref<4096xi32, #tpu.memory_space<hbm>> -> memref<128xi32, #tpu.memory_space<hbm>>
      %dma_wait3A_35 = tpu.memref_slice %arg4[%mul3A_2] : memref<4096xi32, #tpu.memory_space<hbm>> -> memref<128xi32, #tpu.memory_space<hbm>>
      tpu.wait_dma2 semaphore(%run_scoped3A : memref<!tpu.dma_semaphore, #tpu.memory_space<semaphore_mem>>) src(%dma_wait3A_35 : memref<128xi32, #tpu.memory_space<hbm>>) dst(%arg7 : memref<128xi32, #tpu.memory_space<vmem>>)
      tpu.yield
    }) : () -> ()
    "tpu.region"() ({
      %run_scoped3A = tpu.sem_alloc : memref<!tpu.dma_semaphore, #tpu.memory_space<semaphore_mem>>
      %dma_start3A_32 = arith.constant 0 : i32
      %dma_start3A_33 = tpu.memref_slice %arg2[%mul3A_2, %dma_start3A_32] : memref<4096x128xf32, #tpu.memory_space<hbm>> -> memref<128x128xf32, #tpu.memory_space<hbm>>
      %dma_start3A_34 = arith.constant 0 : i32
      %dma_start3A_35 = tpu.memref_slice %arg2[%mul3A_2, %dma_start3A_34] : memref<4096x128xf32, #tpu.memory_space<hbm>> -> memref<128x128xf32, #tpu.memory_space<hbm>>
      tpu.enqueue_dma source(%dma_start3A_35 : memref<128x128xf32, #tpu.memory_space<hbm>>) target(%arg8 : memref<128x128xf32, #tpu.memory_space<vmem>>) target_semaphore(%run_scoped3A : memref<!tpu.dma_semaphore, #tpu.memory_space<semaphore_mem>>)
      %dma_wait3A_36 = arith.constant 0 : i32
      %dma_wait3A_37 = tpu.memref_slice %arg2[%mul3A_2, %dma_wait3A_36] : memref<4096x128xf32, #tpu.memory_space<hbm>> -> memref<128x128xf32, #tpu.memory_space<hbm>>
      %dma_wait3A_38 = arith.constant 0 : i32
      %dma_wait3A_39 = tpu.memref_slice %arg2[%mul3A_2, %dma_wait3A_38] : memref<4096x128xf32, #tpu.memory_space<hbm>> -> memref<128x128xf32, #tpu.memory_space<hbm>>
      tpu.wait_dma2 semaphore(%run_scoped3A : memref<!tpu.dma_semaphore, #tpu.memory_space<semaphore_mem>>) src(%dma_wait3A_39 : memref<128x128xf32, #tpu.memory_space<hbm>>) dst(%arg8 : memref<128x128xf32, #tpu.memory_space<vmem>>)
      tpu.yield
    }) : () -> ()
    "tpu.region"() ({
      %run_scoped3A = tpu.sem_alloc : memref<!tpu.dma_semaphore, #tpu.memory_space<semaphore_mem>>
      %dma_start3A_32 = arith.constant 0 : i32
      %dma_start3A_33 = tpu.memref_slice %arg3[%sub3A_21, %dma_start3A_32] : memref<1024x128xf32, #tpu.memory_space<hbm>> -> memref<128x128xf32, #tpu.memory_space<hbm>>
      %dma_start3A_34 = arith.constant 0 : i32
      %dma_start3A_35 = tpu.memref_slice %arg3[%sub3A_21, %dma_start3A_34] : memref<1024x128xf32, #tpu.memory_space<hbm>> -> memref<128x128xf32, #tpu.memory_space<hbm>>
      tpu.enqueue_dma source(%dma_start3A_35 : memref<128x128xf32, #tpu.memory_space<hbm>>) target(%arg9 : memref<128x128xf32, #tpu.memory_space<vmem>>) target_semaphore(%run_scoped3A : memref<!tpu.dma_semaphore, #tpu.memory_space<semaphore_mem>>)
      %dma_wait3A_36 = arith.constant 0 : i32
      %dma_wait3A_37 = tpu.memref_slice %arg3[%sub3A_21, %dma_wait3A_36] : memref<1024x128xf32, #tpu.memory_space<hbm>> -> memref<128x128xf32, #tpu.memory_space<hbm>>
      %dma_wait3A_38 = arith.constant 0 : i32
      %dma_wait3A_39 = tpu.memref_slice %arg3[%sub3A_21, %dma_wait3A_38] : memref<1024x128xf32, #tpu.memory_space<hbm>> -> memref<128x128xf32, #tpu.memory_space<hbm>>
      tpu.wait_dma2 semaphore(%run_scoped3A : memref<!tpu.dma_semaphore, #tpu.memory_space<semaphore_mem>>) src(%dma_wait3A_39 : memref<128x128xf32, #tpu.memory_space<hbm>>) dst(%arg9 : memref<128x128xf32, #tpu.memory_space<vmem>>)
      tpu.yield
    }) : () -> ()
    %dma_start3A = arith.constant 0 : i32
    %dma_start3A_22 = arith.constant 0 : i32
    %dma_start3A_23 = tpu.memref_slice %arg5[%dma_start3A, %dma_start3A_22] : memref<4096x128xf32, #tpu.memory_space<hbm>> -> memref<4096x128xf32, #tpu.memory_space<hbm>>
    tpu.enqueue_indirect_dma source(%arg8 : memref<128x128xf32, #tpu.memory_space<vmem>>) target(%dma_start3A_23 : memref<4096x128xf32, #tpu.memory_space<hbm>>) offsets(%arg7 : memref<128xi32, #tpu.memory_space<vmem>>) semaphore(%arg10 : memref<!tpu.dma_semaphore, #tpu.memory_space<semaphore_mem>>)
    %dma_start3A_24 = arith.constant 0 : i32
    %dma_start3A_25 = arith.constant 0 : i32
    %dma_start3A_26 = tpu.memref_slice %arg6[%dma_start3A_24, %dma_start3A_25] : memref<4096x128xf32, #tpu.memory_space<hbm>> -> memref<4096x128xf32, #tpu.memory_space<hbm>>
    tpu.enqueue_indirect_dma source(%arg9 : memref<128x128xf32, #tpu.memory_space<vmem>>) target(%dma_start3A_26 : memref<4096x128xf32, #tpu.memory_space<hbm>>) offsets(%arg7 : memref<128xi32, #tpu.memory_space<vmem>>) semaphore(%arg11 : memref<!tpu.dma_semaphore, #tpu.memory_space<semaphore_mem>>)
    %dma_wait3A = arith.constant 0 : i32
    %dma_wait3A_27 = arith.constant 0 : i32
    %dma_wait3A_28 = tpu.memref_slice %arg5[%dma_wait3A, %dma_wait3A_27] : memref<4096x128xf32, #tpu.memory_space<hbm>> -> memref<4096x128xf32, #tpu.memory_space<hbm>>
    tpu.wait_indirect_dma semaphore(%arg10 : memref<!tpu.dma_semaphore, #tpu.memory_space<semaphore_mem>>) src(%arg8 : memref<128x128xf32, #tpu.memory_space<vmem>>) dst(%dma_wait3A_28 : memref<4096x128xf32, #tpu.memory_space<hbm>>)
    %dma_wait3A_29 = arith.constant 0 : i32
    %dma_wait3A_30 = arith.constant 0 : i32
    %dma_wait3A_31 = tpu.memref_slice %arg6[%dma_wait3A_29, %dma_wait3A_30] : memref<4096x128xf32, #tpu.memory_space<hbm>> -> memref<4096x128xf32, #tpu.memory_space<hbm>>
    tpu.wait_indirect_dma semaphore(%arg11 : memref<!tpu.dma_semaphore, #tpu.memory_space<semaphore_mem>>) src(%arg9 : memref<128x128xf32, #tpu.memory_space<vmem>>) dst(%dma_wait3A_31 : memref<4096x128xf32, #tpu.memory_space<hbm>>)
    return
  }
}

module attributes {stable_mosaic.version = 14 : i64} {
  func.func @_mixer_body(%arg0: i32, %arg1: i32, %arg2: memref<1x48x128x4xf32, #tpu.memory_space<vmem>>, %arg3: memref<1x128x64xf32, #tpu.memory_space<vmem>>, %arg4: memref<1x1x1xf32, #tpu.memory_space<vmem>>, %arg5: memref<4x64xf32, #tpu.memory_space<vmem>>, %arg6: memref<1x64xf32, #tpu.memory_space<vmem>>, %arg7: memref<64x128xf32, #tpu.memory_space<vmem>>, %arg8: memref<4x128xf32, #tpu.memory_space<vmem>>, %arg9: memref<128x64xf32, #tpu.memory_space<vmem>>, %arg10: memref<3008x24xf32, #tpu.memory_space<vmem>>, %arg11: memref<1x128x64xf32, #tpu.memory_space<vmem>>, %arg12: memref<1x128x24xf32, #tpu.memory_space<vmem>>) attributes {dimension_semantics = [#tpu.dimension_semantics<arbitrary>, #tpu.dimension_semantics<arbitrary>], iteration_bounds = array<i64: 4, 8>, scalar_prefetch = 0 : i64, scratch_operands = 0 : i64, tpu.core_type = #tpu.core_type<tc>, window_params = [{transform_indices = @transform_0, window_bounds = array<i64: 1, 48, 128, 4>}, {transform_indices = @transform_1, window_bounds = array<i64: 1, 128, 64>}, {transform_indices = @transform_2, window_bounds = array<i64: 1, 1, 1>}, {pipeline_mode = #tpu.pipeline_mode<synchronous>, transform_indices = @transform_3, window_bounds = array<i64: 4, 64>}, {pipeline_mode = #tpu.pipeline_mode<synchronous>, transform_indices = @transform_4, window_bounds = array<i64: 1, 64>}, {pipeline_mode = #tpu.pipeline_mode<synchronous>, transform_indices = @transform_5, window_bounds = array<i64: 64, 128>}, {pipeline_mode = #tpu.pipeline_mode<synchronous>, transform_indices = @transform_6, window_bounds = array<i64: 4, 128>}, {pipeline_mode = #tpu.pipeline_mode<synchronous>, transform_indices = @transform_7, window_bounds = array<i64: 128, 64>}, {pipeline_mode = #tpu.pipeline_mode<synchronous>, transform_indices = @transform_8, window_bounds = array<i64: 3008, 24>}, {transform_indices = @transform_9, window_bounds = array<i64: 1, 128, 64>}, {transform_indices = @transform_10, window_bounds = array<i64: 1, 128, 24>}]} {
    %get3A = arith.constant 0 : index
    %get3A_0 = arith.constant 0 : index
    %get3A_1 = arith.constant 0 : index
    %get3A_2 = vector.load %arg4[%get3A, %get3A_0, %get3A_1] : memref<1x1x1xf32, #tpu.memory_space<vmem>>, vector<1x1x1xf32>
    %get3A_3 = vector.extract %get3A_2[0, 0, 0] : f32 from vector<1x1x1xf32>
    %convert_element_type3A = arith.fptosi %get3A_3 : f32 to i32
    %mul3A = arith.constant 128 : i32
    %mul3A_4 = arith.muli %arg1, %mul3A : i32
    %lt3A = arith.cmpi slt, %mul3A_4, %convert_element_type3A : i32
    %convert_element_type3A_5 = arith.extui %lt3A : i1 to i32
    %cond3A = arith.constant 0 : i32
    %cond3A_6 = arith.cmpi ne, %convert_element_type3A_5, %cond3A : i32
    scf.if %cond3A_6 {
      %get3A_7 = arith.constant 0 : index
      %get3A_8 = arith.constant 0 : index
      %get3A_9 = arith.constant 0 : index
      %get3A_10 = arith.constant 0 : index
      %get3A_11 = vector.load %arg2[%get3A_7, %get3A_8, %get3A_9, %get3A_10] : memref<1x48x128x4xf32, #tpu.memory_space<vmem>>, vector<1x48x128x4xf32>
      %get3A_12 = vector.shape_cast %get3A_11 : vector<1x48x128x4xf32> to vector<48x128x4xf32>
      %reshape3A = vector.shape_cast %get3A_12 : vector<48x128x4xf32> to vector<6144x4xf32>
      %get3A_13 = arith.constant 0 : index
      %get3A_14 = arith.constant 0 : index
      %get3A_15 = vector.load %arg5[%get3A_13, %get3A_14] : memref<4x64xf32, #tpu.memory_space<vmem>>, vector<4x64xf32>
      %dot_general3A = arith.constant dense<0.000000e+00> : vector<6144x64xf32>
      %dot_general3A_16 = tpu.matmul %reshape3A, %get3A_15, %dot_general3A {dimension_numbers = #tpu.dot_dimension_numbers<[1], [0], [0], [1], [0, 0, 1, 1], [], []>, transpose_lhs_hint = false} : vector<6144x4xf32>, vector<4x64xf32>, vector<6144x64xf32> -> vector<6144x64xf32>
      %get3A_17 = arith.constant 0 : index
      %get3A_18 = arith.constant 0 : index
      %get3A_19 = vector.load %arg6[%get3A_17, %get3A_18] : memref<1x64xf32, #tpu.memory_space<vmem>>, vector<1x64xf32>
      %add3A = vector.broadcast %get3A_19 : vector<1x64xf32> to vector<6144x64xf32>
      %add3A_20 = arith.addf %dot_general3A_16, %add3A : vector<6144x64xf32>
      %get3A_21 = arith.constant 0 : index
      %get3A_22 = arith.constant 0 : index
      %get3A_23 = vector.load %arg7[%get3A_21, %get3A_22] : memref<64x128xf32, #tpu.memory_space<vmem>>, vector<64x128xf32>
      %convert_element_type3A_24 = arith.truncf %add3A_20 : vector<6144x64xf32> to vector<6144x64xbf16>
      %convert_element_type3A_25 = arith.truncf %get3A_23 : vector<64x128xf32> to vector<64x128xbf16>
      %dot_general3A_26 = arith.constant dense<0.000000e+00> : vector<6144x128xf32>
      %dot_general3A_27 = tpu.matmul %convert_element_type3A_24, %convert_element_type3A_25, %dot_general3A_26 {dimension_numbers = #tpu.dot_dimension_numbers<[1], [0], [0], [1], [0, 0, 1, 1], [], []>, transpose_lhs_hint = false} : vector<6144x64xbf16>, vector<64x128xbf16>, vector<6144x128xf32> -> vector<6144x128xf32>
      %reshape3A_28 = vector.shape_cast %dot_general3A_27 : vector<6144x128xf32> to vector<48x128x128xf32>
      %get3A_29 = arith.constant 0 : index
      %get3A_30 = arith.constant 0 : index
      %get3A_31 = vector.load %arg8[%get3A_29, %get3A_30] : memref<4x128xf32, #tpu.memory_space<vmem>>, vector<1x128xf32>
      %broadcast_in_dim3A = vector.shape_cast %get3A_31 : vector<1x128xf32> to vector<1x1x128xf32>
      %get3A_32 = arith.constant 1 : index
      %get3A_33 = arith.constant 0 : index
      %get3A_34 = vector.load %arg8[%get3A_32, %get3A_33] : memref<4x128xf32, #tpu.memory_space<vmem>>, vector<1x128xf32>
      %broadcast_in_dim3A_35 = vector.shape_cast %get3A_34 : vector<1x128xf32> to vector<1x1x128xf32>
      %get3A_36 = arith.constant 2 : index
      %get3A_37 = arith.constant 0 : index
      %get3A_38 = vector.load %arg8[%get3A_36, %get3A_37] : memref<4x128xf32, #tpu.memory_space<vmem>>, vector<1x128xf32>
      %broadcast_in_dim3A_39 = vector.shape_cast %get3A_38 : vector<1x128xf32> to vector<1x1x128xf32>
      %get3A_40 = arith.constant 3 : index
      %get3A_41 = arith.constant 0 : index
      %get3A_42 = vector.load %arg8[%get3A_40, %get3A_41] : memref<4x128xf32, #tpu.memory_space<vmem>>, vector<1x128xf32>
      %broadcast_in_dim3A_43 = vector.shape_cast %get3A_42 : vector<1x128xf32> to vector<1x1x128xf32>
      %mul3A_44 = vector.broadcast %broadcast_in_dim3A_43 : vector<1x1x128xf32> to vector<48x128x128xf32>
      %mul3A_45 = arith.mulf %reshape3A_28, %mul3A_44 : vector<48x128x128xf32>
      %broadcast_in_dim3A_46 = arith.constant 0.000000e+00 : f32
      %broadcast_in_dim3A_47 = vector.broadcast %broadcast_in_dim3A_46 : f32 to vector<1x128x128xf32>
      %slice3A = vector.extract_strided_slice %reshape3A_28 {offsets = [0, 0, 0], sizes = [47, 128, 128], strides = [1, 1, 1]} : vector<48x128x128xf32> to vector<47x128x128xf32>
      %concatenate3A = tpu.concatenate %broadcast_in_dim3A_47, %slice3A in 0 : vector<1x128x128xf32>, vector<47x128x128xf32> -> vector<48x128x128xf32>
      %mul3A_48 = vector.broadcast %broadcast_in_dim3A_39 : vector<1x1x128xf32> to vector<48x128x128xf32>
      %mul3A_49 = arith.mulf %concatenate3A, %mul3A_48 : vector<48x128x128xf32>
      %add3A_50 = arith.addf %mul3A_45, %mul3A_49 : vector<48x128x128xf32>
      %broadcast_in_dim3A_51 = arith.constant 0.000000e+00 : f32
      %broadcast_in_dim3A_52 = vector.broadcast %broadcast_in_dim3A_51 : f32 to vector<2x128x128xf32>
      %slice3A_53 = vector.extract_strided_slice %reshape3A_28 {offsets = [0, 0, 0], sizes = [46, 128, 128], strides = [1, 1, 1]} : vector<48x128x128xf32> to vector<46x128x128xf32>
      %concatenate3A_54 = tpu.concatenate %broadcast_in_dim3A_52, %slice3A_53 in 0 : vector<2x128x128xf32>, vector<46x128x128xf32> -> vector<48x128x128xf32>
      %mul3A_55 = vector.broadcast %broadcast_in_dim3A_35 : vector<1x1x128xf32> to vector<48x128x128xf32>
      %mul3A_56 = arith.mulf %concatenate3A_54, %mul3A_55 : vector<48x128x128xf32>
      %add3A_57 = arith.addf %add3A_50, %mul3A_56 : vector<48x128x128xf32>
      %broadcast_in_dim3A_58 = arith.constant 0.000000e+00 : f32
      %broadcast_in_dim3A_59 = vector.broadcast %broadcast_in_dim3A_58 : f32 to vector<3x128x128xf32>
      %slice3A_60 = vector.extract_strided_slice %reshape3A_28 {offsets = [0, 0, 0], sizes = [45, 128, 128], strides = [1, 1, 1]} : vector<48x128x128xf32> to vector<45x128x128xf32>
      %concatenate3A_61 = tpu.concatenate %broadcast_in_dim3A_59, %slice3A_60 in 0 : vector<3x128x128xf32>, vector<45x128x128xf32> -> vector<48x128x128xf32>
      %mul3A_62 = vector.broadcast %broadcast_in_dim3A : vector<1x1x128xf32> to vector<48x128x128xf32>
      %mul3A_63 = arith.mulf %concatenate3A_61, %mul3A_62 : vector<48x128x128xf32>
      %add3A_64 = arith.addf %add3A_57, %mul3A_63 : vector<48x128x128xf32>
      %logistic3A = arith.negf %add3A_64 : vector<48x128x128xf32>
      %logistic3A_65 = math.exp %logistic3A : vector<48x128x128xf32>
      %logistic3A_66 = arith.constant 1.000000e+00 : f32
      %logistic3A_67 = vector.broadcast %logistic3A_66 : f32 to vector<48x128x128xf32>
      %logistic3A_68 = arith.addf %logistic3A_67, %logistic3A_65 : vector<48x128x128xf32>
      %logistic3A_69 = arith.divf %logistic3A_67, %logistic3A_68 : vector<48x128x128xf32>
      %mul3A_70 = arith.mulf %add3A_64, %logistic3A_69 : vector<48x128x128xf32>
      %reshape3A_71 = vector.shape_cast %mul3A_70 : vector<48x128x128xf32> to vector<6144x128xf32>
      %get3A_72 = arith.constant 0 : index
      %get3A_73 = arith.constant 0 : index
      %get3A_74 = vector.load %arg9[%get3A_72, %get3A_73] : memref<128x64xf32, #tpu.memory_space<vmem>>, vector<128x64xf32>
      %convert_element_type3A_75 = arith.truncf %reshape3A_71 : vector<6144x128xf32> to vector<6144x128xbf16>
      %convert_element_type3A_76 = arith.truncf %get3A_74 : vector<128x64xf32> to vector<128x64xbf16>
      %dot_general3A_77 = arith.constant dense<0.000000e+00> : vector<6144x64xf32>
      %dot_general3A_78 = tpu.matmul %convert_element_type3A_75, %convert_element_type3A_76, %dot_general3A_77 {dimension_numbers = #tpu.dot_dimension_numbers<[1], [0], [0], [1], [0, 0, 1, 1], [], []>, transpose_lhs_hint = false} : vector<6144x128xbf16>, vector<128x64xbf16>, vector<6144x64xf32> -> vector<6144x64xf32>
      %add3A_79 = arith.addf %add3A_20, %dot_general3A_78 : vector<6144x64xf32>
      %reshape3A_80 = vector.shape_cast %add3A_79 : vector<6144x64xf32> to vector<48x128x64xf32>
      %slice3A_81 = vector.extract_strided_slice %reshape3A_80 {offsets = [0, 0, 0], sizes = [47, 128, 64], strides = [1, 1, 1]} : vector<48x128x64xf32> to vector<47x128x64xf32>
      %reduce_sum3A = arith.constant dense<0.000000e+00> : vector<128x64xf32>
      %reduce_sum3A_82 = vector.multi_reduction <add>, %slice3A_81, %reduce_sum3A [0] : vector<47x128x64xf32> to vector<128x64xf32>
      %mul3A_83 = arith.constant 0.0212765951 : f32
      %mul3A_84 = vector.broadcast %mul3A_83 : f32 to vector<128x64xf32>
      %mul3A_85 = arith.mulf %reduce_sum3A_82, %mul3A_84 : vector<128x64xf32>
      %get3A_86 = arith.constant 0 : index
      %get3A_87 = arith.constant 0 : index
      %get3A_88 = arith.constant 0 : index
      %get3A_89 = vector.load %arg3[%get3A_86, %get3A_87, %get3A_88] : memref<1x128x64xf32, #tpu.memory_space<vmem>>, vector<1x128x64xf32>
      %get3A_90 = vector.shape_cast %get3A_89 : vector<1x128x64xf32> to vector<128x64xf32>
      %add3A_91 = arith.addf %mul3A_85, %get3A_90 : vector<128x64xf32>
      %swap3A = arith.constant 0 : index
      %swap3A_92 = arith.constant 0 : index
      %swap3A_93 = arith.constant 0 : index
      %swap3A_94 = vector.load %arg11[%swap3A, %swap3A_92, %swap3A_93] : memref<1x128x64xf32, #tpu.memory_space<vmem>>, vector<1x128x64xf32>
      %swap3A_95 = vector.shape_cast %swap3A_94 : vector<1x128x64xf32> to vector<128x64xf32>
      %swap3A_96 = vector.shape_cast %add3A_91 : vector<128x64xf32> to vector<1x128x64xf32>
      tpu.vector_store %arg11[%swap3A, %swap3A_92, %swap3A_93], %swap3A_96 {strides = array<i32>} : memref<1x128x64xf32, #tpu.memory_space<vmem>>, vector<1x128x64xf32>,
      %convert_element_type3A_97 = arith.truncf %reshape3A_80 : vector<48x128x64xf32> to vector<48x128x64xbf16>
      %get3A_98 = arith.constant 0 : index
      %get3A_99 = arith.constant 0 : index
      %get3A_100 = vector.load %arg10[%get3A_98, %get3A_99] : memref<3008x24xf32, #tpu.memory_space<vmem>>, vector<3008x24xf32>
      %convert_element_type3A_101 = arith.truncf %get3A_100 : vector<3008x24xf32> to vector<3008x24xbf16>
      %slice3A_102 = vector.extract_strided_slice %convert_element_type3A_97 {offsets = [0, 0, 0], sizes = [1, 128, 64], strides = [1, 1, 1]} : vector<48x128x64xbf16> to vector<1x128x64xbf16>
      %squeeze3A = vector.shape_cast %slice3A_102 : vector<1x128x64xbf16> to vector<128x64xbf16>
      %slice3A_103 = vector.extract_strided_slice %convert_element_type3A_101 {offsets = [0, 0], sizes = [64, 24], strides = [1, 1]} : vector<3008x24xbf16> to vector<64x24xbf16>
      %dot_general3A_104 = arith.constant dense<0.000000e+00> : vector<128x24xf32>
      %dot_general3A_105 = tpu.matmul %squeeze3A, %slice3A_103, %dot_general3A_104 {dimension_numbers = #tpu.dot_dimension_numbers<[1], [0], [0], [1], [0, 0, 1, 1], [], []>, transpose_lhs_hint = false} : vector<128x64xbf16>, vector<64x24xbf16>, vector<128x24xf32> -> vector<128x24xf32>
      %slice3A_106 = vector.extract_strided_slice %convert_element_type3A_97 {offsets = [1, 0, 0], sizes = [1, 128, 64], strides = [1, 1, 1]} : vector<48x128x64xbf16> to vector<1x128x64xbf16>
      %squeeze3A_107 = vector.shape_cast %slice3A_106 : vector<1x128x64xbf16> to vector<128x64xbf16>
      %slice3A_108 = vector.extract_strided_slice %convert_element_type3A_101 {offsets = [64, 0], sizes = [64, 24], strides = [1, 1]} : vector<3008x24xbf16> to vector<64x24xbf16>
      %dot_general3A_109 = arith.constant dense<0.000000e+00> : vector<128x24xf32>
      %dot_general3A_110 = tpu.matmul %squeeze3A_107, %slice3A_108, %dot_general3A_109 {dimension_numbers = #tpu.dot_dimension_numbers<[1], [0], [0], [1], [0, 0, 1, 1], [], []>, transpose_lhs_hint = false} : vector<128x64xbf16>, vector<64x24xbf16>, vector<128x24xf32> -> vector<128x24xf32>
      %add3A_111 = arith.addf %dot_general3A_105, %dot_general3A_110 : vector<128x24xf32>
      %slice3A_112 = vector.extract_strided_slice %convert_element_type3A_97 {offsets = [2, 0, 0], sizes = [1, 128, 64], strides = [1, 1, 1]} : vector<48x128x64xbf16> to vector<1x128x64xbf16>
      %squeeze3A_113 = vector.shape_cast %slice3A_112 : vector<1x128x64xbf16> to vector<128x64xbf16>
      %slice3A_114 = vector.extract_strided_slice %convert_element_type3A_101 {offsets = [128, 0], sizes = [64, 24], strides = [1, 1]} : vector<3008x24xbf16> to vector<64x24xbf16>
      %dot_general3A_115 = arith.constant dense<0.000000e+00> : vector<128x24xf32>
      %dot_general3A_116 = tpu.matmul %squeeze3A_113, %slice3A_114, %dot_general3A_115 {dimension_numbers = #tpu.dot_dimension_numbers<[1], [0], [0], [1], [0, 0, 1, 1], [], []>, transpose_lhs_hint = false} : vector<128x64xbf16>, vector<64x24xbf16>, vector<128x24xf32> -> vector<128x24xf32>
      %add3A_117 = arith.addf %add3A_111, %dot_general3A_116 : vector<128x24xf32>
      %slice3A_118 = vector.extract_strided_slice %convert_element_type3A_97 {offsets = [3, 0, 0], sizes = [1, 128, 64], strides = [1, 1, 1]} : vector<48x128x64xbf16> to vector<1x128x64xbf16>
      %squeeze3A_119 = vector.shape_cast %slice3A_118 : vector<1x128x64xbf16> to vector<128x64xbf16>
      %slice3A_120 = vector.extract_strided_slice %convert_element_type3A_101 {offsets = [192, 0], sizes = [64, 24], strides = [1, 1]} : vector<3008x24xbf16> to vector<64x24xbf16>
      %dot_general3A_121 = arith.constant dense<0.000000e+00> : vector<128x24xf32>
      %dot_general3A_122 = tpu.matmul %squeeze3A_119, %slice3A_120, %dot_general3A_121 {dimension_numbers = #tpu.dot_dimension_numbers<[1], [0], [0], [1], [0, 0, 1, 1], [], []>, transpose_lhs_hint = false} : vector<128x64xbf16>, vector<64x24xbf16>, vector<128x24xf32> -> vector<128x24xf32>
      %add3A_123 = arith.addf %add3A_117, %dot_general3A_122 : vector<128x24xf32>
      %slice3A_124 = vector.extract_strided_slice %convert_element_type3A_97 {offsets = [4, 0, 0], sizes = [1, 128, 64], strides = [1, 1, 1]} : vector<48x128x64xbf16> to vector<1x128x64xbf16>
      %squeeze3A_125 = vector.shape_cast %slice3A_124 : vector<1x128x64xbf16> to vector<128x64xbf16>
      %slice3A_126 = vector.extract_strided_slice %convert_element_type3A_101 {offsets = [256, 0], sizes = [64, 24], strides = [1, 1]} : vector<3008x24xbf16> to vector<64x24xbf16>
      %dot_general3A_127 = arith.constant dense<0.000000e+00> : vector<128x24xf32>
      %dot_general3A_128 = tpu.matmul %squeeze3A_125, %slice3A_126, %dot_general3A_127 {dimension_numbers = #tpu.dot_dimension_numbers<[1], [0], [0], [1], [0, 0, 1, 1], [], []>, transpose_lhs_hint = false} : vector<128x64xbf16>, vector<64x24xbf16>, vector<128x24xf32> -> vector<128x24xf32>
      %add3A_129 = arith.addf %add3A_123, %dot_general3A_128 : vector<128x24xf32>
      %slice3A_130 = vector.extract_strided_slice %convert_element_type3A_97 {offsets = [5, 0, 0], sizes = [1, 128, 64], strides = [1, 1, 1]} : vector<48x128x64xbf16> to vector<1x128x64xbf16>
      %squeeze3A_131 = vector.shape_cast %slice3A_130 : vector<1x128x64xbf16> to vector<128x64xbf16>
      %slice3A_132 = vector.extract_strided_slice %convert_element_type3A_101 {offsets = [320, 0], sizes = [64, 24], strides = [1, 1]} : vector<3008x24xbf16> to vector<64x24xbf16>
      %dot_general3A_133 = arith.constant dense<0.000000e+00> : vector<128x24xf32>
      %dot_general3A_134 = tpu.matmul %squeeze3A_131, %slice3A_132, %dot_general3A_133 {dimension_numbers = #tpu.dot_dimension_numbers<[1], [0], [0], [1], [0, 0, 1, 1], [], []>, transpose_lhs_hint = false} : vector<128x64xbf16>, vector<64x24xbf16>, vector<128x24xf32> -> vector<128x24xf32>
      %add3A_135 = arith.addf %add3A_129, %dot_general3A_134 : vector<128x24xf32>
      %slice3A_136 = vector.extract_strided_slice %convert_element_type3A_97 {offsets = [6, 0, 0], sizes = [1, 128, 64], strides = [1, 1, 1]} : vector<48x128x64xbf16> to vector<1x128x64xbf16>
      %squeeze3A_137 = vector.shape_cast %slice3A_136 : vector<1x128x64xbf16> to vector<128x64xbf16>
      %slice3A_138 = vector.extract_strided_slice %convert_element_type3A_101 {offsets = [384, 0], sizes = [64, 24], strides = [1, 1]} : vector<3008x24xbf16> to vector<64x24xbf16>
      %dot_general3A_139 = arith.constant dense<0.000000e+00> : vector<128x24xf32>
      %dot_general3A_140 = tpu.matmul %squeeze3A_137, %slice3A_138, %dot_general3A_139 {dimension_numbers = #tpu.dot_dimension_numbers<[1], [0], [0], [1], [0, 0, 1, 1], [], []>, transpose_lhs_hint = false} : vector<128x64xbf16>, vector<64x24xbf16>, vector<128x24xf32> -> vector<128x24xf32>
      %add3A_141 = arith.addf %add3A_135, %dot_general3A_140 : vector<128x24xf32>
      %slice3A_142 = vector.extract_strided_slice %convert_element_type3A_97 {offsets = [7, 0, 0], sizes = [1, 128, 64], strides = [1, 1, 1]} : vector<48x128x64xbf16> to vector<1x128x64xbf16>
      %squeeze3A_143 = vector.shape_cast %slice3A_142 : vector<1x128x64xbf16> to vector<128x64xbf16>
      %slice3A_144 = vector.extract_strided_slice %convert_element_type3A_101 {offsets = [448, 0], sizes = [64, 24], strides = [1, 1]} : vector<3008x24xbf16> to vector<64x24xbf16>
      %dot_general3A_145 = arith.constant dense<0.000000e+00> : vector<128x24xf32>
      %dot_general3A_146 = tpu.matmul %squeeze3A_143, %slice3A_144, %dot_general3A_145 {dimension_numbers = #tpu.dot_dimension_numbers<[1], [0], [0], [1], [0, 0, 1, 1], [], []>, transpose_lhs_hint = false} : vector<128x64xbf16>, vector<64x24xbf16>, vector<128x24xf32> -> vector<128x24xf32>
      %add3A_147 = arith.addf %add3A_141, %dot_general3A_146 : vector<128x24xf32>
      %slice3A_148 = vector.extract_strided_slice %convert_element_type3A_97 {offsets = [8, 0, 0], sizes = [1, 128, 64], strides = [1, 1, 1]} : vector<48x128x64xbf16> to vector<1x128x64xbf16>
      %squeeze3A_149 = vector.shape_cast %slice3A_148 : vector<1x128x64xbf16> to vector<128x64xbf16>
      %slice3A_150 = vector.extract_strided_slice %convert_element_type3A_101 {offsets = [512, 0], sizes = [64, 24], strides = [1, 1]} : vector<3008x24xbf16> to vector<64x24xbf16>
      %dot_general3A_151 = arith.constant dense<0.000000e+00> : vector<128x24xf32>
      %dot_general3A_152 = tpu.matmul %squeeze3A_149, %slice3A_150, %dot_general3A_151 {dimension_numbers = #tpu.dot_dimension_numbers<[1], [0], [0], [1], [0, 0, 1, 1], [], []>, transpose_lhs_hint = false} : vector<128x64xbf16>, vector<64x24xbf16>, vector<128x24xf32> -> vector<128x24xf32>
      %add3A_153 = arith.addf %add3A_147, %dot_general3A_152 : vector<128x24xf32>
      %slice3A_154 = vector.extract_strided_slice %convert_element_type3A_97 {offsets = [9, 0, 0], sizes = [1, 128, 64], strides = [1, 1, 1]} : vector<48x128x64xbf16> to vector<1x128x64xbf16>
      %squeeze3A_155 = vector.shape_cast %slice3A_154 : vector<1x128x64xbf16> to vector<128x64xbf16>
      %slice3A_156 = vector.extract_strided_slice %convert_element_type3A_101 {offsets = [576, 0], sizes = [64, 24], strides = [1, 1]} : vector<3008x24xbf16> to vector<64x24xbf16>
      %dot_general3A_157 = arith.constant dense<0.000000e+00> : vector<128x24xf32>
      %dot_general3A_158 = tpu.matmul %squeeze3A_155, %slice3A_156, %dot_general3A_157 {dimension_numbers = #tpu.dot_dimension_numbers<[1], [0], [0], [1], [0, 0, 1, 1], [], []>, transpose_lhs_hint = false} : vector<128x64xbf16>, vector<64x24xbf16>, vector<128x24xf32> -> vector<128x24xf32>
      %add3A_159 = arith.addf %add3A_153, %dot_general3A_158 : vector<128x24xf32>
      %slice3A_160 = vector.extract_strided_slice %convert_element_type3A_97 {offsets = [10, 0, 0], sizes = [1, 128, 64], strides = [1, 1, 1]} : vector<48x128x64xbf16> to vector<1x128x64xbf16>
      %squeeze3A_161 = vector.shape_cast %slice3A_160 : vector<1x128x64xbf16> to vector<128x64xbf16>
      %slice3A_162 = vector.extract_strided_slice %convert_element_type3A_101 {offsets = [640, 0], sizes = [64, 24], strides = [1, 1]} : vector<3008x24xbf16> to vector<64x24xbf16>
      %dot_general3A_163 = arith.constant dense<0.000000e+00> : vector<128x24xf32>
      %dot_general3A_164 = tpu.matmul %squeeze3A_161, %slice3A_162, %dot_general3A_163 {dimension_numbers = #tpu.dot_dimension_numbers<[1], [0], [0], [1], [0, 0, 1, 1], [], []>, transpose_lhs_hint = false} : vector<128x64xbf16>, vector<64x24xbf16>, vector<128x24xf32> -> vector<128x24xf32>
      %add3A_165 = arith.addf %add3A_159, %dot_general3A_164 : vector<128x24xf32>
      %slice3A_166 = vector.extract_strided_slice %convert_element_type3A_97 {offsets = [11, 0, 0], sizes = [1, 128, 64], strides = [1, 1, 1]} : vector<48x128x64xbf16> to vector<1x128x64xbf16>
      %squeeze3A_167 = vector.shape_cast %slice3A_166 : vector<1x128x64xbf16> to vector<128x64xbf16>
      %slice3A_168 = vector.extract_strided_slice %convert_element_type3A_101 {offsets = [704, 0], sizes = [64, 24], strides = [1, 1]} : vector<3008x24xbf16> to vector<64x24xbf16>
      %dot_general3A_169 = arith.constant dense<0.000000e+00> : vector<128x24xf32>
      %dot_general3A_170 = tpu.matmul %squeeze3A_167, %slice3A_168, %dot_general3A_169 {dimension_numbers = #tpu.dot_dimension_numbers<[1], [0], [0], [1], [0, 0, 1, 1], [], []>, transpose_lhs_hint = false} : vector<128x64xbf16>, vector<64x24xbf16>, vector<128x24xf32> -> vector<128x24xf32>
      %add3A_171 = arith.addf %add3A_165, %dot_general3A_170 : vector<128x24xf32>
      %slice3A_172 = vector.extract_strided_slice %convert_element_type3A_97 {offsets = [12, 0, 0], sizes = [1, 128, 64], strides = [1, 1, 1]} : vector<48x128x64xbf16> to vector<1x128x64xbf16>
      %squeeze3A_173 = vector.shape_cast %slice3A_172 : vector<1x128x64xbf16> to vector<128x64xbf16>
      %slice3A_174 = vector.extract_strided_slice %convert_element_type3A_101 {offsets = [768, 0], sizes = [64, 24], strides = [1, 1]} : vector<3008x24xbf16> to vector<64x24xbf16>
      %dot_general3A_175 = arith.constant dense<0.000000e+00> : vector<128x24xf32>
      %dot_general3A_176 = tpu.matmul %squeeze3A_173, %slice3A_174, %dot_general3A_175 {dimension_numbers = #tpu.dot_dimension_numbers<[1], [0], [0], [1], [0, 0, 1, 1], [], []>, transpose_lhs_hint = false} : vector<128x64xbf16>, vector<64x24xbf16>, vector<128x24xf32> -> vector<128x24xf32>
      %add3A_177 = arith.addf %add3A_171, %dot_general3A_176 : vector<128x24xf32>
      %slice3A_178 = vector.extract_strided_slice %convert_element_type3A_97 {offsets = [13, 0, 0], sizes = [1, 128, 64], strides = [1, 1, 1]} : vector<48x128x64xbf16> to vector<1x128x64xbf16>
      %squeeze3A_179 = vector.shape_cast %slice3A_178 : vector<1x128x64xbf16> to vector<128x64xbf16>
      %slice3A_180 = vector.extract_strided_slice %convert_element_type3A_101 {offsets = [832, 0], sizes = [64, 24], strides = [1, 1]} : vector<3008x24xbf16> to vector<64x24xbf16>
      %dot_general3A_181 = arith.constant dense<0.000000e+00> : vector<128x24xf32>
      %dot_general3A_182 = tpu.matmul %squeeze3A_179, %slice3A_180, %dot_general3A_181 {dimension_numbers = #tpu.dot_dimension_numbers<[1], [0], [0], [1], [0, 0, 1, 1], [], []>, transpose_lhs_hint = false} : vector<128x64xbf16>, vector<64x24xbf16>, vector<128x24xf32> -> vector<128x24xf32>
      %add3A_183 = arith.addf %add3A_177, %dot_general3A_182 : vector<128x24xf32>
      %slice3A_184 = vector.extract_strided_slice %convert_element_type3A_97 {offsets = [14, 0, 0], sizes = [1, 128, 64], strides = [1, 1, 1]} : vector<48x128x64xbf16> to vector<1x128x64xbf16>
      %squeeze3A_185 = vector.shape_cast %slice3A_184 : vector<1x128x64xbf16> to vector<128x64xbf16>
      %slice3A_186 = vector.extract_strided_slice %convert_element_type3A_101 {offsets = [896, 0], sizes = [64, 24], strides = [1, 1]} : vector<3008x24xbf16> to vector<64x24xbf16>
      %dot_general3A_187 = arith.constant dense<0.000000e+00> : vector<128x24xf32>
      %dot_general3A_188 = tpu.matmul %squeeze3A_185, %slice3A_186, %dot_general3A_187 {dimension_numbers = #tpu.dot_dimension_numbers<[1], [0], [0], [1], [0, 0, 1, 1], [], []>, transpose_lhs_hint = false} : vector<128x64xbf16>, vector<64x24xbf16>, vector<128x24xf32> -> vector<128x24xf32>
      %add3A_189 = arith.addf %add3A_183, %dot_general3A_188 : vector<128x24xf32>
      %slice3A_190 = vector.extract_strided_slice %convert_element_type3A_97 {offsets = [15, 0, 0], sizes = [1, 128, 64], strides = [1, 1, 1]} : vector<48x128x64xbf16> to vector<1x128x64xbf16>
      %squeeze3A_191 = vector.shape_cast %slice3A_190 : vector<1x128x64xbf16> to vector<128x64xbf16>
      %slice3A_192 = vector.extract_strided_slice %convert_element_type3A_101 {offsets = [960, 0], sizes = [64, 24], strides = [1, 1]} : vector<3008x24xbf16> to vector<64x24xbf16>
      %dot_general3A_193 = arith.constant dense<0.000000e+00> : vector<128x24xf32>
      %dot_general3A_194 = tpu.matmul %squeeze3A_191, %slice3A_192, %dot_general3A_193 {dimension_numbers = #tpu.dot_dimension_numbers<[1], [0], [0], [1], [0, 0, 1, 1], [], []>, transpose_lhs_hint = false} : vector<128x64xbf16>, vector<64x24xbf16>, vector<128x24xf32> -> vector<128x24xf32>
      %add3A_195 = arith.addf %add3A_189, %dot_general3A_194 : vector<128x24xf32>
      %slice3A_196 = vector.extract_strided_slice %convert_element_type3A_97 {offsets = [16, 0, 0], sizes = [1, 128, 64], strides = [1, 1, 1]} : vector<48x128x64xbf16> to vector<1x128x64xbf16>
      %squeeze3A_197 = vector.shape_cast %slice3A_196 : vector<1x128x64xbf16> to vector<128x64xbf16>
      %slice3A_198 = vector.extract_strided_slice %convert_element_type3A_101 {offsets = [1024, 0], sizes = [64, 24], strides = [1, 1]} : vector<3008x24xbf16> to vector<64x24xbf16>
      %dot_general3A_199 = arith.constant dense<0.000000e+00> : vector<128x24xf32>
      %dot_general3A_200 = tpu.matmul %squeeze3A_197, %slice3A_198, %dot_general3A_199 {dimension_numbers = #tpu.dot_dimension_numbers<[1], [0], [0], [1], [0, 0, 1, 1], [], []>, transpose_lhs_hint = false} : vector<128x64xbf16>, vector<64x24xbf16>, vector<128x24xf32> -> vector<128x24xf32>
      %add3A_201 = arith.addf %add3A_195, %dot_general3A_200 : vector<128x24xf32>
      %slice3A_202 = vector.extract_strided_slice %convert_element_type3A_97 {offsets = [17, 0, 0], sizes = [1, 128, 64], strides = [1, 1, 1]} : vector<48x128x64xbf16> to vector<1x128x64xbf16>
      %squeeze3A_203 = vector.shape_cast %slice3A_202 : vector<1x128x64xbf16> to vector<128x64xbf16>
      %slice3A_204 = vector.extract_strided_slice %convert_element_type3A_101 {offsets = [1088, 0], sizes = [64, 24], strides = [1, 1]} : vector<3008x24xbf16> to vector<64x24xbf16>
      %dot_general3A_205 = arith.constant dense<0.000000e+00> : vector<128x24xf32>
      %dot_general3A_206 = tpu.matmul %squeeze3A_203, %slice3A_204, %dot_general3A_205 {dimension_numbers = #tpu.dot_dimension_numbers<[1], [0], [0], [1], [0, 0, 1, 1], [], []>, transpose_lhs_hint = false} : vector<128x64xbf16>, vector<64x24xbf16>, vector<128x24xf32> -> vector<128x24xf32>
      %add3A_207 = arith.addf %add3A_201, %dot_general3A_206 : vector<128x24xf32>
      %slice3A_208 = vector.extract_strided_slice %convert_element_type3A_97 {offsets = [18, 0, 0], sizes = [1, 128, 64], strides = [1, 1, 1]} : vector<48x128x64xbf16> to vector<1x128x64xbf16>
      %squeeze3A_209 = vector.shape_cast %slice3A_208 : vector<1x128x64xbf16> to vector<128x64xbf16>
      %slice3A_210 = vector.extract_strided_slice %convert_element_type3A_101 {offsets = [1152, 0], sizes = [64, 24], strides = [1, 1]} : vector<3008x24xbf16> to vector<64x24xbf16>
      %dot_general3A_211 = arith.constant dense<0.000000e+00> : vector<128x24xf32>
      %dot_general3A_212 = tpu.matmul %squeeze3A_209, %slice3A_210, %dot_general3A_211 {dimension_numbers = #tpu.dot_dimension_numbers<[1], [0], [0], [1], [0, 0, 1, 1], [], []>, transpose_lhs_hint = false} : vector<128x64xbf16>, vector<64x24xbf16>, vector<128x24xf32> -> vector<128x24xf32>
      %add3A_213 = arith.addf %add3A_207, %dot_general3A_212 : vector<128x24xf32>
      %slice3A_214 = vector.extract_strided_slice %convert_element_type3A_97 {offsets = [19, 0, 0], sizes = [1, 128, 64], strides = [1, 1, 1]} : vector<48x128x64xbf16> to vector<1x128x64xbf16>
      %squeeze3A_215 = vector.shape_cast %slice3A_214 : vector<1x128x64xbf16> to vector<128x64xbf16>
      %slice3A_216 = vector.extract_strided_slice %convert_element_type3A_101 {offsets = [1216, 0], sizes = [64, 24], strides = [1, 1]} : vector<3008x24xbf16> to vector<64x24xbf16>
      %dot_general3A_217 = arith.constant dense<0.000000e+00> : vector<128x24xf32>
      %dot_general3A_218 = tpu.matmul %squeeze3A_215, %slice3A_216, %dot_general3A_217 {dimension_numbers = #tpu.dot_dimension_numbers<[1], [0], [0], [1], [0, 0, 1, 1], [], []>, transpose_lhs_hint = false} : vector<128x64xbf16>, vector<64x24xbf16>, vector<128x24xf32> -> vector<128x24xf32>
      %add3A_219 = arith.addf %add3A_213, %dot_general3A_218 : vector<128x24xf32>
      %slice3A_220 = vector.extract_strided_slice %convert_element_type3A_97 {offsets = [20, 0, 0], sizes = [1, 128, 64], strides = [1, 1, 1]} : vector<48x128x64xbf16> to vector<1x128x64xbf16>
      %squeeze3A_221 = vector.shape_cast %slice3A_220 : vector<1x128x64xbf16> to vector<128x64xbf16>
      %slice3A_222 = vector.extract_strided_slice %convert_element_type3A_101 {offsets = [1280, 0], sizes = [64, 24], strides = [1, 1]} : vector<3008x24xbf16> to vector<64x24xbf16>
      %dot_general3A_223 = arith.constant dense<0.000000e+00> : vector<128x24xf32>
      %dot_general3A_224 = tpu.matmul %squeeze3A_221, %slice3A_222, %dot_general3A_223 {dimension_numbers = #tpu.dot_dimension_numbers<[1], [0], [0], [1], [0, 0, 1, 1], [], []>, transpose_lhs_hint = false} : vector<128x64xbf16>, vector<64x24xbf16>, vector<128x24xf32> -> vector<128x24xf32>
      %add3A_225 = arith.addf %add3A_219, %dot_general3A_224 : vector<128x24xf32>
      %slice3A_226 = vector.extract_strided_slice %convert_element_type3A_97 {offsets = [21, 0, 0], sizes = [1, 128, 64], strides = [1, 1, 1]} : vector<48x128x64xbf16> to vector<1x128x64xbf16>
      %squeeze3A_227 = vector.shape_cast %slice3A_226 : vector<1x128x64xbf16> to vector<128x64xbf16>
      %slice3A_228 = vector.extract_strided_slice %convert_element_type3A_101 {offsets = [1344, 0], sizes = [64, 24], strides = [1, 1]} : vector<3008x24xbf16> to vector<64x24xbf16>
      %dot_general3A_229 = arith.constant dense<0.000000e+00> : vector<128x24xf32>
      %dot_general3A_230 = tpu.matmul %squeeze3A_227, %slice3A_228, %dot_general3A_229 {dimension_numbers = #tpu.dot_dimension_numbers<[1], [0], [0], [1], [0, 0, 1, 1], [], []>, transpose_lhs_hint = false} : vector<128x64xbf16>, vector<64x24xbf16>, vector<128x24xf32> -> vector<128x24xf32>
      %add3A_231 = arith.addf %add3A_225, %dot_general3A_230 : vector<128x24xf32>
      %slice3A_232 = vector.extract_strided_slice %convert_element_type3A_97 {offsets = [22, 0, 0], sizes = [1, 128, 64], strides = [1, 1, 1]} : vector<48x128x64xbf16> to vector<1x128x64xbf16>
      %squeeze3A_233 = vector.shape_cast %slice3A_232 : vector<1x128x64xbf16> to vector<128x64xbf16>
      %slice3A_234 = vector.extract_strided_slice %convert_element_type3A_101 {offsets = [1408, 0], sizes = [64, 24], strides = [1, 1]} : vector<3008x24xbf16> to vector<64x24xbf16>
      %dot_general3A_235 = arith.constant dense<0.000000e+00> : vector<128x24xf32>
      %dot_general3A_236 = tpu.matmul %squeeze3A_233, %slice3A_234, %dot_general3A_235 {dimension_numbers = #tpu.dot_dimension_numbers<[1], [0], [0], [1], [0, 0, 1, 1], [], []>, transpose_lhs_hint = false} : vector<128x64xbf16>, vector<64x24xbf16>, vector<128x24xf32> -> vector<128x24xf32>
      %add3A_237 = arith.addf %add3A_231, %dot_general3A_236 : vector<128x24xf32>
      %slice3A_238 = vector.extract_strided_slice %convert_element_type3A_97 {offsets = [23, 0, 0], sizes = [1, 128, 64], strides = [1, 1, 1]} : vector<48x128x64xbf16> to vector<1x128x64xbf16>
      %squeeze3A_239 = vector.shape_cast %slice3A_238 : vector<1x128x64xbf16> to vector<128x64xbf16>
      %slice3A_240 = vector.extract_strided_slice %convert_element_type3A_101 {offsets = [1472, 0], sizes = [64, 24], strides = [1, 1]} : vector<3008x24xbf16> to vector<64x24xbf16>
      %dot_general3A_241 = arith.constant dense<0.000000e+00> : vector<128x24xf32>
      %dot_general3A_242 = tpu.matmul %squeeze3A_239, %slice3A_240, %dot_general3A_241 {dimension_numbers = #tpu.dot_dimension_numbers<[1], [0], [0], [1], [0, 0, 1, 1], [], []>, transpose_lhs_hint = false} : vector<128x64xbf16>, vector<64x24xbf16>, vector<128x24xf32> -> vector<128x24xf32>
      %add3A_243 = arith.addf %add3A_237, %dot_general3A_242 : vector<128x24xf32>
      %slice3A_244 = vector.extract_strided_slice %convert_element_type3A_97 {offsets = [24, 0, 0], sizes = [1, 128, 64], strides = [1, 1, 1]} : vector<48x128x64xbf16> to vector<1x128x64xbf16>
      %squeeze3A_245 = vector.shape_cast %slice3A_244 : vector<1x128x64xbf16> to vector<128x64xbf16>
      %slice3A_246 = vector.extract_strided_slice %convert_element_type3A_101 {offsets = [1536, 0], sizes = [64, 24], strides = [1, 1]} : vector<3008x24xbf16> to vector<64x24xbf16>
      %dot_general3A_247 = arith.constant dense<0.000000e+00> : vector<128x24xf32>
      %dot_general3A_248 = tpu.matmul %squeeze3A_245, %slice3A_246, %dot_general3A_247 {dimension_numbers = #tpu.dot_dimension_numbers<[1], [0], [0], [1], [0, 0, 1, 1], [], []>, transpose_lhs_hint = false} : vector<128x64xbf16>, vector<64x24xbf16>, vector<128x24xf32> -> vector<128x24xf32>
      %add3A_249 = arith.addf %add3A_243, %dot_general3A_248 : vector<128x24xf32>
      %slice3A_250 = vector.extract_strided_slice %convert_element_type3A_97 {offsets = [25, 0, 0], sizes = [1, 128, 64], strides = [1, 1, 1]} : vector<48x128x64xbf16> to vector<1x128x64xbf16>
      %squeeze3A_251 = vector.shape_cast %slice3A_250 : vector<1x128x64xbf16> to vector<128x64xbf16>
      %slice3A_252 = vector.extract_strided_slice %convert_element_type3A_101 {offsets = [1600, 0], sizes = [64, 24], strides = [1, 1]} : vector<3008x24xbf16> to vector<64x24xbf16>
      %dot_general3A_253 = arith.constant dense<0.000000e+00> : vector<128x24xf32>
      %dot_general3A_254 = tpu.matmul %squeeze3A_251, %slice3A_252, %dot_general3A_253 {dimension_numbers = #tpu.dot_dimension_numbers<[1], [0], [0], [1], [0, 0, 1, 1], [], []>, transpose_lhs_hint = false} : vector<128x64xbf16>, vector<64x24xbf16>, vector<128x24xf32> -> vector<128x24xf32>
      %add3A_255 = arith.addf %add3A_249, %dot_general3A_254 : vector<128x24xf32>
      %slice3A_256 = vector.extract_strided_slice %convert_element_type3A_97 {offsets = [26, 0, 0], sizes = [1, 128, 64], strides = [1, 1, 1]} : vector<48x128x64xbf16> to vector<1x128x64xbf16>
      %squeeze3A_257 = vector.shape_cast %slice3A_256 : vector<1x128x64xbf16> to vector<128x64xbf16>
      %slice3A_258 = vector.extract_strided_slice %convert_element_type3A_101 {offsets = [1664, 0], sizes = [64, 24], strides = [1, 1]} : vector<3008x24xbf16> to vector<64x24xbf16>
      %dot_general3A_259 = arith.constant dense<0.000000e+00> : vector<128x24xf32>
      %dot_general3A_260 = tpu.matmul %squeeze3A_257, %slice3A_258, %dot_general3A_259 {dimension_numbers = #tpu.dot_dimension_numbers<[1], [0], [0], [1], [0, 0, 1, 1], [], []>, transpose_lhs_hint = false} : vector<128x64xbf16>, vector<64x24xbf16>, vector<128x24xf32> -> vector<128x24xf32>
      %add3A_261 = arith.addf %add3A_255, %dot_general3A_260 : vector<128x24xf32>
      %slice3A_262 = vector.extract_strided_slice %convert_element_type3A_97 {offsets = [27, 0, 0], sizes = [1, 128, 64], strides = [1, 1, 1]} : vector<48x128x64xbf16> to vector<1x128x64xbf16>
      %squeeze3A_263 = vector.shape_cast %slice3A_262 : vector<1x128x64xbf16> to vector<128x64xbf16>
      %slice3A_264 = vector.extract_strided_slice %convert_element_type3A_101 {offsets = [1728, 0], sizes = [64, 24], strides = [1, 1]} : vector<3008x24xbf16> to vector<64x24xbf16>
      %dot_general3A_265 = arith.constant dense<0.000000e+00> : vector<128x24xf32>
      %dot_general3A_266 = tpu.matmul %squeeze3A_263, %slice3A_264, %dot_general3A_265 {dimension_numbers = #tpu.dot_dimension_numbers<[1], [0], [0], [1], [0, 0, 1, 1], [], []>, transpose_lhs_hint = false} : vector<128x64xbf16>, vector<64x24xbf16>, vector<128x24xf32> -> vector<128x24xf32>
      %add3A_267 = arith.addf %add3A_261, %dot_general3A_266 : vector<128x24xf32>
      %slice3A_268 = vector.extract_strided_slice %convert_element_type3A_97 {offsets = [28, 0, 0], sizes = [1, 128, 64], strides = [1, 1, 1]} : vector<48x128x64xbf16> to vector<1x128x64xbf16>
      %squeeze3A_269 = vector.shape_cast %slice3A_268 : vector<1x128x64xbf16> to vector<128x64xbf16>
      %slice3A_270 = vector.extract_strided_slice %convert_element_type3A_101 {offsets = [1792, 0], sizes = [64, 24], strides = [1, 1]} : vector<3008x24xbf16> to vector<64x24xbf16>
      %dot_general3A_271 = arith.constant dense<0.000000e+00> : vector<128x24xf32>
      %dot_general3A_272 = tpu.matmul %squeeze3A_269, %slice3A_270, %dot_general3A_271 {dimension_numbers = #tpu.dot_dimension_numbers<[1], [0], [0], [1], [0, 0, 1, 1], [], []>, transpose_lhs_hint = false} : vector<128x64xbf16>, vector<64x24xbf16>, vector<128x24xf32> -> vector<128x24xf32>
      %add3A_273 = arith.addf %add3A_267, %dot_general3A_272 : vector<128x24xf32>
      %slice3A_274 = vector.extract_strided_slice %convert_element_type3A_97 {offsets = [29, 0, 0], sizes = [1, 128, 64], strides = [1, 1, 1]} : vector<48x128x64xbf16> to vector<1x128x64xbf16>
      %squeeze3A_275 = vector.shape_cast %slice3A_274 : vector<1x128x64xbf16> to vector<128x64xbf16>
      %slice3A_276 = vector.extract_strided_slice %convert_element_type3A_101 {offsets = [1856, 0], sizes = [64, 24], strides = [1, 1]} : vector<3008x24xbf16> to vector<64x24xbf16>
      %dot_general3A_277 = arith.constant dense<0.000000e+00> : vector<128x24xf32>
      %dot_general3A_278 = tpu.matmul %squeeze3A_275, %slice3A_276, %dot_general3A_277 {dimension_numbers = #tpu.dot_dimension_numbers<[1], [0], [0], [1], [0, 0, 1, 1], [], []>, transpose_lhs_hint = false} : vector<128x64xbf16>, vector<64x24xbf16>, vector<128x24xf32> -> vector<128x24xf32>
      %add3A_279 = arith.addf %add3A_273, %dot_general3A_278 : vector<128x24xf32>
      %slice3A_280 = vector.extract_strided_slice %convert_element_type3A_97 {offsets = [30, 0, 0], sizes = [1, 128, 64], strides = [1, 1, 1]} : vector<48x128x64xbf16> to vector<1x128x64xbf16>
      %squeeze3A_281 = vector.shape_cast %slice3A_280 : vector<1x128x64xbf16> to vector<128x64xbf16>
      %slice3A_282 = vector.extract_strided_slice %convert_element_type3A_101 {offsets = [1920, 0], sizes = [64, 24], strides = [1, 1]} : vector<3008x24xbf16> to vector<64x24xbf16>
      %dot_general3A_283 = arith.constant dense<0.000000e+00> : vector<128x24xf32>
      %dot_general3A_284 = tpu.matmul %squeeze3A_281, %slice3A_282, %dot_general3A_283 {dimension_numbers = #tpu.dot_dimension_numbers<[1], [0], [0], [1], [0, 0, 1, 1], [], []>, transpose_lhs_hint = false} : vector<128x64xbf16>, vector<64x24xbf16>, vector<128x24xf32> -> vector<128x24xf32>
      %add3A_285 = arith.addf %add3A_279, %dot_general3A_284 : vector<128x24xf32>
      %slice3A_286 = vector.extract_strided_slice %convert_element_type3A_97 {offsets = [31, 0, 0], sizes = [1, 128, 64], strides = [1, 1, 1]} : vector<48x128x64xbf16> to vector<1x128x64xbf16>
      %squeeze3A_287 = vector.shape_cast %slice3A_286 : vector<1x128x64xbf16> to vector<128x64xbf16>
      %slice3A_288 = vector.extract_strided_slice %convert_element_type3A_101 {offsets = [1984, 0], sizes = [64, 24], strides = [1, 1]} : vector<3008x24xbf16> to vector<64x24xbf16>
      %dot_general3A_289 = arith.constant dense<0.000000e+00> : vector<128x24xf32>
      %dot_general3A_290 = tpu.matmul %squeeze3A_287, %slice3A_288, %dot_general3A_289 {dimension_numbers = #tpu.dot_dimension_numbers<[1], [0], [0], [1], [0, 0, 1, 1], [], []>, transpose_lhs_hint = false} : vector<128x64xbf16>, vector<64x24xbf16>, vector<128x24xf32> -> vector<128x24xf32>
      %add3A_291 = arith.addf %add3A_285, %dot_general3A_290 : vector<128x24xf32>
      %slice3A_292 = vector.extract_strided_slice %convert_element_type3A_97 {offsets = [32, 0, 0], sizes = [1, 128, 64], strides = [1, 1, 1]} : vector<48x128x64xbf16> to vector<1x128x64xbf16>
      %squeeze3A_293 = vector.shape_cast %slice3A_292 : vector<1x128x64xbf16> to vector<128x64xbf16>
      %slice3A_294 = vector.extract_strided_slice %convert_element_type3A_101 {offsets = [2048, 0], sizes = [64, 24], strides = [1, 1]} : vector<3008x24xbf16> to vector<64x24xbf16>
      %dot_general3A_295 = arith.constant dense<0.000000e+00> : vector<128x24xf32>
      %dot_general3A_296 = tpu.matmul %squeeze3A_293, %slice3A_294, %dot_general3A_295 {dimension_numbers = #tpu.dot_dimension_numbers<[1], [0], [0], [1], [0, 0, 1, 1], [], []>, transpose_lhs_hint = false} : vector<128x64xbf16>, vector<64x24xbf16>, vector<128x24xf32> -> vector<128x24xf32>
      %add3A_297 = arith.addf %add3A_291, %dot_general3A_296 : vector<128x24xf32>
      %slice3A_298 = vector.extract_strided_slice %convert_element_type3A_97 {offsets = [33, 0, 0], sizes = [1, 128, 64], strides = [1, 1, 1]} : vector<48x128x64xbf16> to vector<1x128x64xbf16>
      %squeeze3A_299 = vector.shape_cast %slice3A_298 : vector<1x128x64xbf16> to vector<128x64xbf16>
      %slice3A_300 = vector.extract_strided_slice %convert_element_type3A_101 {offsets = [2112, 0], sizes = [64, 24], strides = [1, 1]} : vector<3008x24xbf16> to vector<64x24xbf16>
      %dot_general3A_301 = arith.constant dense<0.000000e+00> : vector<128x24xf32>
      %dot_general3A_302 = tpu.matmul %squeeze3A_299, %slice3A_300, %dot_general3A_301 {dimension_numbers = #tpu.dot_dimension_numbers<[1], [0], [0], [1], [0, 0, 1, 1], [], []>, transpose_lhs_hint = false} : vector<128x64xbf16>, vector<64x24xbf16>, vector<128x24xf32> -> vector<128x24xf32>
      %add3A_303 = arith.addf %add3A_297, %dot_general3A_302 : vector<128x24xf32>
      %slice3A_304 = vector.extract_strided_slice %convert_element_type3A_97 {offsets = [34, 0, 0], sizes = [1, 128, 64], strides = [1, 1, 1]} : vector<48x128x64xbf16> to vector<1x128x64xbf16>
      %squeeze3A_305 = vector.shape_cast %slice3A_304 : vector<1x128x64xbf16> to vector<128x64xbf16>
      %slice3A_306 = vector.extract_strided_slice %convert_element_type3A_101 {offsets = [2176, 0], sizes = [64, 24], strides = [1, 1]} : vector<3008x24xbf16> to vector<64x24xbf16>
      %dot_general3A_307 = arith.constant dense<0.000000e+00> : vector<128x24xf32>
      %dot_general3A_308 = tpu.matmul %squeeze3A_305, %slice3A_306, %dot_general3A_307 {dimension_numbers = #tpu.dot_dimension_numbers<[1], [0], [0], [1], [0, 0, 1, 1], [], []>, transpose_lhs_hint = false} : vector<128x64xbf16>, vector<64x24xbf16>, vector<128x24xf32> -> vector<128x24xf32>
      %add3A_309 = arith.addf %add3A_303, %dot_general3A_308 : vector<128x24xf32>
      %slice3A_310 = vector.extract_strided_slice %convert_element_type3A_97 {offsets = [35, 0, 0], sizes = [1, 128, 64], strides = [1, 1, 1]} : vector<48x128x64xbf16> to vector<1x128x64xbf16>
      %squeeze3A_311 = vector.shape_cast %slice3A_310 : vector<1x128x64xbf16> to vector<128x64xbf16>
      %slice3A_312 = vector.extract_strided_slice %convert_element_type3A_101 {offsets = [2240, 0], sizes = [64, 24], strides = [1, 1]} : vector<3008x24xbf16> to vector<64x24xbf16>
      %dot_general3A_313 = arith.constant dense<0.000000e+00> : vector<128x24xf32>
      %dot_general3A_314 = tpu.matmul %squeeze3A_311, %slice3A_312, %dot_general3A_313 {dimension_numbers = #tpu.dot_dimension_numbers<[1], [0], [0], [1], [0, 0, 1, 1], [], []>, transpose_lhs_hint = false} : vector<128x64xbf16>, vector<64x24xbf16>, vector<128x24xf32> -> vector<128x24xf32>
      %add3A_315 = arith.addf %add3A_309, %dot_general3A_314 : vector<128x24xf32>
      %slice3A_316 = vector.extract_strided_slice %convert_element_type3A_97 {offsets = [36, 0, 0], sizes = [1, 128, 64], strides = [1, 1, 1]} : vector<48x128x64xbf16> to vector<1x128x64xbf16>
      %squeeze3A_317 = vector.shape_cast %slice3A_316 : vector<1x128x64xbf16> to vector<128x64xbf16>
      %slice3A_318 = vector.extract_strided_slice %convert_element_type3A_101 {offsets = [2304, 0], sizes = [64, 24], strides = [1, 1]} : vector<3008x24xbf16> to vector<64x24xbf16>
      %dot_general3A_319 = arith.constant dense<0.000000e+00> : vector<128x24xf32>
      %dot_general3A_320 = tpu.matmul %squeeze3A_317, %slice3A_318, %dot_general3A_319 {dimension_numbers = #tpu.dot_dimension_numbers<[1], [0], [0], [1], [0, 0, 1, 1], [], []>, transpose_lhs_hint = false} : vector<128x64xbf16>, vector<64x24xbf16>, vector<128x24xf32> -> vector<128x24xf32>
      %add3A_321 = arith.addf %add3A_315, %dot_general3A_320 : vector<128x24xf32>
      %slice3A_322 = vector.extract_strided_slice %convert_element_type3A_97 {offsets = [37, 0, 0], sizes = [1, 128, 64], strides = [1, 1, 1]} : vector<48x128x64xbf16> to vector<1x128x64xbf16>
      %squeeze3A_323 = vector.shape_cast %slice3A_322 : vector<1x128x64xbf16> to vector<128x64xbf16>
      %slice3A_324 = vector.extract_strided_slice %convert_element_type3A_101 {offsets = [2368, 0], sizes = [64, 24], strides = [1, 1]} : vector<3008x24xbf16> to vector<64x24xbf16>
      %dot_general3A_325 = arith.constant dense<0.000000e+00> : vector<128x24xf32>
      %dot_general3A_326 = tpu.matmul %squeeze3A_323, %slice3A_324, %dot_general3A_325 {dimension_numbers = #tpu.dot_dimension_numbers<[1], [0], [0], [1], [0, 0, 1, 1], [], []>, transpose_lhs_hint = false} : vector<128x64xbf16>, vector<64x24xbf16>, vector<128x24xf32> -> vector<128x24xf32>
      %add3A_327 = arith.addf %add3A_321, %dot_general3A_326 : vector<128x24xf32>
      %slice3A_328 = vector.extract_strided_slice %convert_element_type3A_97 {offsets = [38, 0, 0], sizes = [1, 128, 64], strides = [1, 1, 1]} : vector<48x128x64xbf16> to vector<1x128x64xbf16>
      %squeeze3A_329 = vector.shape_cast %slice3A_328 : vector<1x128x64xbf16> to vector<128x64xbf16>
      %slice3A_330 = vector.extract_strided_slice %convert_element_type3A_101 {offsets = [2432, 0], sizes = [64, 24], strides = [1, 1]} : vector<3008x24xbf16> to vector<64x24xbf16>
      %dot_general3A_331 = arith.constant dense<0.000000e+00> : vector<128x24xf32>
      %dot_general3A_332 = tpu.matmul %squeeze3A_329, %slice3A_330, %dot_general3A_331 {dimension_numbers = #tpu.dot_dimension_numbers<[1], [0], [0], [1], [0, 0, 1, 1], [], []>, transpose_lhs_hint = false} : vector<128x64xbf16>, vector<64x24xbf16>, vector<128x24xf32> -> vector<128x24xf32>
      %add3A_333 = arith.addf %add3A_327, %dot_general3A_332 : vector<128x24xf32>
      %slice3A_334 = vector.extract_strided_slice %convert_element_type3A_97 {offsets = [39, 0, 0], sizes = [1, 128, 64], strides = [1, 1, 1]} : vector<48x128x64xbf16> to vector<1x128x64xbf16>
      %squeeze3A_335 = vector.shape_cast %slice3A_334 : vector<1x128x64xbf16> to vector<128x64xbf16>
      %slice3A_336 = vector.extract_strided_slice %convert_element_type3A_101 {offsets = [2496, 0], sizes = [64, 24], strides = [1, 1]} : vector<3008x24xbf16> to vector<64x24xbf16>
      %dot_general3A_337 = arith.constant dense<0.000000e+00> : vector<128x24xf32>
      %dot_general3A_338 = tpu.matmul %squeeze3A_335, %slice3A_336, %dot_general3A_337 {dimension_numbers = #tpu.dot_dimension_numbers<[1], [0], [0], [1], [0, 0, 1, 1], [], []>, transpose_lhs_hint = false} : vector<128x64xbf16>, vector<64x24xbf16>, vector<128x24xf32> -> vector<128x24xf32>
      %add3A_339 = arith.addf %add3A_333, %dot_general3A_338 : vector<128x24xf32>
      %slice3A_340 = vector.extract_strided_slice %convert_element_type3A_97 {offsets = [40, 0, 0], sizes = [1, 128, 64], strides = [1, 1, 1]} : vector<48x128x64xbf16> to vector<1x128x64xbf16>
      %squeeze3A_341 = vector.shape_cast %slice3A_340 : vector<1x128x64xbf16> to vector<128x64xbf16>
      %slice3A_342 = vector.extract_strided_slice %convert_element_type3A_101 {offsets = [2560, 0], sizes = [64, 24], strides = [1, 1]} : vector<3008x24xbf16> to vector<64x24xbf16>
      %dot_general3A_343 = arith.constant dense<0.000000e+00> : vector<128x24xf32>
      %dot_general3A_344 = tpu.matmul %squeeze3A_341, %slice3A_342, %dot_general3A_343 {dimension_numbers = #tpu.dot_dimension_numbers<[1], [0], [0], [1], [0, 0, 1, 1], [], []>, transpose_lhs_hint = false} : vector<128x64xbf16>, vector<64x24xbf16>, vector<128x24xf32> -> vector<128x24xf32>
      %add3A_345 = arith.addf %add3A_339, %dot_general3A_344 : vector<128x24xf32>
      %slice3A_346 = vector.extract_strided_slice %convert_element_type3A_97 {offsets = [41, 0, 0], sizes = [1, 128, 64], strides = [1, 1, 1]} : vector<48x128x64xbf16> to vector<1x128x64xbf16>
      %squeeze3A_347 = vector.shape_cast %slice3A_346 : vector<1x128x64xbf16> to vector<128x64xbf16>
      %slice3A_348 = vector.extract_strided_slice %convert_element_type3A_101 {offsets = [2624, 0], sizes = [64, 24], strides = [1, 1]} : vector<3008x24xbf16> to vector<64x24xbf16>
      %dot_general3A_349 = arith.constant dense<0.000000e+00> : vector<128x24xf32>
      %dot_general3A_350 = tpu.matmul %squeeze3A_347, %slice3A_348, %dot_general3A_349 {dimension_numbers = #tpu.dot_dimension_numbers<[1], [0], [0], [1], [0, 0, 1, 1], [], []>, transpose_lhs_hint = false} : vector<128x64xbf16>, vector<64x24xbf16>, vector<128x24xf32> -> vector<128x24xf32>
      %add3A_351 = arith.addf %add3A_345, %dot_general3A_350 : vector<128x24xf32>
      %slice3A_352 = vector.extract_strided_slice %convert_element_type3A_97 {offsets = [42, 0, 0], sizes = [1, 128, 64], strides = [1, 1, 1]} : vector<48x128x64xbf16> to vector<1x128x64xbf16>
      %squeeze3A_353 = vector.shape_cast %slice3A_352 : vector<1x128x64xbf16> to vector<128x64xbf16>
      %slice3A_354 = vector.extract_strided_slice %convert_element_type3A_101 {offsets = [2688, 0], sizes = [64, 24], strides = [1, 1]} : vector<3008x24xbf16> to vector<64x24xbf16>
      %dot_general3A_355 = arith.constant dense<0.000000e+00> : vector<128x24xf32>
      %dot_general3A_356 = tpu.matmul %squeeze3A_353, %slice3A_354, %dot_general3A_355 {dimension_numbers = #tpu.dot_dimension_numbers<[1], [0], [0], [1], [0, 0, 1, 1], [], []>, transpose_lhs_hint = false} : vector<128x64xbf16>, vector<64x24xbf16>, vector<128x24xf32> -> vector<128x24xf32>
      %add3A_357 = arith.addf %add3A_351, %dot_general3A_356 : vector<128x24xf32>
      %slice3A_358 = vector.extract_strided_slice %convert_element_type3A_97 {offsets = [43, 0, 0], sizes = [1, 128, 64], strides = [1, 1, 1]} : vector<48x128x64xbf16> to vector<1x128x64xbf16>
      %squeeze3A_359 = vector.shape_cast %slice3A_358 : vector<1x128x64xbf16> to vector<128x64xbf16>
      %slice3A_360 = vector.extract_strided_slice %convert_element_type3A_101 {offsets = [2752, 0], sizes = [64, 24], strides = [1, 1]} : vector<3008x24xbf16> to vector<64x24xbf16>
      %dot_general3A_361 = arith.constant dense<0.000000e+00> : vector<128x24xf32>
      %dot_general3A_362 = tpu.matmul %squeeze3A_359, %slice3A_360, %dot_general3A_361 {dimension_numbers = #tpu.dot_dimension_numbers<[1], [0], [0], [1], [0, 0, 1, 1], [], []>, transpose_lhs_hint = false} : vector<128x64xbf16>, vector<64x24xbf16>, vector<128x24xf32> -> vector<128x24xf32>
      %add3A_363 = arith.addf %add3A_357, %dot_general3A_362 : vector<128x24xf32>
      %slice3A_364 = vector.extract_strided_slice %convert_element_type3A_97 {offsets = [44, 0, 0], sizes = [1, 128, 64], strides = [1, 1, 1]} : vector<48x128x64xbf16> to vector<1x128x64xbf16>
      %squeeze3A_365 = vector.shape_cast %slice3A_364 : vector<1x128x64xbf16> to vector<128x64xbf16>
      %slice3A_366 = vector.extract_strided_slice %convert_element_type3A_101 {offsets = [2816, 0], sizes = [64, 24], strides = [1, 1]} : vector<3008x24xbf16> to vector<64x24xbf16>
      %dot_general3A_367 = arith.constant dense<0.000000e+00> : vector<128x24xf32>
      %dot_general3A_368 = tpu.matmul %squeeze3A_365, %slice3A_366, %dot_general3A_367 {dimension_numbers = #tpu.dot_dimension_numbers<[1], [0], [0], [1], [0, 0, 1, 1], [], []>, transpose_lhs_hint = false} : vector<128x64xbf16>, vector<64x24xbf16>, vector<128x24xf32> -> vector<128x24xf32>
      %add3A_369 = arith.addf %add3A_363, %dot_general3A_368 : vector<128x24xf32>
      %slice3A_370 = vector.extract_strided_slice %convert_element_type3A_97 {offsets = [45, 0, 0], sizes = [1, 128, 64], strides = [1, 1, 1]} : vector<48x128x64xbf16> to vector<1x128x64xbf16>
      %squeeze3A_371 = vector.shape_cast %slice3A_370 : vector<1x128x64xbf16> to vector<128x64xbf16>
      %slice3A_372 = vector.extract_strided_slice %convert_element_type3A_101 {offsets = [2880, 0], sizes = [64, 24], strides = [1, 1]} : vector<3008x24xbf16> to vector<64x24xbf16>
      %dot_general3A_373 = arith.constant dense<0.000000e+00> : vector<128x24xf32>
      %dot_general3A_374 = tpu.matmul %squeeze3A_371, %slice3A_372, %dot_general3A_373 {dimension_numbers = #tpu.dot_dimension_numbers<[1], [0], [0], [1], [0, 0, 1, 1], [], []>, transpose_lhs_hint = false} : vector<128x64xbf16>, vector<64x24xbf16>, vector<128x24xf32> -> vector<128x24xf32>
      %add3A_375 = arith.addf %add3A_369, %dot_general3A_374 : vector<128x24xf32>
      %slice3A_376 = vector.extract_strided_slice %convert_element_type3A_97 {offsets = [46, 0, 0], sizes = [1, 128, 64], strides = [1, 1, 1]} : vector<48x128x64xbf16> to vector<1x128x64xbf16>
      %squeeze3A_377 = vector.shape_cast %slice3A_376 : vector<1x128x64xbf16> to vector<128x64xbf16>
      %slice3A_378 = vector.extract_strided_slice %convert_element_type3A_101 {offsets = [2944, 0], sizes = [64, 24], strides = [1, 1]} : vector<3008x24xbf16> to vector<64x24xbf16>
      %dot_general3A_379 = arith.constant dense<0.000000e+00> : vector<128x24xf32>
      %dot_general3A_380 = tpu.matmul %squeeze3A_377, %slice3A_378, %dot_general3A_379 {dimension_numbers = #tpu.dot_dimension_numbers<[1], [0], [0], [1], [0, 0, 1, 1], [], []>, transpose_lhs_hint = false} : vector<128x64xbf16>, vector<64x24xbf16>, vector<128x24xf32> -> vector<128x24xf32>
      %add3A_381 = arith.addf %add3A_375, %dot_general3A_380 : vector<128x24xf32>
      %swap3A_382 = arith.constant 0 : index
      %swap3A_383 = arith.constant 0 : index
      %swap3A_384 = arith.constant 0 : index
      %swap3A_385 = vector.load %arg12[%swap3A_382, %swap3A_383, %swap3A_384] : memref<1x128x24xf32, #tpu.memory_space<vmem>>, vector<1x128x24xf32>
      %swap3A_386 = vector.shape_cast %swap3A_385 : vector<1x128x24xf32> to vector<128x24xf32>
      %swap3A_387 = vector.shape_cast %add3A_381 : vector<128x24xf32> to vector<1x128x24xf32>
      tpu.vector_store %arg12[%swap3A_382, %swap3A_383, %swap3A_384], %swap3A_387 {strides = array<i32>} : memref<1x128x24xf32, #tpu.memory_space<vmem>>, vector<1x128x24xf32>,
    } else {
    }
    return
  }
  func.func @transform_0(%arg0: i32, %arg1: i32) -> (i32, i32, i32, i32) {
    %c0_i32 = arith.constant 0 : i32
    %c0_i32_0 = arith.constant 0 : i32
    %c0_i32_1 = arith.constant 0 : i32
    return %arg0, %c0_i32, %arg1, %c0_i32_0 : i32, i32, i32, i32
  }
  func.func @transform_1(%arg0: i32, %arg1: i32) -> (i32, i32, i32) {
    %c0_i32 = arith.constant 0 : i32
    %c0_i32_0 = arith.constant 0 : i32
    return %arg0, %arg1, %c0_i32 : i32, i32, i32
  }
  func.func @transform_2(%arg0: i32, %arg1: i32) -> (i32, i32, i32) {
    %c0_i32 = arith.constant 0 : i32
    %c0_i32_0 = arith.constant 0 : i32
    %c0_i32_1 = arith.constant 0 : i32
    return %arg0, %c0_i32, %c0_i32_0 : i32, i32, i32
  }
  func.func @transform_3(%arg0: i32, %arg1: i32) -> (i32, i32) {
    %c0_i32 = arith.constant 0 : i32
    %c0_i32_0 = arith.constant 0 : i32
    %c0_i32_1 = arith.constant 0 : i32
    return %c0_i32, %c0_i32_0 : i32, i32
  }
  func.func @transform_4(%arg0: i32, %arg1: i32) -> (i32, i32) {
    %c0_i32 = arith.constant 0 : i32
    %c0_i32_0 = arith.constant 0 : i32
    %c0_i32_1 = arith.constant 0 : i32
    return %c0_i32, %c0_i32_0 : i32, i32
  }
  func.func @transform_5(%arg0: i32, %arg1: i32) -> (i32, i32) {
    %c0_i32 = arith.constant 0 : i32
    %c0_i32_0 = arith.constant 0 : i32
    %c0_i32_1 = arith.constant 0 : i32
    return %c0_i32, %c0_i32_0 : i32, i32
  }
  func.func @transform_6(%arg0: i32, %arg1: i32) -> (i32, i32) {
    %c0_i32 = arith.constant 0 : i32
    %c0_i32_0 = arith.constant 0 : i32
    %c0_i32_1 = arith.constant 0 : i32
    return %c0_i32, %c0_i32_0 : i32, i32
  }
  func.func @transform_7(%arg0: i32, %arg1: i32) -> (i32, i32) {
    %c0_i32 = arith.constant 0 : i32
    %c0_i32_0 = arith.constant 0 : i32
    %c0_i32_1 = arith.constant 0 : i32
    return %c0_i32, %c0_i32_0 : i32, i32
  }
  func.func @transform_8(%arg0: i32, %arg1: i32) -> (i32, i32) {
    %c0_i32 = arith.constant 0 : i32
    %c0_i32_0 = arith.constant 0 : i32
    %c0_i32_1 = arith.constant 0 : i32
    return %c0_i32, %c0_i32_0 : i32, i32
  }
  func.func @transform_9(%arg0: i32, %arg1: i32) -> (i32, i32, i32) {
    %c0_i32 = arith.constant 0 : i32
    %c0_i32_0 = arith.constant 0 : i32
    return %arg0, %arg1, %c0_i32 : i32, i32, i32
  }
  func.func @transform_10(%arg0: i32, %arg1: i32) -> (i32, i32, i32) {
    %c0_i32 = arith.constant 0 : i32
    %c0_i32_0 = arith.constant 0 : i32
    return %arg0, %arg1, %c0_i32 : i32, i32, i32
  }
}

module attributes {stable_mosaic.version = 14 : i64} {
  func.func @_route_body(%arg0: i32, %arg1: memref<1x1x1024xf32, #tpu.memory_space<vmem>>, %arg2: memref<1x1x1024xi32, #tpu.memory_space<vmem>>, %arg3: memref<1x1x1xf32, #tpu.memory_space<vmem>>) attributes {dimension_semantics = [#tpu.dimension_semantics<arbitrary>], iteration_bounds = array<i64: 4>, scalar_prefetch = 0 : i64, scratch_operands = 0 : i64, tpu.core_type = #tpu.core_type<tc>, window_params = [{transform_indices = @transform_0, window_bounds = array<i64: 1, 1, 1024>}, {transform_indices = @transform_1, window_bounds = array<i64: 1, 1, 1024>}, {transform_indices = @transform_2, window_bounds = array<i64: 1, 1, 1>}]} {
    %get3A = arith.constant 0 : index
    %get3A_0 = arith.constant 0 : index
    %get3A_1 = arith.constant 0 : index
    %get3A_2 = vector.load %arg1[%get3A, %get3A_0, %get3A_1] : memref<1x1x1024xf32, #tpu.memory_space<vmem>>, vector<1x1x1024xf32>
    %get3A_3 = vector.shape_cast %get3A_2 : vector<1x1x1024xf32> to vector<1x1024xf32>
    %broadcast_in_dim3A = arith.constant 0.000000e+00 : f32
    %broadcast_in_dim3A_4 = vector.broadcast %broadcast_in_dim3A : f32 to vector<1x1xf32>
    %slice3A = vector.extract_strided_slice %get3A_3 {offsets = [0, 0], sizes = [1, 1023], strides = [1, 1]} : vector<1x1024xf32> to vector<1x1023xf32>
    %concatenate3A = tpu.concatenate %broadcast_in_dim3A_4, %slice3A in 1 : vector<1x1xf32>, vector<1x1023xf32> -> vector<1x1024xf32>
    %add3A = arith.addf %get3A_3, %concatenate3A : vector<1x1024xf32>
    %broadcast_in_dim3A_5 = arith.constant 0.000000e+00 : f32
    %broadcast_in_dim3A_6 = vector.broadcast %broadcast_in_dim3A_5 : f32 to vector<1x2xf32>
    %slice3A_7 = vector.extract_strided_slice %add3A {offsets = [0, 0], sizes = [1, 1022], strides = [1, 1]} : vector<1x1024xf32> to vector<1x1022xf32>
    %concatenate3A_8 = tpu.concatenate %broadcast_in_dim3A_6, %slice3A_7 in 1 : vector<1x2xf32>, vector<1x1022xf32> -> vector<1x1024xf32>
    %add3A_9 = arith.addf %add3A, %concatenate3A_8 : vector<1x1024xf32>
    %broadcast_in_dim3A_10 = arith.constant 0.000000e+00 : f32
    %broadcast_in_dim3A_11 = vector.broadcast %broadcast_in_dim3A_10 : f32 to vector<1x4xf32>
    %slice3A_12 = vector.extract_strided_slice %add3A_9 {offsets = [0, 0], sizes = [1, 1020], strides = [1, 1]} : vector<1x1024xf32> to vector<1x1020xf32>
    %concatenate3A_13 = tpu.concatenate %broadcast_in_dim3A_11, %slice3A_12 in 1 : vector<1x4xf32>, vector<1x1020xf32> -> vector<1x1024xf32>
    %add3A_14 = arith.addf %add3A_9, %concatenate3A_13 : vector<1x1024xf32>
    %broadcast_in_dim3A_15 = arith.constant 0.000000e+00 : f32
    %broadcast_in_dim3A_16 = vector.broadcast %broadcast_in_dim3A_15 : f32 to vector<1x8xf32>
    %slice3A_17 = vector.extract_strided_slice %add3A_14 {offsets = [0, 0], sizes = [1, 1016], strides = [1, 1]} : vector<1x1024xf32> to vector<1x1016xf32>
    %concatenate3A_18 = tpu.concatenate %broadcast_in_dim3A_16, %slice3A_17 in 1 : vector<1x8xf32>, vector<1x1016xf32> -> vector<1x1024xf32>
    %add3A_19 = arith.addf %add3A_14, %concatenate3A_18 : vector<1x1024xf32>
    %broadcast_in_dim3A_20 = arith.constant 0.000000e+00 : f32
    %broadcast_in_dim3A_21 = vector.broadcast %broadcast_in_dim3A_20 : f32 to vector<1x16xf32>
    %slice3A_22 = vector.extract_strided_slice %add3A_19 {offsets = [0, 0], sizes = [1, 1008], strides = [1, 1]} : vector<1x1024xf32> to vector<1x1008xf32>
    %concatenate3A_23 = tpu.concatenate %broadcast_in_dim3A_21, %slice3A_22 in 1 : vector<1x16xf32>, vector<1x1008xf32> -> vector<1x1024xf32>
    %add3A_24 = arith.addf %add3A_19, %concatenate3A_23 : vector<1x1024xf32>
    %broadcast_in_dim3A_25 = arith.constant 0.000000e+00 : f32
    %broadcast_in_dim3A_26 = vector.broadcast %broadcast_in_dim3A_25 : f32 to vector<1x32xf32>
    %slice3A_27 = vector.extract_strided_slice %add3A_24 {offsets = [0, 0], sizes = [1, 992], strides = [1, 1]} : vector<1x1024xf32> to vector<1x992xf32>
    %concatenate3A_28 = tpu.concatenate %broadcast_in_dim3A_26, %slice3A_27 in 1 : vector<1x32xf32>, vector<1x992xf32> -> vector<1x1024xf32>
    %add3A_29 = arith.addf %add3A_24, %concatenate3A_28 : vector<1x1024xf32>
    %broadcast_in_dim3A_30 = arith.constant 0.000000e+00 : f32
    %broadcast_in_dim3A_31 = vector.broadcast %broadcast_in_dim3A_30 : f32 to vector<1x64xf32>
    %slice3A_32 = vector.extract_strided_slice %add3A_29 {offsets = [0, 0], sizes = [1, 960], strides = [1, 1]} : vector<1x1024xf32> to vector<1x960xf32>
    %concatenate3A_33 = tpu.concatenate %broadcast_in_dim3A_31, %slice3A_32 in 1 : vector<1x64xf32>, vector<1x960xf32> -> vector<1x1024xf32>
    %add3A_34 = arith.addf %add3A_29, %concatenate3A_33 : vector<1x1024xf32>
    %broadcast_in_dim3A_35 = arith.constant 0.000000e+00 : f32
    %broadcast_in_dim3A_36 = vector.broadcast %broadcast_in_dim3A_35 : f32 to vector<1x128xf32>
    %slice3A_37 = vector.extract_strided_slice %add3A_34 {offsets = [0, 0], sizes = [1, 896], strides = [1, 1]} : vector<1x1024xf32> to vector<1x896xf32>
    %concatenate3A_38 = tpu.concatenate %broadcast_in_dim3A_36, %slice3A_37 in 1 : vector<1x128xf32>, vector<1x896xf32> -> vector<1x1024xf32>
    %add3A_39 = arith.addf %add3A_34, %concatenate3A_38 : vector<1x1024xf32>
    %broadcast_in_dim3A_40 = arith.constant 0.000000e+00 : f32
    %broadcast_in_dim3A_41 = vector.broadcast %broadcast_in_dim3A_40 : f32 to vector<1x256xf32>
    %slice3A_42 = vector.extract_strided_slice %add3A_39 {offsets = [0, 0], sizes = [1, 768], strides = [1, 1]} : vector<1x1024xf32> to vector<1x768xf32>
    %concatenate3A_43 = tpu.concatenate %broadcast_in_dim3A_41, %slice3A_42 in 1 : vector<1x256xf32>, vector<1x768xf32> -> vector<1x1024xf32>
    %add3A_44 = arith.addf %add3A_39, %concatenate3A_43 : vector<1x1024xf32>
    %broadcast_in_dim3A_45 = arith.constant 0.000000e+00 : f32
    %broadcast_in_dim3A_46 = vector.broadcast %broadcast_in_dim3A_45 : f32 to vector<1x512xf32>
    %slice3A_47 = vector.extract_strided_slice %add3A_44 {offsets = [0, 0], sizes = [1, 512], strides = [1, 1]} : vector<1x1024xf32> to vector<1x512xf32>
    %concatenate3A_48 = tpu.concatenate %broadcast_in_dim3A_46, %slice3A_47 in 1 : vector<1x512xf32>, vector<1x512xf32> -> vector<1x1024xf32>
    %add3A_49 = arith.addf %add3A_44, %concatenate3A_48 : vector<1x1024xf32>
    %slice3A_50 = vector.extract_strided_slice %add3A_49 {offsets = [0, 1023], sizes = [1, 1], strides = [1, 1]} : vector<1x1024xf32> to vector<1x1xf32>
    %iota3A = tpu.iota {dimensions = array<i32: 1>} : vector<1x1024xi32>
    %convert_element_type3A = arith.sitofp %iota3A : vector<1x1024xi32> to vector<1x1024xf32>
    %gt3A = arith.constant 0.000000e+00 : f32
    %gt3A_51 = vector.broadcast %gt3A : f32 to vector<1x1024xf32>
    %gt3A_52 = arith.cmpf ogt, %get3A_3, %gt3A_51 : vector<1x1024xf32>
    %sub3A = arith.constant 1.000000e+00 : f32
    %sub3A_53 = vector.broadcast %sub3A : f32 to vector<1x1024xf32>
    %sub3A_54 = arith.subf %add3A_49, %sub3A_53 : vector<1x1024xf32>
    %add3A_55 = vector.broadcast %slice3A_50 : vector<1x1xf32> to vector<1x1024xf32>
    %add3A_56 = arith.addf %add3A_55, %convert_element_type3A : vector<1x1024xf32>
    %sub3A_57 = arith.subf %add3A_56, %add3A_49 : vector<1x1024xf32>
    %select_n3A = arith.select %gt3A_52, %sub3A_54, %sub3A_57 : vector<1x1024xi1>, vector<1x1024xf32>
    %convert_element_type3A_58 = arith.fptosi %select_n3A : vector<1x1024xf32> to vector<1x1024xi32>
    %mul3A = arith.constant 1024 : i32
    %mul3A_59 = arith.muli %arg0, %mul3A : i32
    %add3A_60 = vector.broadcast %mul3A_59 : i32 to vector<1x1024xi32>
    %add3A_61 = arith.addi %convert_element_type3A_58, %add3A_60 : vector<1x1024xi32>
    %swap3A = arith.constant 0 : index
    %swap3A_62 = arith.constant 0 : index
    %swap3A_63 = arith.constant 0 : index
    %swap3A_64 = vector.load %arg2[%swap3A, %swap3A_62, %swap3A_63] : memref<1x1x1024xi32, #tpu.memory_space<vmem>>, vector<1x1x1024xi32>
    %swap3A_65 = vector.shape_cast %swap3A_64 : vector<1x1x1024xi32> to vector<1x1024xi32>
    %swap3A_66 = vector.shape_cast %add3A_61 : vector<1x1024xi32> to vector<1x1x1024xi32>
    tpu.vector_store %arg2[%swap3A, %swap3A_62, %swap3A_63], %swap3A_66 {strides = array<i32>} : memref<1x1x1024xi32, #tpu.memory_space<vmem>>, vector<1x1x1024xi32>,
    %swap3A_67 = arith.constant 0 : index
    %swap3A_68 = arith.constant 0 : index
    %swap3A_69 = arith.constant 0 : index
    %swap3A_70 = vector.load %arg3[%swap3A_67, %swap3A_68, %swap3A_69] : memref<1x1x1xf32, #tpu.memory_space<vmem>>, vector<1x1x1xf32>
    %swap3A_71 = vector.shape_cast %swap3A_70 : vector<1x1x1xf32> to vector<1x1xf32>
    %swap3A_72 = vector.shape_cast %slice3A_50 : vector<1x1xf32> to vector<1x1x1xf32>
    tpu.vector_store %arg3[%swap3A_67, %swap3A_68, %swap3A_69], %swap3A_72 {strides = array<i32>} : memref<1x1x1xf32, #tpu.memory_space<vmem>>, vector<1x1x1xf32>,
    return
  }
  func.func @transform_0(%arg0: i32) -> (i32, i32, i32) {
    %c0_i32 = arith.constant 0 : i32
    %c0_i32_0 = arith.constant 0 : i32
    %c0_i32_1 = arith.constant 0 : i32
    return %arg0, %c0_i32, %c0_i32_0 : i32, i32, i32
  }
  func.func @transform_1(%arg0: i32) -> (i32, i32, i32) {
    %c0_i32 = arith.constant 0 : i32
    %c0_i32_0 = arith.constant 0 : i32
    %c0_i32_1 = arith.constant 0 : i32
    return %arg0, %c0_i32, %c0_i32_0 : i32, i32, i32
  }
  func.func @transform_2(%arg0: i32) -> (i32, i32, i32) {
    %c0_i32 = arith.constant 0 : i32
    %c0_i32_0 = arith.constant 0 : i32
    %c0_i32_1 = arith.constant 0 : i32
    return %arg0, %c0_i32, %c0_i32_0 : i32, i32, i32
  }
}

module attributes {stable_mosaic.version = 14 : i64} {
  func.func @_enc_body(%arg0: i32, %arg1: i32, %arg2: memref<1x1024x64xf32, #tpu.memory_space<vmem>>, %arg3: memref<1x1x1xf32, #tpu.memory_space<vmem>>, %arg4: memref<64x64xf32, #tpu.memory_space<vmem>>, %arg5: memref<64x64xf32, #tpu.memory_space<vmem>>, %arg6: memref<64x64xf32, #tpu.memory_space<vmem>>, %arg7: memref<64x64xf32, #tpu.memory_space<vmem>>, %arg8: memref<1x128x64xf32, #tpu.memory_space<vmem>>) attributes {dimension_semantics = [#tpu.dimension_semantics<arbitrary>, #tpu.dimension_semantics<arbitrary>], iteration_bounds = array<i64: 4, 8>, scalar_prefetch = 0 : i64, scratch_operands = 0 : i64, tpu.core_type = #tpu.core_type<tc>, window_params = [{transform_indices = @transform_0, window_bounds = array<i64: 1, 1024, 64>}, {transform_indices = @transform_1, window_bounds = array<i64: 1, 1, 1>}, {pipeline_mode = #tpu.pipeline_mode<synchronous>, transform_indices = @transform_2, window_bounds = array<i64: 64, 64>}, {pipeline_mode = #tpu.pipeline_mode<synchronous>, transform_indices = @transform_3, window_bounds = array<i64: 64, 64>}, {pipeline_mode = #tpu.pipeline_mode<synchronous>, transform_indices = @transform_4, window_bounds = array<i64: 64, 64>}, {pipeline_mode = #tpu.pipeline_mode<synchronous>, transform_indices = @transform_5, window_bounds = array<i64: 64, 64>}, {transform_indices = @transform_6, window_bounds = array<i64: 1, 128, 64>}]} {
    %get3A = arith.constant 0 : index
    %get3A_0 = arith.constant 0 : index
    %get3A_1 = arith.constant 0 : index
    %get3A_2 = vector.load %arg3[%get3A, %get3A_0, %get3A_1] : memref<1x1x1xf32, #tpu.memory_space<vmem>>, vector<1x1x1xf32>
    %get3A_3 = vector.extract %get3A_2[0, 0, 0] : f32 from vector<1x1x1xf32>
    %convert_element_type3A = arith.fptosi %get3A_3 : f32 to i32
    %mul3A = arith.constant 128 : i32
    %mul3A_4 = arith.muli %arg1, %mul3A : i32
    %lt3A = arith.cmpi slt, %mul3A_4, %convert_element_type3A : i32
    %convert_element_type3A_5 = arith.extui %lt3A : i1 to i32
    %cond3A = arith.constant 0 : i32
    %cond3A_6 = arith.cmpi ne, %convert_element_type3A_5, %cond3A : i32
    scf.if %cond3A_6 {
      %mul3A_7 = arith.constant 128 : i32
      %mul3A_8 = arith.muli %arg1, %mul3A_7 : i32
      %get3A_9 = arith.constant 0 : index
      %get3A_10 = arith.index_cast %mul3A_8 : i32 to index
      %get3A_11 = arith.constant 0 : index
      %get3A_12 = vector.load %arg2[%get3A_9, %get3A_10, %get3A_11] : memref<1x1024x64xf32, #tpu.memory_space<vmem>>, vector<1x128x64xf32>
      %get3A_13 = vector.shape_cast %get3A_12 : vector<1x128x64xf32> to vector<128x64xf32>
      %gt3A = arith.constant 0 : i32
      %gt3A_14 = arith.cmpi sgt, %convert_element_type3A, %gt3A : i32
      %le3A = arith.constant 256 : i32
      %le3A_15 = arith.cmpi sle, %convert_element_type3A, %le3A : i32
      %and3A = arith.andi %gt3A_14, %le3A_15 : i1
      %convert_element_type3A_16 = arith.extui %and3A : i1 to i32
      %cond3A_17 = arith.constant 0 : i32
      %cond3A_18 = arith.cmpi ne, %convert_element_type3A_16, %cond3A_17 : i32
      scf.if %cond3A_18 {
        %get3A_43 = arith.constant 0 : index
        %get3A_44 = arith.constant 0 : index
        %get3A_45 = arith.constant 0 : index
        %get3A_46 = vector.load %arg2[%get3A_43, %get3A_44, %get3A_45] : memref<1x1024x64xf32, #tpu.memory_space<vmem>>, vector<1x256x64xf32>
        %get3A_47 = vector.shape_cast %get3A_46 : vector<1x256x64xf32> to vector<256x64xf32>
        %iota3A = tpu.iota {dimensions = array<i32: 0>} : vector<256x1xi32>
        %lt3A_48 = vector.broadcast %convert_element_type3A : i32 to vector<256x1xi32>
        %lt3A_49 = arith.cmpi slt, %iota3A, %lt3A_48 : vector<256x1xi32>
        %jit3A = arith.constant 0.000000e+00 : f32
        %broadcast_in_dim3A = vector.shape_cast %lt3A_49 : vector<256x1xi1> to vector<256x1xi1>
        %broadcast_in_dim3A_50 = vector.broadcast %broadcast_in_dim3A : vector<256x1xi1> to vector<256x64xi1>
        %broadcast_in_dim3A_51 = vector.broadcast %jit3A : f32 to vector<256x64xf32>
        %select_n3A = arith.select %broadcast_in_dim3A_50, %get3A_47, %broadcast_in_dim3A_51 : vector<256x64xi1>, vector<256x64xf32>
        %get3A_52 = arith.constant 0 : index
        %get3A_53 = arith.constant 0 : index
        %get3A_54 = vector.load %arg4[%get3A_52, %get3A_53] : memref<64x64xf32, #tpu.memory_space<vmem>>, vector<64x64xf32>
        %dot_general3A = arith.constant dense<0.000000e+00> : vector<128x64xf32>
        %dot_general3A_55 = tpu.matmul %get3A_13, %get3A_54, %dot_general3A {dimension_numbers = #tpu.dot_dimension_numbers<[1], [0], [0], [1], [0, 0, 1, 1], [], []>, transpose_lhs_hint = false} : vector<128x64xf32>, vector<64x64xf32>, vector<128x64xf32> -> vector<128x64xf32>
        %get3A_56 = arith.constant 0 : index
        %get3A_57 = arith.constant 0 : index
        %get3A_58 = vector.load %arg5[%get3A_56, %get3A_57] : memref<64x64xf32, #tpu.memory_space<vmem>>, vector<64x64xf32>
        %dot_general3A_59 = arith.constant dense<0.000000e+00> : vector<256x64xf32>
        %dot_general3A_60 = tpu.matmul %select_n3A, %get3A_58, %dot_general3A_59 {dimension_numbers = #tpu.dot_dimension_numbers<[1], [0], [0], [1], [0, 0, 1, 1], [], []>, transpose_lhs_hint = false} : vector<256x64xf32>, vector<64x64xf32>, vector<256x64xf32> -> vector<256x64xf32>
        %get3A_61 = arith.constant 0 : index
        %get3A_62 = arith.constant 0 : index
        %get3A_63 = vector.load %arg6[%get3A_61, %get3A_62] : memref<64x64xf32, #tpu.memory_space<vmem>>, vector<64x64xf32>
        %dot_general3A_64 = arith.constant dense<0.000000e+00> : vector<256x64xf32>
        %dot_general3A_65 = tpu.matmul %select_n3A, %get3A_63, %dot_general3A_64 {dimension_numbers = #tpu.dot_dimension_numbers<[1], [0], [0], [1], [0, 0, 1, 1], [], []>, transpose_lhs_hint = false} : vector<256x64xf32>, vector<64x64xf32>, vector<256x64xf32> -> vector<256x64xf32>
        %iota3A_66 = tpu.iota {dimensions = array<i32: 1>} : vector<1x256xi32>
        %lt3A_67 = vector.broadcast %convert_element_type3A : i32 to vector<1x256xi32>
        %lt3A_68 = arith.cmpi slt, %iota3A_66, %lt3A_67 : vector<1x256xi32>
        %jit3A_69 = arith.constant 0.000000e+00 : f32
        %jit3A_70 = arith.constant -1.000000e+09 : f32
        %broadcast_in_dim3A_71 = vector.broadcast %jit3A_69 : f32 to vector<1x256xf32>
        %broadcast_in_dim3A_72 = vector.broadcast %jit3A_70 : f32 to vector<1x256xf32>
        %select_n3A_73 = arith.select %lt3A_68, %broadcast_in_dim3A_71, %broadcast_in_dim3A_72 : vector<1x256xi1>, vector<1x256xf32>
        %slice3A = vector.extract_strided_slice %dot_general3A_55 {offsets = [0, 0], sizes = [128, 8], strides = [1, 1]} : vector<128x64xf32> to vector<128x8xf32>
        %slice3A_74 = vector.extract_strided_slice %dot_general3A_60 {offsets = [0, 0], sizes = [256, 8], strides = [1, 1]} : vector<256x64xf32> to vector<256x8xf32>
        %slice3A_75 = vector.extract_strided_slice %dot_general3A_65 {offsets = [0, 0], sizes = [256, 8], strides = [1, 1]} : vector<256x64xf32> to vector<256x8xf32>
        %dot_general3A_76 = arith.constant dense<0.000000e+00> : vector<128x256xf32>
        %dot_general3A_77 = tpu.matmul %slice3A, %slice3A_74, %dot_general3A_76 {dimension_numbers = #tpu.dot_dimension_numbers<[1], [1], [0], [0], [0, 0, 1, 0], [], []>, transpose_lhs_hint = false} : vector<128x8xf32>, vector<256x8xf32>, vector<128x256xf32> -> vector<128x256xf32>
        %mul3A_78 = arith.constant 0.353553385 : f32
        %mul3A_79 = vector.broadcast %mul3A_78 : f32 to vector<128x256xf32>
        %mul3A_80 = arith.mulf %dot_general3A_77, %mul3A_79 : vector<128x256xf32>
        %add3A = vector.broadcast %select_n3A_73 : vector<1x256xf32> to vector<128x256xf32>
        %add3A_81 = arith.addf %mul3A_80, %add3A : vector<128x256xf32>
        %reduce_max3A = arith.constant dense<0xFF800000> : vector<128xf32>
        %reduce_max3A_82 = vector.multi_reduction <maximumf>, %add3A_81, %reduce_max3A [1] : vector<128x256xf32> to vector<128xf32>
        %broadcast_in_dim3A_83 = vector.shape_cast %reduce_max3A_82 : vector<128xf32> to vector<128x1xf32>
        %sub3A = vector.broadcast %broadcast_in_dim3A_83 : vector<128x1xf32> to vector<128x256xf32>
        %sub3A_84 = arith.subf %add3A_81, %sub3A : vector<128x256xf32>
        %exp3A = math.exp %sub3A_84 : vector<128x256xf32>
        %reduce_sum3A = arith.constant dense<0.000000e+00> : vector<128xf32>
        %reduce_sum3A_85 = vector.multi_reduction <add>, %exp3A, %reduce_sum3A [1] : vector<128x256xf32> to vector<128xf32>
        %broadcast_in_dim3A_86 = vector.shape_cast %reduce_sum3A_85 : vector<128xf32> to vector<128x1xf32>
        %dot_general3A_87 = arith.constant dense<0.000000e+00> : vector<128x8xf32>
        %dot_general3A_88 = tpu.matmul %exp3A, %slice3A_75, %dot_general3A_87 {dimension_numbers = #tpu.dot_dimension_numbers<[1], [0], [0], [1], [0, 0, 1, 1], [], []>, transpose_lhs_hint = false} : vector<128x256xf32>, vector<256x8xf32>, vector<128x8xf32> -> vector<128x8xf32>
        %div3A = vector.broadcast %broadcast_in_dim3A_86 : vector<128x1xf32> to vector<128x8xf32>
        %div3A_89 = arith.divf %dot_general3A_88, %div3A : vector<128x8xf32>
        %slice3A_90 = vector.extract_strided_slice %dot_general3A_55 {offsets = [0, 8], sizes = [128, 8], strides = [1, 1]} : vector<128x64xf32> to vector<128x8xf32>
        %slice3A_91 = vector.extract_strided_slice %dot_general3A_60 {offsets = [0, 8], sizes = [256, 8], strides = [1, 1]} : vector<256x64xf32> to vector<256x8xf32>
        %slice3A_92 = vector.extract_strided_slice %dot_general3A_65 {offsets = [0, 8], sizes = [256, 8], strides = [1, 1]} : vector<256x64xf32> to vector<256x8xf32>
        %dot_general3A_93 = arith.constant dense<0.000000e+00> : vector<128x256xf32>
        %dot_general3A_94 = tpu.matmul %slice3A_90, %slice3A_91, %dot_general3A_93 {dimension_numbers = #tpu.dot_dimension_numbers<[1], [1], [0], [0], [0, 0, 1, 0], [], []>, transpose_lhs_hint = false} : vector<128x8xf32>, vector<256x8xf32>, vector<128x256xf32> -> vector<128x256xf32>
        %mul3A_95 = arith.constant 0.353553385 : f32
        %mul3A_96 = vector.broadcast %mul3A_95 : f32 to vector<128x256xf32>
        %mul3A_97 = arith.mulf %dot_general3A_94, %mul3A_96 : vector<128x256xf32>
        %add3A_98 = vector.broadcast %select_n3A_73 : vector<1x256xf32> to vector<128x256xf32>
        %add3A_99 = arith.addf %mul3A_97, %add3A_98 : vector<128x256xf32>
        %reduce_max3A_100 = arith.constant dense<0xFF800000> : vector<128xf32>
        %reduce_max3A_101 = vector.multi_reduction <maximumf>, %add3A_99, %reduce_max3A_100 [1] : vector<128x256xf32> to vector<128xf32>
        %broadcast_in_dim3A_102 = vector.shape_cast %reduce_max3A_101 : vector<128xf32> to vector<128x1xf32>
        %sub3A_103 = vector.broadcast %broadcast_in_dim3A_102 : vector<128x1xf32> to vector<128x256xf32>
        %sub3A_104 = arith.subf %add3A_99, %sub3A_103 : vector<128x256xf32>
        %exp3A_105 = math.exp %sub3A_104 : vector<128x256xf32>
        %reduce_sum3A_106 = arith.constant dense<0.000000e+00> : vector<128xf32>
        %reduce_sum3A_107 = vector.multi_reduction <add>, %exp3A_105, %reduce_sum3A_106 [1] : vector<128x256xf32> to vector<128xf32>
        %broadcast_in_dim3A_108 = vector.shape_cast %reduce_sum3A_107 : vector<128xf32> to vector<128x1xf32>
        %dot_general3A_109 = arith.constant dense<0.000000e+00> : vector<128x8xf32>
        %dot_general3A_110 = tpu.matmul %exp3A_105, %slice3A_92, %dot_general3A_109 {dimension_numbers = #tpu.dot_dimension_numbers<[1], [0], [0], [1], [0, 0, 1, 1], [], []>, transpose_lhs_hint = false} : vector<128x256xf32>, vector<256x8xf32>, vector<128x8xf32> -> vector<128x8xf32>
        %div3A_111 = vector.broadcast %broadcast_in_dim3A_108 : vector<128x1xf32> to vector<128x8xf32>
        %div3A_112 = arith.divf %dot_general3A_110, %div3A_111 : vector<128x8xf32>
        %slice3A_113 = vector.extract_strided_slice %dot_general3A_55 {offsets = [0, 16], sizes = [128, 8], strides = [1, 1]} : vector<128x64xf32> to vector<128x8xf32>
        %slice3A_114 = vector.extract_strided_slice %dot_general3A_60 {offsets = [0, 16], sizes = [256, 8], strides = [1, 1]} : vector<256x64xf32> to vector<256x8xf32>
        %slice3A_115 = vector.extract_strided_slice %dot_general3A_65 {offsets = [0, 16], sizes = [256, 8], strides = [1, 1]} : vector<256x64xf32> to vector<256x8xf32>
        %dot_general3A_116 = arith.constant dense<0.000000e+00> : vector<128x256xf32>
        %dot_general3A_117 = tpu.matmul %slice3A_113, %slice3A_114, %dot_general3A_116 {dimension_numbers = #tpu.dot_dimension_numbers<[1], [1], [0], [0], [0, 0, 1, 0], [], []>, transpose_lhs_hint = false} : vector<128x8xf32>, vector<256x8xf32>, vector<128x256xf32> -> vector<128x256xf32>
        %mul3A_118 = arith.constant 0.353553385 : f32
        %mul3A_119 = vector.broadcast %mul3A_118 : f32 to vector<128x256xf32>
        %mul3A_120 = arith.mulf %dot_general3A_117, %mul3A_119 : vector<128x256xf32>
        %add3A_121 = vector.broadcast %select_n3A_73 : vector<1x256xf32> to vector<128x256xf32>
        %add3A_122 = arith.addf %mul3A_120, %add3A_121 : vector<128x256xf32>
        %reduce_max3A_123 = arith.constant dense<0xFF800000> : vector<128xf32>
        %reduce_max3A_124 = vector.multi_reduction <maximumf>, %add3A_122, %reduce_max3A_123 [1] : vector<128x256xf32> to vector<128xf32>
        %broadcast_in_dim3A_125 = vector.shape_cast %reduce_max3A_124 : vector<128xf32> to vector<128x1xf32>
        %sub3A_126 = vector.broadcast %broadcast_in_dim3A_125 : vector<128x1xf32> to vector<128x256xf32>
        %sub3A_127 = arith.subf %add3A_122, %sub3A_126 : vector<128x256xf32>
        %exp3A_128 = math.exp %sub3A_127 : vector<128x256xf32>
        %reduce_sum3A_129 = arith.constant dense<0.000000e+00> : vector<128xf32>
        %reduce_sum3A_130 = vector.multi_reduction <add>, %exp3A_128, %reduce_sum3A_129 [1] : vector<128x256xf32> to vector<128xf32>
        %broadcast_in_dim3A_131 = vector.shape_cast %reduce_sum3A_130 : vector<128xf32> to vector<128x1xf32>
        %dot_general3A_132 = arith.constant dense<0.000000e+00> : vector<128x8xf32>
        %dot_general3A_133 = tpu.matmul %exp3A_128, %slice3A_115, %dot_general3A_132 {dimension_numbers = #tpu.dot_dimension_numbers<[1], [0], [0], [1], [0, 0, 1, 1], [], []>, transpose_lhs_hint = false} : vector<128x256xf32>, vector<256x8xf32>, vector<128x8xf32> -> vector<128x8xf32>
        %div3A_134 = vector.broadcast %broadcast_in_dim3A_131 : vector<128x1xf32> to vector<128x8xf32>
        %div3A_135 = arith.divf %dot_general3A_133, %div3A_134 : vector<128x8xf32>
        %slice3A_136 = vector.extract_strided_slice %dot_general3A_55 {offsets = [0, 24], sizes = [128, 8], strides = [1, 1]} : vector<128x64xf32> to vector<128x8xf32>
        %slice3A_137 = vector.extract_strided_slice %dot_general3A_60 {offsets = [0, 24], sizes = [256, 8], strides = [1, 1]} : vector<256x64xf32> to vector<256x8xf32>
        %slice3A_138 = vector.extract_strided_slice %dot_general3A_65 {offsets = [0, 24], sizes = [256, 8], strides = [1, 1]} : vector<256x64xf32> to vector<256x8xf32>
        %dot_general3A_139 = arith.constant dense<0.000000e+00> : vector<128x256xf32>
        %dot_general3A_140 = tpu.matmul %slice3A_136, %slice3A_137, %dot_general3A_139 {dimension_numbers = #tpu.dot_dimension_numbers<[1], [1], [0], [0], [0, 0, 1, 0], [], []>, transpose_lhs_hint = false} : vector<128x8xf32>, vector<256x8xf32>, vector<128x256xf32> -> vector<128x256xf32>
        %mul3A_141 = arith.constant 0.353553385 : f32
        %mul3A_142 = vector.broadcast %mul3A_141 : f32 to vector<128x256xf32>
        %mul3A_143 = arith.mulf %dot_general3A_140, %mul3A_142 : vector<128x256xf32>
        %add3A_144 = vector.broadcast %select_n3A_73 : vector<1x256xf32> to vector<128x256xf32>
        %add3A_145 = arith.addf %mul3A_143, %add3A_144 : vector<128x256xf32>
        %reduce_max3A_146 = arith.constant dense<0xFF800000> : vector<128xf32>
        %reduce_max3A_147 = vector.multi_reduction <maximumf>, %add3A_145, %reduce_max3A_146 [1] : vector<128x256xf32> to vector<128xf32>
        %broadcast_in_dim3A_148 = vector.shape_cast %reduce_max3A_147 : vector<128xf32> to vector<128x1xf32>
        %sub3A_149 = vector.broadcast %broadcast_in_dim3A_148 : vector<128x1xf32> to vector<128x256xf32>
        %sub3A_150 = arith.subf %add3A_145, %sub3A_149 : vector<128x256xf32>
        %exp3A_151 = math.exp %sub3A_150 : vector<128x256xf32>
        %reduce_sum3A_152 = arith.constant dense<0.000000e+00> : vector<128xf32>
        %reduce_sum3A_153 = vector.multi_reduction <add>, %exp3A_151, %reduce_sum3A_152 [1] : vector<128x256xf32> to vector<128xf32>
        %broadcast_in_dim3A_154 = vector.shape_cast %reduce_sum3A_153 : vector<128xf32> to vector<128x1xf32>
        %dot_general3A_155 = arith.constant dense<0.000000e+00> : vector<128x8xf32>
        %dot_general3A_156 = tpu.matmul %exp3A_151, %slice3A_138, %dot_general3A_155 {dimension_numbers = #tpu.dot_dimension_numbers<[1], [0], [0], [1], [0, 0, 1, 1], [], []>, transpose_lhs_hint = false} : vector<128x256xf32>, vector<256x8xf32>, vector<128x8xf32> -> vector<128x8xf32>
        %div3A_157 = vector.broadcast %broadcast_in_dim3A_154 : vector<128x1xf32> to vector<128x8xf32>
        %div3A_158 = arith.divf %dot_general3A_156, %div3A_157 : vector<128x8xf32>
        %slice3A_159 = vector.extract_strided_slice %dot_general3A_55 {offsets = [0, 32], sizes = [128, 8], strides = [1, 1]} : vector<128x64xf32> to vector<128x8xf32>
        %slice3A_160 = vector.extract_strided_slice %dot_general3A_60 {offsets = [0, 32], sizes = [256, 8], strides = [1, 1]} : vector<256x64xf32> to vector<256x8xf32>
        %slice3A_161 = vector.extract_strided_slice %dot_general3A_65 {offsets = [0, 32], sizes = [256, 8], strides = [1, 1]} : vector<256x64xf32> to vector<256x8xf32>
        %dot_general3A_162 = arith.constant dense<0.000000e+00> : vector<128x256xf32>
        %dot_general3A_163 = tpu.matmul %slice3A_159, %slice3A_160, %dot_general3A_162 {dimension_numbers = #tpu.dot_dimension_numbers<[1], [1], [0], [0], [0, 0, 1, 0], [], []>, transpose_lhs_hint = false} : vector<128x8xf32>, vector<256x8xf32>, vector<128x256xf32> -> vector<128x256xf32>
        %mul3A_164 = arith.constant 0.353553385 : f32
        %mul3A_165 = vector.broadcast %mul3A_164 : f32 to vector<128x256xf32>
        %mul3A_166 = arith.mulf %dot_general3A_163, %mul3A_165 : vector<128x256xf32>
        %add3A_167 = vector.broadcast %select_n3A_73 : vector<1x256xf32> to vector<128x256xf32>
        %add3A_168 = arith.addf %mul3A_166, %add3A_167 : vector<128x256xf32>
        %reduce_max3A_169 = arith.constant dense<0xFF800000> : vector<128xf32>
        %reduce_max3A_170 = vector.multi_reduction <maximumf>, %add3A_168, %reduce_max3A_169 [1] : vector<128x256xf32> to vector<128xf32>
        %broadcast_in_dim3A_171 = vector.shape_cast %reduce_max3A_170 : vector<128xf32> to vector<128x1xf32>
        %sub3A_172 = vector.broadcast %broadcast_in_dim3A_171 : vector<128x1xf32> to vector<128x256xf32>
        %sub3A_173 = arith.subf %add3A_168, %sub3A_172 : vector<128x256xf32>
        %exp3A_174 = math.exp %sub3A_173 : vector<128x256xf32>
        %reduce_sum3A_175 = arith.constant dense<0.000000e+00> : vector<128xf32>
        %reduce_sum3A_176 = vector.multi_reduction <add>, %exp3A_174, %reduce_sum3A_175 [1] : vector<128x256xf32> to vector<128xf32>
        %broadcast_in_dim3A_177 = vector.shape_cast %reduce_sum3A_176 : vector<128xf32> to vector<128x1xf32>
        %dot_general3A_178 = arith.constant dense<0.000000e+00> : vector<128x8xf32>
        %dot_general3A_179 = tpu.matmul %exp3A_174, %slice3A_161, %dot_general3A_178 {dimension_numbers = #tpu.dot_dimension_numbers<[1], [0], [0], [1], [0, 0, 1, 1], [], []>, transpose_lhs_hint = false} : vector<128x256xf32>, vector<256x8xf32>, vector<128x8xf32> -> vector<128x8xf32>
        %div3A_180 = vector.broadcast %broadcast_in_dim3A_177 : vector<128x1xf32> to vector<128x8xf32>
        %div3A_181 = arith.divf %dot_general3A_179, %div3A_180 : vector<128x8xf32>
        %slice3A_182 = vector.extract_strided_slice %dot_general3A_55 {offsets = [0, 40], sizes = [128, 8], strides = [1, 1]} : vector<128x64xf32> to vector<128x8xf32>
        %slice3A_183 = vector.extract_strided_slice %dot_general3A_60 {offsets = [0, 40], sizes = [256, 8], strides = [1, 1]} : vector<256x64xf32> to vector<256x8xf32>
        %slice3A_184 = vector.extract_strided_slice %dot_general3A_65 {offsets = [0, 40], sizes = [256, 8], strides = [1, 1]} : vector<256x64xf32> to vector<256x8xf32>
        %dot_general3A_185 = arith.constant dense<0.000000e+00> : vector<128x256xf32>
        %dot_general3A_186 = tpu.matmul %slice3A_182, %slice3A_183, %dot_general3A_185 {dimension_numbers = #tpu.dot_dimension_numbers<[1], [1], [0], [0], [0, 0, 1, 0], [], []>, transpose_lhs_hint = false} : vector<128x8xf32>, vector<256x8xf32>, vector<128x256xf32> -> vector<128x256xf32>
        %mul3A_187 = arith.constant 0.353553385 : f32
        %mul3A_188 = vector.broadcast %mul3A_187 : f32 to vector<128x256xf32>
        %mul3A_189 = arith.mulf %dot_general3A_186, %mul3A_188 : vector<128x256xf32>
        %add3A_190 = vector.broadcast %select_n3A_73 : vector<1x256xf32> to vector<128x256xf32>
        %add3A_191 = arith.addf %mul3A_189, %add3A_190 : vector<128x256xf32>
        %reduce_max3A_192 = arith.constant dense<0xFF800000> : vector<128xf32>
        %reduce_max3A_193 = vector.multi_reduction <maximumf>, %add3A_191, %reduce_max3A_192 [1] : vector<128x256xf32> to vector<128xf32>
        %broadcast_in_dim3A_194 = vector.shape_cast %reduce_max3A_193 : vector<128xf32> to vector<128x1xf32>
        %sub3A_195 = vector.broadcast %broadcast_in_dim3A_194 : vector<128x1xf32> to vector<128x256xf32>
        %sub3A_196 = arith.subf %add3A_191, %sub3A_195 : vector<128x256xf32>
        %exp3A_197 = math.exp %sub3A_196 : vector<128x256xf32>
        %reduce_sum3A_198 = arith.constant dense<0.000000e+00> : vector<128xf32>
        %reduce_sum3A_199 = vector.multi_reduction <add>, %exp3A_197, %reduce_sum3A_198 [1] : vector<128x256xf32> to vector<128xf32>
        %broadcast_in_dim3A_200 = vector.shape_cast %reduce_sum3A_199 : vector<128xf32> to vector<128x1xf32>
        %dot_general3A_201 = arith.constant dense<0.000000e+00> : vector<128x8xf32>
        %dot_general3A_202 = tpu.matmul %exp3A_197, %slice3A_184, %dot_general3A_201 {dimension_numbers = #tpu.dot_dimension_numbers<[1], [0], [0], [1], [0, 0, 1, 1], [], []>, transpose_lhs_hint = false} : vector<128x256xf32>, vector<256x8xf32>, vector<128x8xf32> -> vector<128x8xf32>
        %div3A_203 = vector.broadcast %broadcast_in_dim3A_200 : vector<128x1xf32> to vector<128x8xf32>
        %div3A_204 = arith.divf %dot_general3A_202, %div3A_203 : vector<128x8xf32>
        %slice3A_205 = vector.extract_strided_slice %dot_general3A_55 {offsets = [0, 48], sizes = [128, 8], strides = [1, 1]} : vector<128x64xf32> to vector<128x8xf32>
        %slice3A_206 = vector.extract_strided_slice %dot_general3A_60 {offsets = [0, 48], sizes = [256, 8], strides = [1, 1]} : vector<256x64xf32> to vector<256x8xf32>
        %slice3A_207 = vector.extract_strided_slice %dot_general3A_65 {offsets = [0, 48], sizes = [256, 8], strides = [1, 1]} : vector<256x64xf32> to vector<256x8xf32>
        %dot_general3A_208 = arith.constant dense<0.000000e+00> : vector<128x256xf32>
        %dot_general3A_209 = tpu.matmul %slice3A_205, %slice3A_206, %dot_general3A_208 {dimension_numbers = #tpu.dot_dimension_numbers<[1], [1], [0], [0], [0, 0, 1, 0], [], []>, transpose_lhs_hint = false} : vector<128x8xf32>, vector<256x8xf32>, vector<128x256xf32> -> vector<128x256xf32>
        %mul3A_210 = arith.constant 0.353553385 : f32
        %mul3A_211 = vector.broadcast %mul3A_210 : f32 to vector<128x256xf32>
        %mul3A_212 = arith.mulf %dot_general3A_209, %mul3A_211 : vector<128x256xf32>
        %add3A_213 = vector.broadcast %select_n3A_73 : vector<1x256xf32> to vector<128x256xf32>
        %add3A_214 = arith.addf %mul3A_212, %add3A_213 : vector<128x256xf32>
        %reduce_max3A_215 = arith.constant dense<0xFF800000> : vector<128xf32>
        %reduce_max3A_216 = vector.multi_reduction <maximumf>, %add3A_214, %reduce_max3A_215 [1] : vector<128x256xf32> to vector<128xf32>
        %broadcast_in_dim3A_217 = vector.shape_cast %reduce_max3A_216 : vector<128xf32> to vector<128x1xf32>
        %sub3A_218 = vector.broadcast %broadcast_in_dim3A_217 : vector<128x1xf32> to vector<128x256xf32>
        %sub3A_219 = arith.subf %add3A_214, %sub3A_218 : vector<128x256xf32>
        %exp3A_220 = math.exp %sub3A_219 : vector<128x256xf32>
        %reduce_sum3A_221 = arith.constant dense<0.000000e+00> : vector<128xf32>
        %reduce_sum3A_222 = vector.multi_reduction <add>, %exp3A_220, %reduce_sum3A_221 [1] : vector<128x256xf32> to vector<128xf32>
        %broadcast_in_dim3A_223 = vector.shape_cast %reduce_sum3A_222 : vector<128xf32> to vector<128x1xf32>
        %dot_general3A_224 = arith.constant dense<0.000000e+00> : vector<128x8xf32>
        %dot_general3A_225 = tpu.matmul %exp3A_220, %slice3A_207, %dot_general3A_224 {dimension_numbers = #tpu.dot_dimension_numbers<[1], [0], [0], [1], [0, 0, 1, 1], [], []>, transpose_lhs_hint = false} : vector<128x256xf32>, vector<256x8xf32>, vector<128x8xf32> -> vector<128x8xf32>
        %div3A_226 = vector.broadcast %broadcast_in_dim3A_223 : vector<128x1xf32> to vector<128x8xf32>
        %div3A_227 = arith.divf %dot_general3A_225, %div3A_226 : vector<128x8xf32>
        %slice3A_228 = vector.extract_strided_slice %dot_general3A_55 {offsets = [0, 56], sizes = [128, 8], strides = [1, 1]} : vector<128x64xf32> to vector<128x8xf32>
        %slice3A_229 = vector.extract_strided_slice %dot_general3A_60 {offsets = [0, 56], sizes = [256, 8], strides = [1, 1]} : vector<256x64xf32> to vector<256x8xf32>
        %slice3A_230 = vector.extract_strided_slice %dot_general3A_65 {offsets = [0, 56], sizes = [256, 8], strides = [1, 1]} : vector<256x64xf32> to vector<256x8xf32>
        %dot_general3A_231 = arith.constant dense<0.000000e+00> : vector<128x256xf32>
        %dot_general3A_232 = tpu.matmul %slice3A_228, %slice3A_229, %dot_general3A_231 {dimension_numbers = #tpu.dot_dimension_numbers<[1], [1], [0], [0], [0, 0, 1, 0], [], []>, transpose_lhs_hint = false} : vector<128x8xf32>, vector<256x8xf32>, vector<128x256xf32> -> vector<128x256xf32>
        %mul3A_233 = arith.constant 0.353553385 : f32
        %mul3A_234 = vector.broadcast %mul3A_233 : f32 to vector<128x256xf32>
        %mul3A_235 = arith.mulf %dot_general3A_232, %mul3A_234 : vector<128x256xf32>
        %add3A_236 = vector.broadcast %select_n3A_73 : vector<1x256xf32> to vector<128x256xf32>
        %add3A_237 = arith.addf %mul3A_235, %add3A_236 : vector<128x256xf32>
        %reduce_max3A_238 = arith.constant dense<0xFF800000> : vector<128xf32>
        %reduce_max3A_239 = vector.multi_reduction <maximumf>, %add3A_237, %reduce_max3A_238 [1] : vector<128x256xf32> to vector<128xf32>
        %broadcast_in_dim3A_240 = vector.shape_cast %reduce_max3A_239 : vector<128xf32> to vector<128x1xf32>
        %sub3A_241 = vector.broadcast %broadcast_in_dim3A_240 : vector<128x1xf32> to vector<128x256xf32>
        %sub3A_242 = arith.subf %add3A_237, %sub3A_241 : vector<128x256xf32>
        %exp3A_243 = math.exp %sub3A_242 : vector<128x256xf32>
        %reduce_sum3A_244 = arith.constant dense<0.000000e+00> : vector<128xf32>
        %reduce_sum3A_245 = vector.multi_reduction <add>, %exp3A_243, %reduce_sum3A_244 [1] : vector<128x256xf32> to vector<128xf32>
        %broadcast_in_dim3A_246 = vector.shape_cast %reduce_sum3A_245 : vector<128xf32> to vector<128x1xf32>
        %dot_general3A_247 = arith.constant dense<0.000000e+00> : vector<128x8xf32>
        %dot_general3A_248 = tpu.matmul %exp3A_243, %slice3A_230, %dot_general3A_247 {dimension_numbers = #tpu.dot_dimension_numbers<[1], [0], [0], [1], [0, 0, 1, 1], [], []>, transpose_lhs_hint = false} : vector<128x256xf32>, vector<256x8xf32>, vector<128x8xf32> -> vector<128x8xf32>
        %div3A_249 = vector.broadcast %broadcast_in_dim3A_246 : vector<128x1xf32> to vector<128x8xf32>
        %div3A_250 = arith.divf %dot_general3A_248, %div3A_249 : vector<128x8xf32>
        %concatenate3A = tpu.concatenate %div3A_89, %div3A_112, %div3A_135, %div3A_158, %div3A_181, %div3A_204, %div3A_227, %div3A_250 in 1 : vector<128x8xf32>, vector<128x8xf32>, vector<128x8xf32>, vector<128x8xf32>, vector<128x8xf32>, vector<128x8xf32>, vector<128x8xf32>, vector<128x8xf32> -> vector<128x64xf32>
        %get3A_251 = arith.constant 0 : index
        %get3A_252 = arith.constant 0 : index
        %get3A_253 = vector.load %arg7[%get3A_251, %get3A_252] : memref<64x64xf32, #tpu.memory_space<vmem>>, vector<64x64xf32>
        %dot_general3A_254 = arith.constant dense<0.000000e+00> : vector<128x64xf32>
        %dot_general3A_255 = tpu.matmul %concatenate3A, %get3A_253, %dot_general3A_254 {dimension_numbers = #tpu.dot_dimension_numbers<[1], [0], [0], [1], [0, 0, 1, 1], [], []>, transpose_lhs_hint = false} : vector<128x64xf32>, vector<64x64xf32>, vector<128x64xf32> -> vector<128x64xf32>
        %add3A_256 = arith.addf %get3A_13, %dot_general3A_255 : vector<128x64xf32>
        %swap3A = arith.constant 0 : index
        %swap3A_257 = arith.constant 0 : index
        %swap3A_258 = arith.constant 0 : index
        %swap3A_259 = vector.load %arg8[%swap3A, %swap3A_257, %swap3A_258] : memref<1x128x64xf32, #tpu.memory_space<vmem>>, vector<1x128x64xf32>
        %swap3A_260 = vector.shape_cast %swap3A_259 : vector<1x128x64xf32> to vector<128x64xf32>
        %swap3A_261 = vector.shape_cast %add3A_256 : vector<128x64xf32> to vector<1x128x64xf32>
        tpu.vector_store %arg8[%swap3A, %swap3A_257, %swap3A_258], %swap3A_261 {strides = array<i32>} : memref<1x128x64xf32, #tpu.memory_space<vmem>>, vector<1x128x64xf32>,
      } else {
      }
      %gt3A_19 = arith.constant 256 : i32
      %gt3A_20 = arith.cmpi sgt, %convert_element_type3A, %gt3A_19 : i32
      %le3A_21 = arith.constant 512 : i32
      %le3A_22 = arith.cmpi sle, %convert_element_type3A, %le3A_21 : i32
      %and3A_23 = arith.andi %gt3A_20, %le3A_22 : i1
      %convert_element_type3A_24 = arith.extui %and3A_23 : i1 to i32
      %cond3A_25 = arith.constant 0 : i32
      %cond3A_26 = arith.cmpi ne, %convert_element_type3A_24, %cond3A_25 : i32
      scf.if %cond3A_26 {
        %get3A_43 = arith.constant 0 : index
        %get3A_44 = arith.constant 0 : index
        %get3A_45 = arith.constant 0 : index
        %get3A_46 = vector.load %arg2[%get3A_43, %get3A_44, %get3A_45] : memref<1x1024x64xf32, #tpu.memory_space<vmem>>, vector<1x512x64xf32>
        %get3A_47 = vector.shape_cast %get3A_46 : vector<1x512x64xf32> to vector<512x64xf32>
        %iota3A = tpu.iota {dimensions = array<i32: 0>} : vector<512x1xi32>
        %lt3A_48 = vector.broadcast %convert_element_type3A : i32 to vector<512x1xi32>
        %lt3A_49 = arith.cmpi slt, %iota3A, %lt3A_48 : vector<512x1xi32>
        %jit3A = arith.constant 0.000000e+00 : f32
        %broadcast_in_dim3A = vector.shape_cast %lt3A_49 : vector<512x1xi1> to vector<512x1xi1>
        %broadcast_in_dim3A_50 = vector.broadcast %broadcast_in_dim3A : vector<512x1xi1> to vector<512x64xi1>
        %broadcast_in_dim3A_51 = vector.broadcast %jit3A : f32 to vector<512x64xf32>
        %select_n3A = arith.select %broadcast_in_dim3A_50, %get3A_47, %broadcast_in_dim3A_51 : vector<512x64xi1>, vector<512x64xf32>
        %get3A_52 = arith.constant 0 : index
        %get3A_53 = arith.constant 0 : index
        %get3A_54 = vector.load %arg4[%get3A_52, %get3A_53] : memref<64x64xf32, #tpu.memory_space<vmem>>, vector<64x64xf32>
        %dot_general3A = arith.constant dense<0.000000e+00> : vector<128x64xf32>
        %dot_general3A_55 = tpu.matmul %get3A_13, %get3A_54, %dot_general3A {dimension_numbers = #tpu.dot_dimension_numbers<[1], [0], [0], [1], [0, 0, 1, 1], [], []>, transpose_lhs_hint = false} : vector<128x64xf32>, vector<64x64xf32>, vector<128x64xf32> -> vector<128x64xf32>
        %get3A_56 = arith.constant 0 : index
        %get3A_57 = arith.constant 0 : index
        %get3A_58 = vector.load %arg5[%get3A_56, %get3A_57] : memref<64x64xf32, #tpu.memory_space<vmem>>, vector<64x64xf32>
        %dot_general3A_59 = arith.constant dense<0.000000e+00> : vector<512x64xf32>
        %dot_general3A_60 = tpu.matmul %select_n3A, %get3A_58, %dot_general3A_59 {dimension_numbers = #tpu.dot_dimension_numbers<[1], [0], [0], [1], [0, 0, 1, 1], [], []>, transpose_lhs_hint = false} : vector<512x64xf32>, vector<64x64xf32>, vector<512x64xf32> -> vector<512x64xf32>
        %get3A_61 = arith.constant 0 : index
        %get3A_62 = arith.constant 0 : index
        %get3A_63 = vector.load %arg6[%get3A_61, %get3A_62] : memref<64x64xf32, #tpu.memory_space<vmem>>, vector<64x64xf32>
        %dot_general3A_64 = arith.constant dense<0.000000e+00> : vector<512x64xf32>
        %dot_general3A_65 = tpu.matmul %select_n3A, %get3A_63, %dot_general3A_64 {dimension_numbers = #tpu.dot_dimension_numbers<[1], [0], [0], [1], [0, 0, 1, 1], [], []>, transpose_lhs_hint = false} : vector<512x64xf32>, vector<64x64xf32>, vector<512x64xf32> -> vector<512x64xf32>
        %iota3A_66 = tpu.iota {dimensions = array<i32: 1>} : vector<1x512xi32>
        %lt3A_67 = vector.broadcast %convert_element_type3A : i32 to vector<1x512xi32>
        %lt3A_68 = arith.cmpi slt, %iota3A_66, %lt3A_67 : vector<1x512xi32>
        %jit3A_69 = arith.constant 0.000000e+00 : f32
        %jit3A_70 = arith.constant -1.000000e+09 : f32
        %broadcast_in_dim3A_71 = vector.broadcast %jit3A_69 : f32 to vector<1x512xf32>
        %broadcast_in_dim3A_72 = vector.broadcast %jit3A_70 : f32 to vector<1x512xf32>
        %select_n3A_73 = arith.select %lt3A_68, %broadcast_in_dim3A_71, %broadcast_in_dim3A_72 : vector<1x512xi1>, vector<1x512xf32>
        %slice3A = vector.extract_strided_slice %dot_general3A_55 {offsets = [0, 0], sizes = [128, 8], strides = [1, 1]} : vector<128x64xf32> to vector<128x8xf32>
        %slice3A_74 = vector.extract_strided_slice %dot_general3A_60 {offsets = [0, 0], sizes = [512, 8], strides = [1, 1]} : vector<512x64xf32> to vector<512x8xf32>
        %slice3A_75 = vector.extract_strided_slice %dot_general3A_65 {offsets = [0, 0], sizes = [512, 8], strides = [1, 1]} : vector<512x64xf32> to vector<512x8xf32>
        %dot_general3A_76 = arith.constant dense<0.000000e+00> : vector<128x512xf32>
        %dot_general3A_77 = tpu.matmul %slice3A, %slice3A_74, %dot_general3A_76 {dimension_numbers = #tpu.dot_dimension_numbers<[1], [1], [0], [0], [0, 0, 1, 0], [], []>, transpose_lhs_hint = false} : vector<128x8xf32>, vector<512x8xf32>, vector<128x512xf32> -> vector<128x512xf32>
        %mul3A_78 = arith.constant 0.353553385 : f32
        %mul3A_79 = vector.broadcast %mul3A_78 : f32 to vector<128x512xf32>
        %mul3A_80 = arith.mulf %dot_general3A_77, %mul3A_79 : vector<128x512xf32>
        %add3A = vector.broadcast %select_n3A_73 : vector<1x512xf32> to vector<128x512xf32>
        %add3A_81 = arith.addf %mul3A_80, %add3A : vector<128x512xf32>
        %reduce_max3A = arith.constant dense<0xFF800000> : vector<128xf32>
        %reduce_max3A_82 = vector.multi_reduction <maximumf>, %add3A_81, %reduce_max3A [1] : vector<128x512xf32> to vector<128xf32>
        %broadcast_in_dim3A_83 = vector.shape_cast %reduce_max3A_82 : vector<128xf32> to vector<128x1xf32>
        %sub3A = vector.broadcast %broadcast_in_dim3A_83 : vector<128x1xf32> to vector<128x512xf32>
        %sub3A_84 = arith.subf %add3A_81, %sub3A : vector<128x512xf32>
        %exp3A = math.exp %sub3A_84 : vector<128x512xf32>
        %reduce_sum3A = arith.constant dense<0.000000e+00> : vector<128xf32>
        %reduce_sum3A_85 = vector.multi_reduction <add>, %exp3A, %reduce_sum3A [1] : vector<128x512xf32> to vector<128xf32>
        %broadcast_in_dim3A_86 = vector.shape_cast %reduce_sum3A_85 : vector<128xf32> to vector<128x1xf32>
        %dot_general3A_87 = arith.constant dense<0.000000e+00> : vector<128x8xf32>
        %dot_general3A_88 = tpu.matmul %exp3A, %slice3A_75, %dot_general3A_87 {dimension_numbers = #tpu.dot_dimension_numbers<[1], [0], [0], [1], [0, 0, 1, 1], [], []>, transpose_lhs_hint = false} : vector<128x512xf32>, vector<512x8xf32>, vector<128x8xf32> -> vector<128x8xf32>
        %div3A = vector.broadcast %broadcast_in_dim3A_86 : vector<128x1xf32> to vector<128x8xf32>
        %div3A_89 = arith.divf %dot_general3A_88, %div3A : vector<128x8xf32>
        %slice3A_90 = vector.extract_strided_slice %dot_general3A_55 {offsets = [0, 8], sizes = [128, 8], strides = [1, 1]} : vector<128x64xf32> to vector<128x8xf32>
        %slice3A_91 = vector.extract_strided_slice %dot_general3A_60 {offsets = [0, 8], sizes = [512, 8], strides = [1, 1]} : vector<512x64xf32> to vector<512x8xf32>
        %slice3A_92 = vector.extract_strided_slice %dot_general3A_65 {offsets = [0, 8], sizes = [512, 8], strides = [1, 1]} : vector<512x64xf32> to vector<512x8xf32>
        %dot_general3A_93 = arith.constant dense<0.000000e+00> : vector<128x512xf32>
        %dot_general3A_94 = tpu.matmul %slice3A_90, %slice3A_91, %dot_general3A_93 {dimension_numbers = #tpu.dot_dimension_numbers<[1], [1], [0], [0], [0, 0, 1, 0], [], []>, transpose_lhs_hint = false} : vector<128x8xf32>, vector<512x8xf32>, vector<128x512xf32> -> vector<128x512xf32>
        %mul3A_95 = arith.constant 0.353553385 : f32
        %mul3A_96 = vector.broadcast %mul3A_95 : f32 to vector<128x512xf32>
        %mul3A_97 = arith.mulf %dot_general3A_94, %mul3A_96 : vector<128x512xf32>
        %add3A_98 = vector.broadcast %select_n3A_73 : vector<1x512xf32> to vector<128x512xf32>
        %add3A_99 = arith.addf %mul3A_97, %add3A_98 : vector<128x512xf32>
        %reduce_max3A_100 = arith.constant dense<0xFF800000> : vector<128xf32>
        %reduce_max3A_101 = vector.multi_reduction <maximumf>, %add3A_99, %reduce_max3A_100 [1] : vector<128x512xf32> to vector<128xf32>
        %broadcast_in_dim3A_102 = vector.shape_cast %reduce_max3A_101 : vector<128xf32> to vector<128x1xf32>
        %sub3A_103 = vector.broadcast %broadcast_in_dim3A_102 : vector<128x1xf32> to vector<128x512xf32>
        %sub3A_104 = arith.subf %add3A_99, %sub3A_103 : vector<128x512xf32>
        %exp3A_105 = math.exp %sub3A_104 : vector<128x512xf32>
        %reduce_sum3A_106 = arith.constant dense<0.000000e+00> : vector<128xf32>
        %reduce_sum3A_107 = vector.multi_reduction <add>, %exp3A_105, %reduce_sum3A_106 [1] : vector<128x512xf32> to vector<128xf32>
        %broadcast_in_dim3A_108 = vector.shape_cast %reduce_sum3A_107 : vector<128xf32> to vector<128x1xf32>
        %dot_general3A_109 = arith.constant dense<0.000000e+00> : vector<128x8xf32>
        %dot_general3A_110 = tpu.matmul %exp3A_105, %slice3A_92, %dot_general3A_109 {dimension_numbers = #tpu.dot_dimension_numbers<[1], [0], [0], [1], [0, 0, 1, 1], [], []>, transpose_lhs_hint = false} : vector<128x512xf32>, vector<512x8xf32>, vector<128x8xf32> -> vector<128x8xf32>
        %div3A_111 = vector.broadcast %broadcast_in_dim3A_108 : vector<128x1xf32> to vector<128x8xf32>
        %div3A_112 = arith.divf %dot_general3A_110, %div3A_111 : vector<128x8xf32>
        %slice3A_113 = vector.extract_strided_slice %dot_general3A_55 {offsets = [0, 16], sizes = [128, 8], strides = [1, 1]} : vector<128x64xf32> to vector<128x8xf32>
        %slice3A_114 = vector.extract_strided_slice %dot_general3A_60 {offsets = [0, 16], sizes = [512, 8], strides = [1, 1]} : vector<512x64xf32> to vector<512x8xf32>
        %slice3A_115 = vector.extract_strided_slice %dot_general3A_65 {offsets = [0, 16], sizes = [512, 8], strides = [1, 1]} : vector<512x64xf32> to vector<512x8xf32>
        %dot_general3A_116 = arith.constant dense<0.000000e+00> : vector<128x512xf32>
        %dot_general3A_117 = tpu.matmul %slice3A_113, %slice3A_114, %dot_general3A_116 {dimension_numbers = #tpu.dot_dimension_numbers<[1], [1], [0], [0], [0, 0, 1, 0], [], []>, transpose_lhs_hint = false} : vector<128x8xf32>, vector<512x8xf32>, vector<128x512xf32> -> vector<128x512xf32>
        %mul3A_118 = arith.constant 0.353553385 : f32
        %mul3A_119 = vector.broadcast %mul3A_118 : f32 to vector<128x512xf32>
        %mul3A_120 = arith.mulf %dot_general3A_117, %mul3A_119 : vector<128x512xf32>
        %add3A_121 = vector.broadcast %select_n3A_73 : vector<1x512xf32> to vector<128x512xf32>
        %add3A_122 = arith.addf %mul3A_120, %add3A_121 : vector<128x512xf32>
        %reduce_max3A_123 = arith.constant dense<0xFF800000> : vector<128xf32>
        %reduce_max3A_124 = vector.multi_reduction <maximumf>, %add3A_122, %reduce_max3A_123 [1] : vector<128x512xf32> to vector<128xf32>
        %broadcast_in_dim3A_125 = vector.shape_cast %reduce_max3A_124 : vector<128xf32> to vector<128x1xf32>
        %sub3A_126 = vector.broadcast %broadcast_in_dim3A_125 : vector<128x1xf32> to vector<128x512xf32>
        %sub3A_127 = arith.subf %add3A_122, %sub3A_126 : vector<128x512xf32>
        %exp3A_128 = math.exp %sub3A_127 : vector<128x512xf32>
        %reduce_sum3A_129 = arith.constant dense<0.000000e+00> : vector<128xf32>
        %reduce_sum3A_130 = vector.multi_reduction <add>, %exp3A_128, %reduce_sum3A_129 [1] : vector<128x512xf32> to vector<128xf32>
        %broadcast_in_dim3A_131 = vector.shape_cast %reduce_sum3A_130 : vector<128xf32> to vector<128x1xf32>
        %dot_general3A_132 = arith.constant dense<0.000000e+00> : vector<128x8xf32>
        %dot_general3A_133 = tpu.matmul %exp3A_128, %slice3A_115, %dot_general3A_132 {dimension_numbers = #tpu.dot_dimension_numbers<[1], [0], [0], [1], [0, 0, 1, 1], [], []>, transpose_lhs_hint = false} : vector<128x512xf32>, vector<512x8xf32>, vector<128x8xf32> -> vector<128x8xf32>
        %div3A_134 = vector.broadcast %broadcast_in_dim3A_131 : vector<128x1xf32> to vector<128x8xf32>
        %div3A_135 = arith.divf %dot_general3A_133, %div3A_134 : vector<128x8xf32>
        %slice3A_136 = vector.extract_strided_slice %dot_general3A_55 {offsets = [0, 24], sizes = [128, 8], strides = [1, 1]} : vector<128x64xf32> to vector<128x8xf32>
        %slice3A_137 = vector.extract_strided_slice %dot_general3A_60 {offsets = [0, 24], sizes = [512, 8], strides = [1, 1]} : vector<512x64xf32> to vector<512x8xf32>
        %slice3A_138 = vector.extract_strided_slice %dot_general3A_65 {offsets = [0, 24], sizes = [512, 8], strides = [1, 1]} : vector<512x64xf32> to vector<512x8xf32>
        %dot_general3A_139 = arith.constant dense<0.000000e+00> : vector<128x512xf32>
        %dot_general3A_140 = tpu.matmul %slice3A_136, %slice3A_137, %dot_general3A_139 {dimension_numbers = #tpu.dot_dimension_numbers<[1], [1], [0], [0], [0, 0, 1, 0], [], []>, transpose_lhs_hint = false} : vector<128x8xf32>, vector<512x8xf32>, vector<128x512xf32> -> vector<128x512xf32>
        %mul3A_141 = arith.constant 0.353553385 : f32
        %mul3A_142 = vector.broadcast %mul3A_141 : f32 to vector<128x512xf32>
        %mul3A_143 = arith.mulf %dot_general3A_140, %mul3A_142 : vector<128x512xf32>
        %add3A_144 = vector.broadcast %select_n3A_73 : vector<1x512xf32> to vector<128x512xf32>
        %add3A_145 = arith.addf %mul3A_143, %add3A_144 : vector<128x512xf32>
        %reduce_max3A_146 = arith.constant dense<0xFF800000> : vector<128xf32>
        %reduce_max3A_147 = vector.multi_reduction <maximumf>, %add3A_145, %reduce_max3A_146 [1] : vector<128x512xf32> to vector<128xf32>
        %broadcast_in_dim3A_148 = vector.shape_cast %reduce_max3A_147 : vector<128xf32> to vector<128x1xf32>
        %sub3A_149 = vector.broadcast %broadcast_in_dim3A_148 : vector<128x1xf32> to vector<128x512xf32>
        %sub3A_150 = arith.subf %add3A_145, %sub3A_149 : vector<128x512xf32>
        %exp3A_151 = math.exp %sub3A_150 : vector<128x512xf32>
        %reduce_sum3A_152 = arith.constant dense<0.000000e+00> : vector<128xf32>
        %reduce_sum3A_153 = vector.multi_reduction <add>, %exp3A_151, %reduce_sum3A_152 [1] : vector<128x512xf32> to vector<128xf32>
        %broadcast_in_dim3A_154 = vector.shape_cast %reduce_sum3A_153 : vector<128xf32> to vector<128x1xf32>
        %dot_general3A_155 = arith.constant dense<0.000000e+00> : vector<128x8xf32>
        %dot_general3A_156 = tpu.matmul %exp3A_151, %slice3A_138, %dot_general3A_155 {dimension_numbers = #tpu.dot_dimension_numbers<[1], [0], [0], [1], [0, 0, 1, 1], [], []>, transpose_lhs_hint = false} : vector<128x512xf32>, vector<512x8xf32>, vector<128x8xf32> -> vector<128x8xf32>
        %div3A_157 = vector.broadcast %broadcast_in_dim3A_154 : vector<128x1xf32> to vector<128x8xf32>
        %div3A_158 = arith.divf %dot_general3A_156, %div3A_157 : vector<128x8xf32>
        %slice3A_159 = vector.extract_strided_slice %dot_general3A_55 {offsets = [0, 32], sizes = [128, 8], strides = [1, 1]} : vector<128x64xf32> to vector<128x8xf32>
        %slice3A_160 = vector.extract_strided_slice %dot_general3A_60 {offsets = [0, 32], sizes = [512, 8], strides = [1, 1]} : vector<512x64xf32> to vector<512x8xf32>
        %slice3A_161 = vector.extract_strided_slice %dot_general3A_65 {offsets = [0, 32], sizes = [512, 8], strides = [1, 1]} : vector<512x64xf32> to vector<512x8xf32>
        %dot_general3A_162 = arith.constant dense<0.000000e+00> : vector<128x512xf32>
        %dot_general3A_163 = tpu.matmul %slice3A_159, %slice3A_160, %dot_general3A_162 {dimension_numbers = #tpu.dot_dimension_numbers<[1], [1], [0], [0], [0, 0, 1, 0], [], []>, transpose_lhs_hint = false} : vector<128x8xf32>, vector<512x8xf32>, vector<128x512xf32> -> vector<128x512xf32>
        %mul3A_164 = arith.constant 0.353553385 : f32
        %mul3A_165 = vector.broadcast %mul3A_164 : f32 to vector<128x512xf32>
        %mul3A_166 = arith.mulf %dot_general3A_163, %mul3A_165 : vector<128x512xf32>
        %add3A_167 = vector.broadcast %select_n3A_73 : vector<1x512xf32> to vector<128x512xf32>
        %add3A_168 = arith.addf %mul3A_166, %add3A_167 : vector<128x512xf32>
        %reduce_max3A_169 = arith.constant dense<0xFF800000> : vector<128xf32>
        %reduce_max3A_170 = vector.multi_reduction <maximumf>, %add3A_168, %reduce_max3A_169 [1] : vector<128x512xf32> to vector<128xf32>
        %broadcast_in_dim3A_171 = vector.shape_cast %reduce_max3A_170 : vector<128xf32> to vector<128x1xf32>
        %sub3A_172 = vector.broadcast %broadcast_in_dim3A_171 : vector<128x1xf32> to vector<128x512xf32>
        %sub3A_173 = arith.subf %add3A_168, %sub3A_172 : vector<128x512xf32>
        %exp3A_174 = math.exp %sub3A_173 : vector<128x512xf32>
        %reduce_sum3A_175 = arith.constant dense<0.000000e+00> : vector<128xf32>
        %reduce_sum3A_176 = vector.multi_reduction <add>, %exp3A_174, %reduce_sum3A_175 [1] : vector<128x512xf32> to vector<128xf32>
        %broadcast_in_dim3A_177 = vector.shape_cast %reduce_sum3A_176 : vector<128xf32> to vector<128x1xf32>
        %dot_general3A_178 = arith.constant dense<0.000000e+00> : vector<128x8xf32>
        %dot_general3A_179 = tpu.matmul %exp3A_174, %slice3A_161, %dot_general3A_178 {dimension_numbers = #tpu.dot_dimension_numbers<[1], [0], [0], [1], [0, 0, 1, 1], [], []>, transpose_lhs_hint = false} : vector<128x512xf32>, vector<512x8xf32>, vector<128x8xf32> -> vector<128x8xf32>
        %div3A_180 = vector.broadcast %broadcast_in_dim3A_177 : vector<128x1xf32> to vector<128x8xf32>
        %div3A_181 = arith.divf %dot_general3A_179, %div3A_180 : vector<128x8xf32>
        %slice3A_182 = vector.extract_strided_slice %dot_general3A_55 {offsets = [0, 40], sizes = [128, 8], strides = [1, 1]} : vector<128x64xf32> to vector<128x8xf32>
        %slice3A_183 = vector.extract_strided_slice %dot_general3A_60 {offsets = [0, 40], sizes = [512, 8], strides = [1, 1]} : vector<512x64xf32> to vector<512x8xf32>
        %slice3A_184 = vector.extract_strided_slice %dot_general3A_65 {offsets = [0, 40], sizes = [512, 8], strides = [1, 1]} : vector<512x64xf32> to vector<512x8xf32>
        %dot_general3A_185 = arith.constant dense<0.000000e+00> : vector<128x512xf32>
        %dot_general3A_186 = tpu.matmul %slice3A_182, %slice3A_183, %dot_general3A_185 {dimension_numbers = #tpu.dot_dimension_numbers<[1], [1], [0], [0], [0, 0, 1, 0], [], []>, transpose_lhs_hint = false} : vector<128x8xf32>, vector<512x8xf32>, vector<128x512xf32> -> vector<128x512xf32>
        %mul3A_187 = arith.constant 0.353553385 : f32
        %mul3A_188 = vector.broadcast %mul3A_187 : f32 to vector<128x512xf32>
        %mul3A_189 = arith.mulf %dot_general3A_186, %mul3A_188 : vector<128x512xf32>
        %add3A_190 = vector.broadcast %select_n3A_73 : vector<1x512xf32> to vector<128x512xf32>
        %add3A_191 = arith.addf %mul3A_189, %add3A_190 : vector<128x512xf32>
        %reduce_max3A_192 = arith.constant dense<0xFF800000> : vector<128xf32>
        %reduce_max3A_193 = vector.multi_reduction <maximumf>, %add3A_191, %reduce_max3A_192 [1] : vector<128x512xf32> to vector<128xf32>
        %broadcast_in_dim3A_194 = vector.shape_cast %reduce_max3A_193 : vector<128xf32> to vector<128x1xf32>
        %sub3A_195 = vector.broadcast %broadcast_in_dim3A_194 : vector<128x1xf32> to vector<128x512xf32>
        %sub3A_196 = arith.subf %add3A_191, %sub3A_195 : vector<128x512xf32>
        %exp3A_197 = math.exp %sub3A_196 : vector<128x512xf32>
        %reduce_sum3A_198 = arith.constant dense<0.000000e+00> : vector<128xf32>
        %reduce_sum3A_199 = vector.multi_reduction <add>, %exp3A_197, %reduce_sum3A_198 [1] : vector<128x512xf32> to vector<128xf32>
        %broadcast_in_dim3A_200 = vector.shape_cast %reduce_sum3A_199 : vector<128xf32> to vector<128x1xf32>
        %dot_general3A_201 = arith.constant dense<0.000000e+00> : vector<128x8xf32>
        %dot_general3A_202 = tpu.matmul %exp3A_197, %slice3A_184, %dot_general3A_201 {dimension_numbers = #tpu.dot_dimension_numbers<[1], [0], [0], [1], [0, 0, 1, 1], [], []>, transpose_lhs_hint = false} : vector<128x512xf32>, vector<512x8xf32>, vector<128x8xf32> -> vector<128x8xf32>
        %div3A_203 = vector.broadcast %broadcast_in_dim3A_200 : vector<128x1xf32> to vector<128x8xf32>
        %div3A_204 = arith.divf %dot_general3A_202, %div3A_203 : vector<128x8xf32>
        %slice3A_205 = vector.extract_strided_slice %dot_general3A_55 {offsets = [0, 48], sizes = [128, 8], strides = [1, 1]} : vector<128x64xf32> to vector<128x8xf32>
        %slice3A_206 = vector.extract_strided_slice %dot_general3A_60 {offsets = [0, 48], sizes = [512, 8], strides = [1, 1]} : vector<512x64xf32> to vector<512x8xf32>
        %slice3A_207 = vector.extract_strided_slice %dot_general3A_65 {offsets = [0, 48], sizes = [512, 8], strides = [1, 1]} : vector<512x64xf32> to vector<512x8xf32>
        %dot_general3A_208 = arith.constant dense<0.000000e+00> : vector<128x512xf32>
        %dot_general3A_209 = tpu.matmul %slice3A_205, %slice3A_206, %dot_general3A_208 {dimension_numbers = #tpu.dot_dimension_numbers<[1], [1], [0], [0], [0, 0, 1, 0], [], []>, transpose_lhs_hint = false} : vector<128x8xf32>, vector<512x8xf32>, vector<128x512xf32> -> vector<128x512xf32>
        %mul3A_210 = arith.constant 0.353553385 : f32
        %mul3A_211 = vector.broadcast %mul3A_210 : f32 to vector<128x512xf32>
        %mul3A_212 = arith.mulf %dot_general3A_209, %mul3A_211 : vector<128x512xf32>
        %add3A_213 = vector.broadcast %select_n3A_73 : vector<1x512xf32> to vector<128x512xf32>
        %add3A_214 = arith.addf %mul3A_212, %add3A_213 : vector<128x512xf32>
        %reduce_max3A_215 = arith.constant dense<0xFF800000> : vector<128xf32>
        %reduce_max3A_216 = vector.multi_reduction <maximumf>, %add3A_214, %reduce_max3A_215 [1] : vector<128x512xf32> to vector<128xf32>
        %broadcast_in_dim3A_217 = vector.shape_cast %reduce_max3A_216 : vector<128xf32> to vector<128x1xf32>
        %sub3A_218 = vector.broadcast %broadcast_in_dim3A_217 : vector<128x1xf32> to vector<128x512xf32>
        %sub3A_219 = arith.subf %add3A_214, %sub3A_218 : vector<128x512xf32>
        %exp3A_220 = math.exp %sub3A_219 : vector<128x512xf32>
        %reduce_sum3A_221 = arith.constant dense<0.000000e+00> : vector<128xf32>
        %reduce_sum3A_222 = vector.multi_reduction <add>, %exp3A_220, %reduce_sum3A_221 [1] : vector<128x512xf32> to vector<128xf32>
        %broadcast_in_dim3A_223 = vector.shape_cast %reduce_sum3A_222 : vector<128xf32> to vector<128x1xf32>
        %dot_general3A_224 = arith.constant dense<0.000000e+00> : vector<128x8xf32>
        %dot_general3A_225 = tpu.matmul %exp3A_220, %slice3A_207, %dot_general3A_224 {dimension_numbers = #tpu.dot_dimension_numbers<[1], [0], [0], [1], [0, 0, 1, 1], [], []>, transpose_lhs_hint = false} : vector<128x512xf32>, vector<512x8xf32>, vector<128x8xf32> -> vector<128x8xf32>
        %div3A_226 = vector.broadcast %broadcast_in_dim3A_223 : vector<128x1xf32> to vector<128x8xf32>
        %div3A_227 = arith.divf %dot_general3A_225, %div3A_226 : vector<128x8xf32>
        %slice3A_228 = vector.extract_strided_slice %dot_general3A_55 {offsets = [0, 56], sizes = [128, 8], strides = [1, 1]} : vector<128x64xf32> to vector<128x8xf32>
        %slice3A_229 = vector.extract_strided_slice %dot_general3A_60 {offsets = [0, 56], sizes = [512, 8], strides = [1, 1]} : vector<512x64xf32> to vector<512x8xf32>
        %slice3A_230 = vector.extract_strided_slice %dot_general3A_65 {offsets = [0, 56], sizes = [512, 8], strides = [1, 1]} : vector<512x64xf32> to vector<512x8xf32>
        %dot_general3A_231 = arith.constant dense<0.000000e+00> : vector<128x512xf32>
        %dot_general3A_232 = tpu.matmul %slice3A_228, %slice3A_229, %dot_general3A_231 {dimension_numbers = #tpu.dot_dimension_numbers<[1], [1], [0], [0], [0, 0, 1, 0], [], []>, transpose_lhs_hint = false} : vector<128x8xf32>, vector<512x8xf32>, vector<128x512xf32> -> vector<128x512xf32>
        %mul3A_233 = arith.constant 0.353553385 : f32
        %mul3A_234 = vector.broadcast %mul3A_233 : f32 to vector<128x512xf32>
        %mul3A_235 = arith.mulf %dot_general3A_232, %mul3A_234 : vector<128x512xf32>
        %add3A_236 = vector.broadcast %select_n3A_73 : vector<1x512xf32> to vector<128x512xf32>
        %add3A_237 = arith.addf %mul3A_235, %add3A_236 : vector<128x512xf32>
        %reduce_max3A_238 = arith.constant dense<0xFF800000> : vector<128xf32>
        %reduce_max3A_239 = vector.multi_reduction <maximumf>, %add3A_237, %reduce_max3A_238 [1] : vector<128x512xf32> to vector<128xf32>
        %broadcast_in_dim3A_240 = vector.shape_cast %reduce_max3A_239 : vector<128xf32> to vector<128x1xf32>
        %sub3A_241 = vector.broadcast %broadcast_in_dim3A_240 : vector<128x1xf32> to vector<128x512xf32>
        %sub3A_242 = arith.subf %add3A_237, %sub3A_241 : vector<128x512xf32>
        %exp3A_243 = math.exp %sub3A_242 : vector<128x512xf32>
        %reduce_sum3A_244 = arith.constant dense<0.000000e+00> : vector<128xf32>
        %reduce_sum3A_245 = vector.multi_reduction <add>, %exp3A_243, %reduce_sum3A_244 [1] : vector<128x512xf32> to vector<128xf32>
        %broadcast_in_dim3A_246 = vector.shape_cast %reduce_sum3A_245 : vector<128xf32> to vector<128x1xf32>
        %dot_general3A_247 = arith.constant dense<0.000000e+00> : vector<128x8xf32>
        %dot_general3A_248 = tpu.matmul %exp3A_243, %slice3A_230, %dot_general3A_247 {dimension_numbers = #tpu.dot_dimension_numbers<[1], [0], [0], [1], [0, 0, 1, 1], [], []>, transpose_lhs_hint = false} : vector<128x512xf32>, vector<512x8xf32>, vector<128x8xf32> -> vector<128x8xf32>
        %div3A_249 = vector.broadcast %broadcast_in_dim3A_246 : vector<128x1xf32> to vector<128x8xf32>
        %div3A_250 = arith.divf %dot_general3A_248, %div3A_249 : vector<128x8xf32>
        %concatenate3A = tpu.concatenate %div3A_89, %div3A_112, %div3A_135, %div3A_158, %div3A_181, %div3A_204, %div3A_227, %div3A_250 in 1 : vector<128x8xf32>, vector<128x8xf32>, vector<128x8xf32>, vector<128x8xf32>, vector<128x8xf32>, vector<128x8xf32>, vector<128x8xf32>, vector<128x8xf32> -> vector<128x64xf32>
        %get3A_251 = arith.constant 0 : index
        %get3A_252 = arith.constant 0 : index
        %get3A_253 = vector.load %arg7[%get3A_251, %get3A_252] : memref<64x64xf32, #tpu.memory_space<vmem>>, vector<64x64xf32>
        %dot_general3A_254 = arith.constant dense<0.000000e+00> : vector<128x64xf32>
        %dot_general3A_255 = tpu.matmul %concatenate3A, %get3A_253, %dot_general3A_254 {dimension_numbers = #tpu.dot_dimension_numbers<[1], [0], [0], [1], [0, 0, 1, 1], [], []>, transpose_lhs_hint = false} : vector<128x64xf32>, vector<64x64xf32>, vector<128x64xf32> -> vector<128x64xf32>
        %add3A_256 = arith.addf %get3A_13, %dot_general3A_255 : vector<128x64xf32>
        %swap3A = arith.constant 0 : index
        %swap3A_257 = arith.constant 0 : index
        %swap3A_258 = arith.constant 0 : index
        %swap3A_259 = vector.load %arg8[%swap3A, %swap3A_257, %swap3A_258] : memref<1x128x64xf32, #tpu.memory_space<vmem>>, vector<1x128x64xf32>
        %swap3A_260 = vector.shape_cast %swap3A_259 : vector<1x128x64xf32> to vector<128x64xf32>
        %swap3A_261 = vector.shape_cast %add3A_256 : vector<128x64xf32> to vector<1x128x64xf32>
        tpu.vector_store %arg8[%swap3A, %swap3A_257, %swap3A_258], %swap3A_261 {strides = array<i32>} : memref<1x128x64xf32, #tpu.memory_space<vmem>>, vector<1x128x64xf32>,
      } else {
      }
      %gt3A_27 = arith.constant 512 : i32
      %gt3A_28 = arith.cmpi sgt, %convert_element_type3A, %gt3A_27 : i32
      %le3A_29 = arith.constant 768 : i32
      %le3A_30 = arith.cmpi sle, %convert_element_type3A, %le3A_29 : i32
      %and3A_31 = arith.andi %gt3A_28, %le3A_30 : i1
      %convert_element_type3A_32 = arith.extui %and3A_31 : i1 to i32
      %cond3A_33 = arith.constant 0 : i32
      %cond3A_34 = arith.cmpi ne, %convert_element_type3A_32, %cond3A_33 : i32
      scf.if %cond3A_34 {
        %get3A_43 = arith.constant 0 : index
        %get3A_44 = arith.constant 0 : index
        %get3A_45 = arith.constant 0 : index
        %get3A_46 = vector.load %arg2[%get3A_43, %get3A_44, %get3A_45] : memref<1x1024x64xf32, #tpu.memory_space<vmem>>, vector<1x768x64xf32>
        %get3A_47 = vector.shape_cast %get3A_46 : vector<1x768x64xf32> to vector<768x64xf32>
        %iota3A = tpu.iota {dimensions = array<i32: 0>} : vector<768x1xi32>
        %lt3A_48 = vector.broadcast %convert_element_type3A : i32 to vector<768x1xi32>
        %lt3A_49 = arith.cmpi slt, %iota3A, %lt3A_48 : vector<768x1xi32>
        %jit3A = arith.constant 0.000000e+00 : f32
        %broadcast_in_dim3A = vector.shape_cast %lt3A_49 : vector<768x1xi1> to vector<768x1xi1>
        %broadcast_in_dim3A_50 = vector.broadcast %broadcast_in_dim3A : vector<768x1xi1> to vector<768x64xi1>
        %broadcast_in_dim3A_51 = vector.broadcast %jit3A : f32 to vector<768x64xf32>
        %select_n3A = arith.select %broadcast_in_dim3A_50, %get3A_47, %broadcast_in_dim3A_51 : vector<768x64xi1>, vector<768x64xf32>
        %get3A_52 = arith.constant 0 : index
        %get3A_53 = arith.constant 0 : index
        %get3A_54 = vector.load %arg4[%get3A_52, %get3A_53] : memref<64x64xf32, #tpu.memory_space<vmem>>, vector<64x64xf32>
        %dot_general3A = arith.constant dense<0.000000e+00> : vector<128x64xf32>
        %dot_general3A_55 = tpu.matmul %get3A_13, %get3A_54, %dot_general3A {dimension_numbers = #tpu.dot_dimension_numbers<[1], [0], [0], [1], [0, 0, 1, 1], [], []>, transpose_lhs_hint = false} : vector<128x64xf32>, vector<64x64xf32>, vector<128x64xf32> -> vector<128x64xf32>
        %get3A_56 = arith.constant 0 : index
        %get3A_57 = arith.constant 0 : index
        %get3A_58 = vector.load %arg5[%get3A_56, %get3A_57] : memref<64x64xf32, #tpu.memory_space<vmem>>, vector<64x64xf32>
        %dot_general3A_59 = arith.constant dense<0.000000e+00> : vector<768x64xf32>
        %dot_general3A_60 = tpu.matmul %select_n3A, %get3A_58, %dot_general3A_59 {dimension_numbers = #tpu.dot_dimension_numbers<[1], [0], [0], [1], [0, 0, 1, 1], [], []>, transpose_lhs_hint = false} : vector<768x64xf32>, vector<64x64xf32>, vector<768x64xf32> -> vector<768x64xf32>
        %get3A_61 = arith.constant 0 : index
        %get3A_62 = arith.constant 0 : index
        %get3A_63 = vector.load %arg6[%get3A_61, %get3A_62] : memref<64x64xf32, #tpu.memory_space<vmem>>, vector<64x64xf32>
        %dot_general3A_64 = arith.constant dense<0.000000e+00> : vector<768x64xf32>
        %dot_general3A_65 = tpu.matmul %select_n3A, %get3A_63, %dot_general3A_64 {dimension_numbers = #tpu.dot_dimension_numbers<[1], [0], [0], [1], [0, 0, 1, 1], [], []>, transpose_lhs_hint = false} : vector<768x64xf32>, vector<64x64xf32>, vector<768x64xf32> -> vector<768x64xf32>
        %iota3A_66 = tpu.iota {dimensions = array<i32: 1>} : vector<1x768xi32>
        %lt3A_67 = vector.broadcast %convert_element_type3A : i32 to vector<1x768xi32>
        %lt3A_68 = arith.cmpi slt, %iota3A_66, %lt3A_67 : vector<1x768xi32>
        %jit3A_69 = arith.constant 0.000000e+00 : f32
        %jit3A_70 = arith.constant -1.000000e+09 : f32
        %broadcast_in_dim3A_71 = vector.broadcast %jit3A_69 : f32 to vector<1x768xf32>
        %broadcast_in_dim3A_72 = vector.broadcast %jit3A_70 : f32 to vector<1x768xf32>
        %select_n3A_73 = arith.select %lt3A_68, %broadcast_in_dim3A_71, %broadcast_in_dim3A_72 : vector<1x768xi1>, vector<1x768xf32>
        %slice3A = vector.extract_strided_slice %dot_general3A_55 {offsets = [0, 0], sizes = [128, 8], strides = [1, 1]} : vector<128x64xf32> to vector<128x8xf32>
        %slice3A_74 = vector.extract_strided_slice %dot_general3A_60 {offsets = [0, 0], sizes = [768, 8], strides = [1, 1]} : vector<768x64xf32> to vector<768x8xf32>
        %slice3A_75 = vector.extract_strided_slice %dot_general3A_65 {offsets = [0, 0], sizes = [768, 8], strides = [1, 1]} : vector<768x64xf32> to vector<768x8xf32>
        %dot_general3A_76 = arith.constant dense<0.000000e+00> : vector<128x768xf32>
        %dot_general3A_77 = tpu.matmul %slice3A, %slice3A_74, %dot_general3A_76 {dimension_numbers = #tpu.dot_dimension_numbers<[1], [1], [0], [0], [0, 0, 1, 0], [], []>, transpose_lhs_hint = false} : vector<128x8xf32>, vector<768x8xf32>, vector<128x768xf32> -> vector<128x768xf32>
        %mul3A_78 = arith.constant 0.353553385 : f32
        %mul3A_79 = vector.broadcast %mul3A_78 : f32 to vector<128x768xf32>
        %mul3A_80 = arith.mulf %dot_general3A_77, %mul3A_79 : vector<128x768xf32>
        %add3A = vector.broadcast %select_n3A_73 : vector<1x768xf32> to vector<128x768xf32>
        %add3A_81 = arith.addf %mul3A_80, %add3A : vector<128x768xf32>
        %reduce_max3A = arith.constant dense<0xFF800000> : vector<128xf32>
        %reduce_max3A_82 = vector.multi_reduction <maximumf>, %add3A_81, %reduce_max3A [1] : vector<128x768xf32> to vector<128xf32>
        %broadcast_in_dim3A_83 = vector.shape_cast %reduce_max3A_82 : vector<128xf32> to vector<128x1xf32>
        %sub3A = vector.broadcast %broadcast_in_dim3A_83 : vector<128x1xf32> to vector<128x768xf32>
        %sub3A_84 = arith.subf %add3A_81, %sub3A : vector<128x768xf32>
        %exp3A = math.exp %sub3A_84 : vector<128x768xf32>
        %reduce_sum3A = arith.constant dense<0.000000e+00> : vector<128xf32>
        %reduce_sum3A_85 = vector.multi_reduction <add>, %exp3A, %reduce_sum3A [1] : vector<128x768xf32> to vector<128xf32>
        %broadcast_in_dim3A_86 = vector.shape_cast %reduce_sum3A_85 : vector<128xf32> to vector<128x1xf32>
        %dot_general3A_87 = arith.constant dense<0.000000e+00> : vector<128x8xf32>
        %dot_general3A_88 = tpu.matmul %exp3A, %slice3A_75, %dot_general3A_87 {dimension_numbers = #tpu.dot_dimension_numbers<[1], [0], [0], [1], [0, 0, 1, 1], [], []>, transpose_lhs_hint = false} : vector<128x768xf32>, vector<768x8xf32>, vector<128x8xf32> -> vector<128x8xf32>
        %div3A = vector.broadcast %broadcast_in_dim3A_86 : vector<128x1xf32> to vector<128x8xf32>
        %div3A_89 = arith.divf %dot_general3A_88, %div3A : vector<128x8xf32>
        %slice3A_90 = vector.extract_strided_slice %dot_general3A_55 {offsets = [0, 8], sizes = [128, 8], strides = [1, 1]} : vector<128x64xf32> to vector<128x8xf32>
        %slice3A_91 = vector.extract_strided_slice %dot_general3A_60 {offsets = [0, 8], sizes = [768, 8], strides = [1, 1]} : vector<768x64xf32> to vector<768x8xf32>
        %slice3A_92 = vector.extract_strided_slice %dot_general3A_65 {offsets = [0, 8], sizes = [768, 8], strides = [1, 1]} : vector<768x64xf32> to vector<768x8xf32>
        %dot_general3A_93 = arith.constant dense<0.000000e+00> : vector<128x768xf32>
        %dot_general3A_94 = tpu.matmul %slice3A_90, %slice3A_91, %dot_general3A_93 {dimension_numbers = #tpu.dot_dimension_numbers<[1], [1], [0], [0], [0, 0, 1, 0], [], []>, transpose_lhs_hint = false} : vector<128x8xf32>, vector<768x8xf32>, vector<128x768xf32> -> vector<128x768xf32>
        %mul3A_95 = arith.constant 0.353553385 : f32
        %mul3A_96 = vector.broadcast %mul3A_95 : f32 to vector<128x768xf32>
        %mul3A_97 = arith.mulf %dot_general3A_94, %mul3A_96 : vector<128x768xf32>
        %add3A_98 = vector.broadcast %select_n3A_73 : vector<1x768xf32> to vector<128x768xf32>
        %add3A_99 = arith.addf %mul3A_97, %add3A_98 : vector<128x768xf32>
        %reduce_max3A_100 = arith.constant dense<0xFF800000> : vector<128xf32>
        %reduce_max3A_101 = vector.multi_reduction <maximumf>, %add3A_99, %reduce_max3A_100 [1] : vector<128x768xf32> to vector<128xf32>
        %broadcast_in_dim3A_102 = vector.shape_cast %reduce_max3A_101 : vector<128xf32> to vector<128x1xf32>
        %sub3A_103 = vector.broadcast %broadcast_in_dim3A_102 : vector<128x1xf32> to vector<128x768xf32>
        %sub3A_104 = arith.subf %add3A_99, %sub3A_103 : vector<128x768xf32>
        %exp3A_105 = math.exp %sub3A_104 : vector<128x768xf32>
        %reduce_sum3A_106 = arith.constant dense<0.000000e+00> : vector<128xf32>
        %reduce_sum3A_107 = vector.multi_reduction <add>, %exp3A_105, %reduce_sum3A_106 [1] : vector<128x768xf32> to vector<128xf32>
        %broadcast_in_dim3A_108 = vector.shape_cast %reduce_sum3A_107 : vector<128xf32> to vector<128x1xf32>
        %dot_general3A_109 = arith.constant dense<0.000000e+00> : vector<128x8xf32>
        %dot_general3A_110 = tpu.matmul %exp3A_105, %slice3A_92, %dot_general3A_109 {dimension_numbers = #tpu.dot_dimension_numbers<[1], [0], [0], [1], [0, 0, 1, 1], [], []>, transpose_lhs_hint = false} : vector<128x768xf32>, vector<768x8xf32>, vector<128x8xf32> -> vector<128x8xf32>
        %div3A_111 = vector.broadcast %broadcast_in_dim3A_108 : vector<128x1xf32> to vector<128x8xf32>
        %div3A_112 = arith.divf %dot_general3A_110, %div3A_111 : vector<128x8xf32>
        %slice3A_113 = vector.extract_strided_slice %dot_general3A_55 {offsets = [0, 16], sizes = [128, 8], strides = [1, 1]} : vector<128x64xf32> to vector<128x8xf32>
        %slice3A_114 = vector.extract_strided_slice %dot_general3A_60 {offsets = [0, 16], sizes = [768, 8], strides = [1, 1]} : vector<768x64xf32> to vector<768x8xf32>
        %slice3A_115 = vector.extract_strided_slice %dot_general3A_65 {offsets = [0, 16], sizes = [768, 8], strides = [1, 1]} : vector<768x64xf32> to vector<768x8xf32>
        %dot_general3A_116 = arith.constant dense<0.000000e+00> : vector<128x768xf32>
        %dot_general3A_117 = tpu.matmul %slice3A_113, %slice3A_114, %dot_general3A_116 {dimension_numbers = #tpu.dot_dimension_numbers<[1], [1], [0], [0], [0, 0, 1, 0], [], []>, transpose_lhs_hint = false} : vector<128x8xf32>, vector<768x8xf32>, vector<128x768xf32> -> vector<128x768xf32>
        %mul3A_118 = arith.constant 0.353553385 : f32
        %mul3A_119 = vector.broadcast %mul3A_118 : f32 to vector<128x768xf32>
        %mul3A_120 = arith.mulf %dot_general3A_117, %mul3A_119 : vector<128x768xf32>
        %add3A_121 = vector.broadcast %select_n3A_73 : vector<1x768xf32> to vector<128x768xf32>
        %add3A_122 = arith.addf %mul3A_120, %add3A_121 : vector<128x768xf32>
        %reduce_max3A_123 = arith.constant dense<0xFF800000> : vector<128xf32>
        %reduce_max3A_124 = vector.multi_reduction <maximumf>, %add3A_122, %reduce_max3A_123 [1] : vector<128x768xf32> to vector<128xf32>
        %broadcast_in_dim3A_125 = vector.shape_cast %reduce_max3A_124 : vector<128xf32> to vector<128x1xf32>
        %sub3A_126 = vector.broadcast %broadcast_in_dim3A_125 : vector<128x1xf32> to vector<128x768xf32>
        %sub3A_127 = arith.subf %add3A_122, %sub3A_126 : vector<128x768xf32>
        %exp3A_128 = math.exp %sub3A_127 : vector<128x768xf32>
        %reduce_sum3A_129 = arith.constant dense<0.000000e+00> : vector<128xf32>
        %reduce_sum3A_130 = vector.multi_reduction <add>, %exp3A_128, %reduce_sum3A_129 [1] : vector<128x768xf32> to vector<128xf32>
        %broadcast_in_dim3A_131 = vector.shape_cast %reduce_sum3A_130 : vector<128xf32> to vector<128x1xf32>
        %dot_general3A_132 = arith.constant dense<0.000000e+00> : vector<128x8xf32>
        %dot_general3A_133 = tpu.matmul %exp3A_128, %slice3A_115, %dot_general3A_132 {dimension_numbers = #tpu.dot_dimension_numbers<[1], [0], [0], [1], [0, 0, 1, 1], [], []>, transpose_lhs_hint = false} : vector<128x768xf32>, vector<768x8xf32>, vector<128x8xf32> -> vector<128x8xf32>
        %div3A_134 = vector.broadcast %broadcast_in_dim3A_131 : vector<128x1xf32> to vector<128x8xf32>
        %div3A_135 = arith.divf %dot_general3A_133, %div3A_134 : vector<128x8xf32>
        %slice3A_136 = vector.extract_strided_slice %dot_general3A_55 {offsets = [0, 24], sizes = [128, 8], strides = [1, 1]} : vector<128x64xf32> to vector<128x8xf32>
        %slice3A_137 = vector.extract_strided_slice %dot_general3A_60 {offsets = [0, 24], sizes = [768, 8], strides = [1, 1]} : vector<768x64xf32> to vector<768x8xf32>
        %slice3A_138 = vector.extract_strided_slice %dot_general3A_65 {offsets = [0, 24], sizes = [768, 8], strides = [1, 1]} : vector<768x64xf32> to vector<768x8xf32>
        %dot_general3A_139 = arith.constant dense<0.000000e+00> : vector<128x768xf32>
        %dot_general3A_140 = tpu.matmul %slice3A_136, %slice3A_137, %dot_general3A_139 {dimension_numbers = #tpu.dot_dimension_numbers<[1], [1], [0], [0], [0, 0, 1, 0], [], []>, transpose_lhs_hint = false} : vector<128x8xf32>, vector<768x8xf32>, vector<128x768xf32> -> vector<128x768xf32>
        %mul3A_141 = arith.constant 0.353553385 : f32
        %mul3A_142 = vector.broadcast %mul3A_141 : f32 to vector<128x768xf32>
        %mul3A_143 = arith.mulf %dot_general3A_140, %mul3A_142 : vector<128x768xf32>
        %add3A_144 = vector.broadcast %select_n3A_73 : vector<1x768xf32> to vector<128x768xf32>
        %add3A_145 = arith.addf %mul3A_143, %add3A_144 : vector<128x768xf32>
        %reduce_max3A_146 = arith.constant dense<0xFF800000> : vector<128xf32>
        %reduce_max3A_147 = vector.multi_reduction <maximumf>, %add3A_145, %reduce_max3A_146 [1] : vector<128x768xf32> to vector<128xf32>
        %broadcast_in_dim3A_148 = vector.shape_cast %reduce_max3A_147 : vector<128xf32> to vector<128x1xf32>
        %sub3A_149 = vector.broadcast %broadcast_in_dim3A_148 : vector<128x1xf32> to vector<128x768xf32>
        %sub3A_150 = arith.subf %add3A_145, %sub3A_149 : vector<128x768xf32>
        %exp3A_151 = math.exp %sub3A_150 : vector<128x768xf32>
        %reduce_sum3A_152 = arith.constant dense<0.000000e+00> : vector<128xf32>
        %reduce_sum3A_153 = vector.multi_reduction <add>, %exp3A_151, %reduce_sum3A_152 [1] : vector<128x768xf32> to vector<128xf32>
        %broadcast_in_dim3A_154 = vector.shape_cast %reduce_sum3A_153 : vector<128xf32> to vector<128x1xf32>
        %dot_general3A_155 = arith.constant dense<0.000000e+00> : vector<128x8xf32>
        %dot_general3A_156 = tpu.matmul %exp3A_151, %slice3A_138, %dot_general3A_155 {dimension_numbers = #tpu.dot_dimension_numbers<[1], [0], [0], [1], [0, 0, 1, 1], [], []>, transpose_lhs_hint = false} : vector<128x768xf32>, vector<768x8xf32>, vector<128x8xf32> -> vector<128x8xf32>
        %div3A_157 = vector.broadcast %broadcast_in_dim3A_154 : vector<128x1xf32> to vector<128x8xf32>
        %div3A_158 = arith.divf %dot_general3A_156, %div3A_157 : vector<128x8xf32>
        %slice3A_159 = vector.extract_strided_slice %dot_general3A_55 {offsets = [0, 32], sizes = [128, 8], strides = [1, 1]} : vector<128x64xf32> to vector<128x8xf32>
        %slice3A_160 = vector.extract_strided_slice %dot_general3A_60 {offsets = [0, 32], sizes = [768, 8], strides = [1, 1]} : vector<768x64xf32> to vector<768x8xf32>
        %slice3A_161 = vector.extract_strided_slice %dot_general3A_65 {offsets = [0, 32], sizes = [768, 8], strides = [1, 1]} : vector<768x64xf32> to vector<768x8xf32>
        %dot_general3A_162 = arith.constant dense<0.000000e+00> : vector<128x768xf32>
        %dot_general3A_163 = tpu.matmul %slice3A_159, %slice3A_160, %dot_general3A_162 {dimension_numbers = #tpu.dot_dimension_numbers<[1], [1], [0], [0], [0, 0, 1, 0], [], []>, transpose_lhs_hint = false} : vector<128x8xf32>, vector<768x8xf32>, vector<128x768xf32> -> vector<128x768xf32>
        %mul3A_164 = arith.constant 0.353553385 : f32
        %mul3A_165 = vector.broadcast %mul3A_164 : f32 to vector<128x768xf32>
        %mul3A_166 = arith.mulf %dot_general3A_163, %mul3A_165 : vector<128x768xf32>
        %add3A_167 = vector.broadcast %select_n3A_73 : vector<1x768xf32> to vector<128x768xf32>
        %add3A_168 = arith.addf %mul3A_166, %add3A_167 : vector<128x768xf32>
        %reduce_max3A_169 = arith.constant dense<0xFF800000> : vector<128xf32>
        %reduce_max3A_170 = vector.multi_reduction <maximumf>, %add3A_168, %reduce_max3A_169 [1] : vector<128x768xf32> to vector<128xf32>
        %broadcast_in_dim3A_171 = vector.shape_cast %reduce_max3A_170 : vector<128xf32> to vector<128x1xf32>
        %sub3A_172 = vector.broadcast %broadcast_in_dim3A_171 : vector<128x1xf32> to vector<128x768xf32>
        %sub3A_173 = arith.subf %add3A_168, %sub3A_172 : vector<128x768xf32>
        %exp3A_174 = math.exp %sub3A_173 : vector<128x768xf32>
        %reduce_sum3A_175 = arith.constant dense<0.000000e+00> : vector<128xf32>
        %reduce_sum3A_176 = vector.multi_reduction <add>, %exp3A_174, %reduce_sum3A_175 [1] : vector<128x768xf32> to vector<128xf32>
        %broadcast_in_dim3A_177 = vector.shape_cast %reduce_sum3A_176 : vector<128xf32> to vector<128x1xf32>
        %dot_general3A_178 = arith.constant dense<0.000000e+00> : vector<128x8xf32>
        %dot_general3A_179 = tpu.matmul %exp3A_174, %slice3A_161, %dot_general3A_178 {dimension_numbers = #tpu.dot_dimension_numbers<[1], [0], [0], [1], [0, 0, 1, 1], [], []>, transpose_lhs_hint = false} : vector<128x768xf32>, vector<768x8xf32>, vector<128x8xf32> -> vector<128x8xf32>
        %div3A_180 = vector.broadcast %broadcast_in_dim3A_177 : vector<128x1xf32> to vector<128x8xf32>
        %div3A_181 = arith.divf %dot_general3A_179, %div3A_180 : vector<128x8xf32>
        %slice3A_182 = vector.extract_strided_slice %dot_general3A_55 {offsets = [0, 40], sizes = [128, 8], strides = [1, 1]} : vector<128x64xf32> to vector<128x8xf32>
        %slice3A_183 = vector.extract_strided_slice %dot_general3A_60 {offsets = [0, 40], sizes = [768, 8], strides = [1, 1]} : vector<768x64xf32> to vector<768x8xf32>
        %slice3A_184 = vector.extract_strided_slice %dot_general3A_65 {offsets = [0, 40], sizes = [768, 8], strides = [1, 1]} : vector<768x64xf32> to vector<768x8xf32>
        %dot_general3A_185 = arith.constant dense<0.000000e+00> : vector<128x768xf32>
        %dot_general3A_186 = tpu.matmul %slice3A_182, %slice3A_183, %dot_general3A_185 {dimension_numbers = #tpu.dot_dimension_numbers<[1], [1], [0], [0], [0, 0, 1, 0], [], []>, transpose_lhs_hint = false} : vector<128x8xf32>, vector<768x8xf32>, vector<128x768xf32> -> vector<128x768xf32>
        %mul3A_187 = arith.constant 0.353553385 : f32
        %mul3A_188 = vector.broadcast %mul3A_187 : f32 to vector<128x768xf32>
        %mul3A_189 = arith.mulf %dot_general3A_186, %mul3A_188 : vector<128x768xf32>
        %add3A_190 = vector.broadcast %select_n3A_73 : vector<1x768xf32> to vector<128x768xf32>
        %add3A_191 = arith.addf %mul3A_189, %add3A_190 : vector<128x768xf32>
        %reduce_max3A_192 = arith.constant dense<0xFF800000> : vector<128xf32>
        %reduce_max3A_193 = vector.multi_reduction <maximumf>, %add3A_191, %reduce_max3A_192 [1] : vector<128x768xf32> to vector<128xf32>
        %broadcast_in_dim3A_194 = vector.shape_cast %reduce_max3A_193 : vector<128xf32> to vector<128x1xf32>
        %sub3A_195 = vector.broadcast %broadcast_in_dim3A_194 : vector<128x1xf32> to vector<128x768xf32>
        %sub3A_196 = arith.subf %add3A_191, %sub3A_195 : vector<128x768xf32>
        %exp3A_197 = math.exp %sub3A_196 : vector<128x768xf32>
        %reduce_sum3A_198 = arith.constant dense<0.000000e+00> : vector<128xf32>
        %reduce_sum3A_199 = vector.multi_reduction <add>, %exp3A_197, %reduce_sum3A_198 [1] : vector<128x768xf32> to vector<128xf32>
        %broadcast_in_dim3A_200 = vector.shape_cast %reduce_sum3A_199 : vector<128xf32> to vector<128x1xf32>
        %dot_general3A_201 = arith.constant dense<0.000000e+00> : vector<128x8xf32>
        %dot_general3A_202 = tpu.matmul %exp3A_197, %slice3A_184, %dot_general3A_201 {dimension_numbers = #tpu.dot_dimension_numbers<[1], [0], [0], [1], [0, 0, 1, 1], [], []>, transpose_lhs_hint = false} : vector<128x768xf32>, vector<768x8xf32>, vector<128x8xf32> -> vector<128x8xf32>
        %div3A_203 = vector.broadcast %broadcast_in_dim3A_200 : vector<128x1xf32> to vector<128x8xf32>
        %div3A_204 = arith.divf %dot_general3A_202, %div3A_203 : vector<128x8xf32>
        %slice3A_205 = vector.extract_strided_slice %dot_general3A_55 {offsets = [0, 48], sizes = [128, 8], strides = [1, 1]} : vector<128x64xf32> to vector<128x8xf32>
        %slice3A_206 = vector.extract_strided_slice %dot_general3A_60 {offsets = [0, 48], sizes = [768, 8], strides = [1, 1]} : vector<768x64xf32> to vector<768x8xf32>
        %slice3A_207 = vector.extract_strided_slice %dot_general3A_65 {offsets = [0, 48], sizes = [768, 8], strides = [1, 1]} : vector<768x64xf32> to vector<768x8xf32>
        %dot_general3A_208 = arith.constant dense<0.000000e+00> : vector<128x768xf32>
        %dot_general3A_209 = tpu.matmul %slice3A_205, %slice3A_206, %dot_general3A_208 {dimension_numbers = #tpu.dot_dimension_numbers<[1], [1], [0], [0], [0, 0, 1, 0], [], []>, transpose_lhs_hint = false} : vector<128x8xf32>, vector<768x8xf32>, vector<128x768xf32> -> vector<128x768xf32>
        %mul3A_210 = arith.constant 0.353553385 : f32
        %mul3A_211 = vector.broadcast %mul3A_210 : f32 to vector<128x768xf32>
        %mul3A_212 = arith.mulf %dot_general3A_209, %mul3A_211 : vector<128x768xf32>
        %add3A_213 = vector.broadcast %select_n3A_73 : vector<1x768xf32> to vector<128x768xf32>
        %add3A_214 = arith.addf %mul3A_212, %add3A_213 : vector<128x768xf32>
        %reduce_max3A_215 = arith.constant dense<0xFF800000> : vector<128xf32>
        %reduce_max3A_216 = vector.multi_reduction <maximumf>, %add3A_214, %reduce_max3A_215 [1] : vector<128x768xf32> to vector<128xf32>
        %broadcast_in_dim3A_217 = vector.shape_cast %reduce_max3A_216 : vector<128xf32> to vector<128x1xf32>
        %sub3A_218 = vector.broadcast %broadcast_in_dim3A_217 : vector<128x1xf32> to vector<128x768xf32>
        %sub3A_219 = arith.subf %add3A_214, %sub3A_218 : vector<128x768xf32>
        %exp3A_220 = math.exp %sub3A_219 : vector<128x768xf32>
        %reduce_sum3A_221 = arith.constant dense<0.000000e+00> : vector<128xf32>
        %reduce_sum3A_222 = vector.multi_reduction <add>, %exp3A_220, %reduce_sum3A_221 [1] : vector<128x768xf32> to vector<128xf32>
        %broadcast_in_dim3A_223 = vector.shape_cast %reduce_sum3A_222 : vector<128xf32> to vector<128x1xf32>
        %dot_general3A_224 = arith.constant dense<0.000000e+00> : vector<128x8xf32>
        %dot_general3A_225 = tpu.matmul %exp3A_220, %slice3A_207, %dot_general3A_224 {dimension_numbers = #tpu.dot_dimension_numbers<[1], [0], [0], [1], [0, 0, 1, 1], [], []>, transpose_lhs_hint = false} : vector<128x768xf32>, vector<768x8xf32>, vector<128x8xf32> -> vector<128x8xf32>
        %div3A_226 = vector.broadcast %broadcast_in_dim3A_223 : vector<128x1xf32> to vector<128x8xf32>
        %div3A_227 = arith.divf %dot_general3A_225, %div3A_226 : vector<128x8xf32>
        %slice3A_228 = vector.extract_strided_slice %dot_general3A_55 {offsets = [0, 56], sizes = [128, 8], strides = [1, 1]} : vector<128x64xf32> to vector<128x8xf32>
        %slice3A_229 = vector.extract_strided_slice %dot_general3A_60 {offsets = [0, 56], sizes = [768, 8], strides = [1, 1]} : vector<768x64xf32> to vector<768x8xf32>
        %slice3A_230 = vector.extract_strided_slice %dot_general3A_65 {offsets = [0, 56], sizes = [768, 8], strides = [1, 1]} : vector<768x64xf32> to vector<768x8xf32>
        %dot_general3A_231 = arith.constant dense<0.000000e+00> : vector<128x768xf32>
        %dot_general3A_232 = tpu.matmul %slice3A_228, %slice3A_229, %dot_general3A_231 {dimension_numbers = #tpu.dot_dimension_numbers<[1], [1], [0], [0], [0, 0, 1, 0], [], []>, transpose_lhs_hint = false} : vector<128x8xf32>, vector<768x8xf32>, vector<128x768xf32> -> vector<128x768xf32>
        %mul3A_233 = arith.constant 0.353553385 : f32
        %mul3A_234 = vector.broadcast %mul3A_233 : f32 to vector<128x768xf32>
        %mul3A_235 = arith.mulf %dot_general3A_232, %mul3A_234 : vector<128x768xf32>
        %add3A_236 = vector.broadcast %select_n3A_73 : vector<1x768xf32> to vector<128x768xf32>
        %add3A_237 = arith.addf %mul3A_235, %add3A_236 : vector<128x768xf32>
        %reduce_max3A_238 = arith.constant dense<0xFF800000> : vector<128xf32>
        %reduce_max3A_239 = vector.multi_reduction <maximumf>, %add3A_237, %reduce_max3A_238 [1] : vector<128x768xf32> to vector<128xf32>
        %broadcast_in_dim3A_240 = vector.shape_cast %reduce_max3A_239 : vector<128xf32> to vector<128x1xf32>
        %sub3A_241 = vector.broadcast %broadcast_in_dim3A_240 : vector<128x1xf32> to vector<128x768xf32>
        %sub3A_242 = arith.subf %add3A_237, %sub3A_241 : vector<128x768xf32>
        %exp3A_243 = math.exp %sub3A_242 : vector<128x768xf32>
        %reduce_sum3A_244 = arith.constant dense<0.000000e+00> : vector<128xf32>
        %reduce_sum3A_245 = vector.multi_reduction <add>, %exp3A_243, %reduce_sum3A_244 [1] : vector<128x768xf32> to vector<128xf32>
        %broadcast_in_dim3A_246 = vector.shape_cast %reduce_sum3A_245 : vector<128xf32> to vector<128x1xf32>
        %dot_general3A_247 = arith.constant dense<0.000000e+00> : vector<128x8xf32>
        %dot_general3A_248 = tpu.matmul %exp3A_243, %slice3A_230, %dot_general3A_247 {dimension_numbers = #tpu.dot_dimension_numbers<[1], [0], [0], [1], [0, 0, 1, 1], [], []>, transpose_lhs_hint = false} : vector<128x768xf32>, vector<768x8xf32>, vector<128x8xf32> -> vector<128x8xf32>
        %div3A_249 = vector.broadcast %broadcast_in_dim3A_246 : vector<128x1xf32> to vector<128x8xf32>
        %div3A_250 = arith.divf %dot_general3A_248, %div3A_249 : vector<128x8xf32>
        %concatenate3A = tpu.concatenate %div3A_89, %div3A_112, %div3A_135, %div3A_158, %div3A_181, %div3A_204, %div3A_227, %div3A_250 in 1 : vector<128x8xf32>, vector<128x8xf32>, vector<128x8xf32>, vector<128x8xf32>, vector<128x8xf32>, vector<128x8xf32>, vector<128x8xf32>, vector<128x8xf32> -> vector<128x64xf32>
        %get3A_251 = arith.constant 0 : index
        %get3A_252 = arith.constant 0 : index
        %get3A_253 = vector.load %arg7[%get3A_251, %get3A_252] : memref<64x64xf32, #tpu.memory_space<vmem>>, vector<64x64xf32>
        %dot_general3A_254 = arith.constant dense<0.000000e+00> : vector<128x64xf32>
        %dot_general3A_255 = tpu.matmul %concatenate3A, %get3A_253, %dot_general3A_254 {dimension_numbers = #tpu.dot_dimension_numbers<[1], [0], [0], [1], [0, 0, 1, 1], [], []>, transpose_lhs_hint = false} : vector<128x64xf32>, vector<64x64xf32>, vector<128x64xf32> -> vector<128x64xf32>
        %add3A_256 = arith.addf %get3A_13, %dot_general3A_255 : vector<128x64xf32>
        %swap3A = arith.constant 0 : index
        %swap3A_257 = arith.constant 0 : index
        %swap3A_258 = arith.constant 0 : index
        %swap3A_259 = vector.load %arg8[%swap3A, %swap3A_257, %swap3A_258] : memref<1x128x64xf32, #tpu.memory_space<vmem>>, vector<1x128x64xf32>
        %swap3A_260 = vector.shape_cast %swap3A_259 : vector<1x128x64xf32> to vector<128x64xf32>
        %swap3A_261 = vector.shape_cast %add3A_256 : vector<128x64xf32> to vector<1x128x64xf32>
        tpu.vector_store %arg8[%swap3A, %swap3A_257, %swap3A_258], %swap3A_261 {strides = array<i32>} : memref<1x128x64xf32, #tpu.memory_space<vmem>>, vector<1x128x64xf32>,
      } else {
      }
      %gt3A_35 = arith.constant 768 : i32
      %gt3A_36 = arith.cmpi sgt, %convert_element_type3A, %gt3A_35 : i32
      %le3A_37 = arith.constant 1024 : i32
      %le3A_38 = arith.cmpi sle, %convert_element_type3A, %le3A_37 : i32
      %and3A_39 = arith.andi %gt3A_36, %le3A_38 : i1
      %convert_element_type3A_40 = arith.extui %and3A_39 : i1 to i32
      %cond3A_41 = arith.constant 0 : i32
      %cond3A_42 = arith.cmpi ne, %convert_element_type3A_40, %cond3A_41 : i32
      scf.if %cond3A_42 {
        %get3A_43 = arith.constant 0 : index
        %get3A_44 = arith.constant 0 : index
        %get3A_45 = arith.constant 0 : index
        %get3A_46 = vector.load %arg2[%get3A_43, %get3A_44, %get3A_45] : memref<1x1024x64xf32, #tpu.memory_space<vmem>>, vector<1x1024x64xf32>
        %get3A_47 = vector.shape_cast %get3A_46 : vector<1x1024x64xf32> to vector<1024x64xf32>
        %iota3A = tpu.iota {dimensions = array<i32: 0>} : vector<1024x1xi32>
        %lt3A_48 = vector.broadcast %convert_element_type3A : i32 to vector<1024x1xi32>
        %lt3A_49 = arith.cmpi slt, %iota3A, %lt3A_48 : vector<1024x1xi32>
        %jit3A = arith.constant 0.000000e+00 : f32
        %broadcast_in_dim3A = vector.shape_cast %lt3A_49 : vector<1024x1xi1> to vector<1024x1xi1>
        %broadcast_in_dim3A_50 = vector.broadcast %broadcast_in_dim3A : vector<1024x1xi1> to vector<1024x64xi1>
        %broadcast_in_dim3A_51 = vector.broadcast %jit3A : f32 to vector<1024x64xf32>
        %select_n3A = arith.select %broadcast_in_dim3A_50, %get3A_47, %broadcast_in_dim3A_51 : vector<1024x64xi1>, vector<1024x64xf32>
        %get3A_52 = arith.constant 0 : index
        %get3A_53 = arith.constant 0 : index
        %get3A_54 = vector.load %arg4[%get3A_52, %get3A_53] : memref<64x64xf32, #tpu.memory_space<vmem>>, vector<64x64xf32>
        %dot_general3A = arith.constant dense<0.000000e+00> : vector<128x64xf32>
        %dot_general3A_55 = tpu.matmul %get3A_13, %get3A_54, %dot_general3A {dimension_numbers = #tpu.dot_dimension_numbers<[1], [0], [0], [1], [0, 0, 1, 1], [], []>, transpose_lhs_hint = false} : vector<128x64xf32>, vector<64x64xf32>, vector<128x64xf32> -> vector<128x64xf32>
        %get3A_56 = arith.constant 0 : index
        %get3A_57 = arith.constant 0 : index
        %get3A_58 = vector.load %arg5[%get3A_56, %get3A_57] : memref<64x64xf32, #tpu.memory_space<vmem>>, vector<64x64xf32>
        %dot_general3A_59 = arith.constant dense<0.000000e+00> : vector<1024x64xf32>
        %dot_general3A_60 = tpu.matmul %select_n3A, %get3A_58, %dot_general3A_59 {dimension_numbers = #tpu.dot_dimension_numbers<[1], [0], [0], [1], [0, 0, 1, 1], [], []>, transpose_lhs_hint = false} : vector<1024x64xf32>, vector<64x64xf32>, vector<1024x64xf32> -> vector<1024x64xf32>
        %get3A_61 = arith.constant 0 : index
        %get3A_62 = arith.constant 0 : index
        %get3A_63 = vector.load %arg6[%get3A_61, %get3A_62] : memref<64x64xf32, #tpu.memory_space<vmem>>, vector<64x64xf32>
        %dot_general3A_64 = arith.constant dense<0.000000e+00> : vector<1024x64xf32>
        %dot_general3A_65 = tpu.matmul %select_n3A, %get3A_63, %dot_general3A_64 {dimension_numbers = #tpu.dot_dimension_numbers<[1], [0], [0], [1], [0, 0, 1, 1], [], []>, transpose_lhs_hint = false} : vector<1024x64xf32>, vector<64x64xf32>, vector<1024x64xf32> -> vector<1024x64xf32>
        %iota3A_66 = tpu.iota {dimensions = array<i32: 1>} : vector<1x1024xi32>
        %lt3A_67 = vector.broadcast %convert_element_type3A : i32 to vector<1x1024xi32>
        %lt3A_68 = arith.cmpi slt, %iota3A_66, %lt3A_67 : vector<1x1024xi32>
        %jit3A_69 = arith.constant 0.000000e+00 : f32
        %jit3A_70 = arith.constant -1.000000e+09 : f32
        %broadcast_in_dim3A_71 = vector.broadcast %jit3A_69 : f32 to vector<1x1024xf32>
        %broadcast_in_dim3A_72 = vector.broadcast %jit3A_70 : f32 to vector<1x1024xf32>
        %select_n3A_73 = arith.select %lt3A_68, %broadcast_in_dim3A_71, %broadcast_in_dim3A_72 : vector<1x1024xi1>, vector<1x1024xf32>
        %slice3A = vector.extract_strided_slice %dot_general3A_55 {offsets = [0, 0], sizes = [128, 8], strides = [1, 1]} : vector<128x64xf32> to vector<128x8xf32>
        %slice3A_74 = vector.extract_strided_slice %dot_general3A_60 {offsets = [0, 0], sizes = [1024, 8], strides = [1, 1]} : vector<1024x64xf32> to vector<1024x8xf32>
        %slice3A_75 = vector.extract_strided_slice %dot_general3A_65 {offsets = [0, 0], sizes = [1024, 8], strides = [1, 1]} : vector<1024x64xf32> to vector<1024x8xf32>
        %dot_general3A_76 = arith.constant dense<0.000000e+00> : vector<128x1024xf32>
        %dot_general3A_77 = tpu.matmul %slice3A, %slice3A_74, %dot_general3A_76 {dimension_numbers = #tpu.dot_dimension_numbers<[1], [1], [0], [0], [0, 0, 1, 0], [], []>, transpose_lhs_hint = false} : vector<128x8xf32>, vector<1024x8xf32>, vector<128x1024xf32> -> vector<128x1024xf32>
        %mul3A_78 = arith.constant 0.353553385 : f32
        %mul3A_79 = vector.broadcast %mul3A_78 : f32 to vector<128x1024xf32>
        %mul3A_80 = arith.mulf %dot_general3A_77, %mul3A_79 : vector<128x1024xf32>
        %add3A = vector.broadcast %select_n3A_73 : vector<1x1024xf32> to vector<128x1024xf32>
        %add3A_81 = arith.addf %mul3A_80, %add3A : vector<128x1024xf32>
        %reduce_max3A = arith.constant dense<0xFF800000> : vector<128xf32>
        %reduce_max3A_82 = vector.multi_reduction <maximumf>, %add3A_81, %reduce_max3A [1] : vector<128x1024xf32> to vector<128xf32>
        %broadcast_in_dim3A_83 = vector.shape_cast %reduce_max3A_82 : vector<128xf32> to vector<128x1xf32>
        %sub3A = vector.broadcast %broadcast_in_dim3A_83 : vector<128x1xf32> to vector<128x1024xf32>
        %sub3A_84 = arith.subf %add3A_81, %sub3A : vector<128x1024xf32>
        %exp3A = math.exp %sub3A_84 : vector<128x1024xf32>
        %reduce_sum3A = arith.constant dense<0.000000e+00> : vector<128xf32>
        %reduce_sum3A_85 = vector.multi_reduction <add>, %exp3A, %reduce_sum3A [1] : vector<128x1024xf32> to vector<128xf32>
        %broadcast_in_dim3A_86 = vector.shape_cast %reduce_sum3A_85 : vector<128xf32> to vector<128x1xf32>
        %dot_general3A_87 = arith.constant dense<0.000000e+00> : vector<128x8xf32>
        %dot_general3A_88 = tpu.matmul %exp3A, %slice3A_75, %dot_general3A_87 {dimension_numbers = #tpu.dot_dimension_numbers<[1], [0], [0], [1], [0, 0, 1, 1], [], []>, transpose_lhs_hint = false} : vector<128x1024xf32>, vector<1024x8xf32>, vector<128x8xf32> -> vector<128x8xf32>
        %div3A = vector.broadcast %broadcast_in_dim3A_86 : vector<128x1xf32> to vector<128x8xf32>
        %div3A_89 = arith.divf %dot_general3A_88, %div3A : vector<128x8xf32>
        %slice3A_90 = vector.extract_strided_slice %dot_general3A_55 {offsets = [0, 8], sizes = [128, 8], strides = [1, 1]} : vector<128x64xf32> to vector<128x8xf32>
        %slice3A_91 = vector.extract_strided_slice %dot_general3A_60 {offsets = [0, 8], sizes = [1024, 8], strides = [1, 1]} : vector<1024x64xf32> to vector<1024x8xf32>
        %slice3A_92 = vector.extract_strided_slice %dot_general3A_65 {offsets = [0, 8], sizes = [1024, 8], strides = [1, 1]} : vector<1024x64xf32> to vector<1024x8xf32>
        %dot_general3A_93 = arith.constant dense<0.000000e+00> : vector<128x1024xf32>
        %dot_general3A_94 = tpu.matmul %slice3A_90, %slice3A_91, %dot_general3A_93 {dimension_numbers = #tpu.dot_dimension_numbers<[1], [1], [0], [0], [0, 0, 1, 0], [], []>, transpose_lhs_hint = false} : vector<128x8xf32>, vector<1024x8xf32>, vector<128x1024xf32> -> vector<128x1024xf32>
        %mul3A_95 = arith.constant 0.353553385 : f32
        %mul3A_96 = vector.broadcast %mul3A_95 : f32 to vector<128x1024xf32>
        %mul3A_97 = arith.mulf %dot_general3A_94, %mul3A_96 : vector<128x1024xf32>
        %add3A_98 = vector.broadcast %select_n3A_73 : vector<1x1024xf32> to vector<128x1024xf32>
        %add3A_99 = arith.addf %mul3A_97, %add3A_98 : vector<128x1024xf32>
        %reduce_max3A_100 = arith.constant dense<0xFF800000> : vector<128xf32>
        %reduce_max3A_101 = vector.multi_reduction <maximumf>, %add3A_99, %reduce_max3A_100 [1] : vector<128x1024xf32> to vector<128xf32>
        %broadcast_in_dim3A_102 = vector.shape_cast %reduce_max3A_101 : vector<128xf32> to vector<128x1xf32>
        %sub3A_103 = vector.broadcast %broadcast_in_dim3A_102 : vector<128x1xf32> to vector<128x1024xf32>
        %sub3A_104 = arith.subf %add3A_99, %sub3A_103 : vector<128x1024xf32>
        %exp3A_105 = math.exp %sub3A_104 : vector<128x1024xf32>
        %reduce_sum3A_106 = arith.constant dense<0.000000e+00> : vector<128xf32>
        %reduce_sum3A_107 = vector.multi_reduction <add>, %exp3A_105, %reduce_sum3A_106 [1] : vector<128x1024xf32> to vector<128xf32>
        %broadcast_in_dim3A_108 = vector.shape_cast %reduce_sum3A_107 : vector<128xf32> to vector<128x1xf32>
        %dot_general3A_109 = arith.constant dense<0.000000e+00> : vector<128x8xf32>
        %dot_general3A_110 = tpu.matmul %exp3A_105, %slice3A_92, %dot_general3A_109 {dimension_numbers = #tpu.dot_dimension_numbers<[1], [0], [0], [1], [0, 0, 1, 1], [], []>, transpose_lhs_hint = false} : vector<128x1024xf32>, vector<1024x8xf32>, vector<128x8xf32> -> vector<128x8xf32>
        %div3A_111 = vector.broadcast %broadcast_in_dim3A_108 : vector<128x1xf32> to vector<128x8xf32>
        %div3A_112 = arith.divf %dot_general3A_110, %div3A_111 : vector<128x8xf32>
        %slice3A_113 = vector.extract_strided_slice %dot_general3A_55 {offsets = [0, 16], sizes = [128, 8], strides = [1, 1]} : vector<128x64xf32> to vector<128x8xf32>
        %slice3A_114 = vector.extract_strided_slice %dot_general3A_60 {offsets = [0, 16], sizes = [1024, 8], strides = [1, 1]} : vector<1024x64xf32> to vector<1024x8xf32>
        %slice3A_115 = vector.extract_strided_slice %dot_general3A_65 {offsets = [0, 16], sizes = [1024, 8], strides = [1, 1]} : vector<1024x64xf32> to vector<1024x8xf32>
        %dot_general3A_116 = arith.constant dense<0.000000e+00> : vector<128x1024xf32>
        %dot_general3A_117 = tpu.matmul %slice3A_113, %slice3A_114, %dot_general3A_116 {dimension_numbers = #tpu.dot_dimension_numbers<[1], [1], [0], [0], [0, 0, 1, 0], [], []>, transpose_lhs_hint = false} : vector<128x8xf32>, vector<1024x8xf32>, vector<128x1024xf32> -> vector<128x1024xf32>
        %mul3A_118 = arith.constant 0.353553385 : f32
        %mul3A_119 = vector.broadcast %mul3A_118 : f32 to vector<128x1024xf32>
        %mul3A_120 = arith.mulf %dot_general3A_117, %mul3A_119 : vector<128x1024xf32>
        %add3A_121 = vector.broadcast %select_n3A_73 : vector<1x1024xf32> to vector<128x1024xf32>
        %add3A_122 = arith.addf %mul3A_120, %add3A_121 : vector<128x1024xf32>
        %reduce_max3A_123 = arith.constant dense<0xFF800000> : vector<128xf32>
        %reduce_max3A_124 = vector.multi_reduction <maximumf>, %add3A_122, %reduce_max3A_123 [1] : vector<128x1024xf32> to vector<128xf32>
        %broadcast_in_dim3A_125 = vector.shape_cast %reduce_max3A_124 : vector<128xf32> to vector<128x1xf32>
        %sub3A_126 = vector.broadcast %broadcast_in_dim3A_125 : vector<128x1xf32> to vector<128x1024xf32>
        %sub3A_127 = arith.subf %add3A_122, %sub3A_126 : vector<128x1024xf32>
        %exp3A_128 = math.exp %sub3A_127 : vector<128x1024xf32>
        %reduce_sum3A_129 = arith.constant dense<0.000000e+00> : vector<128xf32>
        %reduce_sum3A_130 = vector.multi_reduction <add>, %exp3A_128, %reduce_sum3A_129 [1] : vector<128x1024xf32> to vector<128xf32>
        %broadcast_in_dim3A_131 = vector.shape_cast %reduce_sum3A_130 : vector<128xf32> to vector<128x1xf32>
        %dot_general3A_132 = arith.constant dense<0.000000e+00> : vector<128x8xf32>
        %dot_general3A_133 = tpu.matmul %exp3A_128, %slice3A_115, %dot_general3A_132 {dimension_numbers = #tpu.dot_dimension_numbers<[1], [0], [0], [1], [0, 0, 1, 1], [], []>, transpose_lhs_hint = false} : vector<128x1024xf32>, vector<1024x8xf32>, vector<128x8xf32> -> vector<128x8xf32>
        %div3A_134 = vector.broadcast %broadcast_in_dim3A_131 : vector<128x1xf32> to vector<128x8xf32>
        %div3A_135 = arith.divf %dot_general3A_133, %div3A_134 : vector<128x8xf32>
        %slice3A_136 = vector.extract_strided_slice %dot_general3A_55 {offsets = [0, 24], sizes = [128, 8], strides = [1, 1]} : vector<128x64xf32> to vector<128x8xf32>
        %slice3A_137 = vector.extract_strided_slice %dot_general3A_60 {offsets = [0, 24], sizes = [1024, 8], strides = [1, 1]} : vector<1024x64xf32> to vector<1024x8xf32>
        %slice3A_138 = vector.extract_strided_slice %dot_general3A_65 {offsets = [0, 24], sizes = [1024, 8], strides = [1, 1]} : vector<1024x64xf32> to vector<1024x8xf32>
        %dot_general3A_139 = arith.constant dense<0.000000e+00> : vector<128x1024xf32>
        %dot_general3A_140 = tpu.matmul %slice3A_136, %slice3A_137, %dot_general3A_139 {dimension_numbers = #tpu.dot_dimension_numbers<[1], [1], [0], [0], [0, 0, 1, 0], [], []>, transpose_lhs_hint = false} : vector<128x8xf32>, vector<1024x8xf32>, vector<128x1024xf32> -> vector<128x1024xf32>
        %mul3A_141 = arith.constant 0.353553385 : f32
        %mul3A_142 = vector.broadcast %mul3A_141 : f32 to vector<128x1024xf32>
        %mul3A_143 = arith.mulf %dot_general3A_140, %mul3A_142 : vector<128x1024xf32>
        %add3A_144 = vector.broadcast %select_n3A_73 : vector<1x1024xf32> to vector<128x1024xf32>
        %add3A_145 = arith.addf %mul3A_143, %add3A_144 : vector<128x1024xf32>
        %reduce_max3A_146 = arith.constant dense<0xFF800000> : vector<128xf32>
        %reduce_max3A_147 = vector.multi_reduction <maximumf>, %add3A_145, %reduce_max3A_146 [1] : vector<128x1024xf32> to vector<128xf32>
        %broadcast_in_dim3A_148 = vector.shape_cast %reduce_max3A_147 : vector<128xf32> to vector<128x1xf32>
        %sub3A_149 = vector.broadcast %broadcast_in_dim3A_148 : vector<128x1xf32> to vector<128x1024xf32>
        %sub3A_150 = arith.subf %add3A_145, %sub3A_149 : vector<128x1024xf32>
        %exp3A_151 = math.exp %sub3A_150 : vector<128x1024xf32>
        %reduce_sum3A_152 = arith.constant dense<0.000000e+00> : vector<128xf32>
        %reduce_sum3A_153 = vector.multi_reduction <add>, %exp3A_151, %reduce_sum3A_152 [1] : vector<128x1024xf32> to vector<128xf32>
        %broadcast_in_dim3A_154 = vector.shape_cast %reduce_sum3A_153 : vector<128xf32> to vector<128x1xf32>
        %dot_general3A_155 = arith.constant dense<0.000000e+00> : vector<128x8xf32>
        %dot_general3A_156 = tpu.matmul %exp3A_151, %slice3A_138, %dot_general3A_155 {dimension_numbers = #tpu.dot_dimension_numbers<[1], [0], [0], [1], [0, 0, 1, 1], [], []>, transpose_lhs_hint = false} : vector<128x1024xf32>, vector<1024x8xf32>, vector<128x8xf32> -> vector<128x8xf32>
        %div3A_157 = vector.broadcast %broadcast_in_dim3A_154 : vector<128x1xf32> to vector<128x8xf32>
        %div3A_158 = arith.divf %dot_general3A_156, %div3A_157 : vector<128x8xf32>
        %slice3A_159 = vector.extract_strided_slice %dot_general3A_55 {offsets = [0, 32], sizes = [128, 8], strides = [1, 1]} : vector<128x64xf32> to vector<128x8xf32>
        %slice3A_160 = vector.extract_strided_slice %dot_general3A_60 {offsets = [0, 32], sizes = [1024, 8], strides = [1, 1]} : vector<1024x64xf32> to vector<1024x8xf32>
        %slice3A_161 = vector.extract_strided_slice %dot_general3A_65 {offsets = [0, 32], sizes = [1024, 8], strides = [1, 1]} : vector<1024x64xf32> to vector<1024x8xf32>
        %dot_general3A_162 = arith.constant dense<0.000000e+00> : vector<128x1024xf32>
        %dot_general3A_163 = tpu.matmul %slice3A_159, %slice3A_160, %dot_general3A_162 {dimension_numbers = #tpu.dot_dimension_numbers<[1], [1], [0], [0], [0, 0, 1, 0], [], []>, transpose_lhs_hint = false} : vector<128x8xf32>, vector<1024x8xf32>, vector<128x1024xf32> -> vector<128x1024xf32>
        %mul3A_164 = arith.constant 0.353553385 : f32
        %mul3A_165 = vector.broadcast %mul3A_164 : f32 to vector<128x1024xf32>
        %mul3A_166 = arith.mulf %dot_general3A_163, %mul3A_165 : vector<128x1024xf32>
        %add3A_167 = vector.broadcast %select_n3A_73 : vector<1x1024xf32> to vector<128x1024xf32>
        %add3A_168 = arith.addf %mul3A_166, %add3A_167 : vector<128x1024xf32>
        %reduce_max3A_169 = arith.constant dense<0xFF800000> : vector<128xf32>
        %reduce_max3A_170 = vector.multi_reduction <maximumf>, %add3A_168, %reduce_max3A_169 [1] : vector<128x1024xf32> to vector<128xf32>
        %broadcast_in_dim3A_171 = vector.shape_cast %reduce_max3A_170 : vector<128xf32> to vector<128x1xf32>
        %sub3A_172 = vector.broadcast %broadcast_in_dim3A_171 : vector<128x1xf32> to vector<128x1024xf32>
        %sub3A_173 = arith.subf %add3A_168, %sub3A_172 : vector<128x1024xf32>
        %exp3A_174 = math.exp %sub3A_173 : vector<128x1024xf32>
        %reduce_sum3A_175 = arith.constant dense<0.000000e+00> : vector<128xf32>
        %reduce_sum3A_176 = vector.multi_reduction <add>, %exp3A_174, %reduce_sum3A_175 [1] : vector<128x1024xf32> to vector<128xf32>
        %broadcast_in_dim3A_177 = vector.shape_cast %reduce_sum3A_176 : vector<128xf32> to vector<128x1xf32>
        %dot_general3A_178 = arith.constant dense<0.000000e+00> : vector<128x8xf32>
        %dot_general3A_179 = tpu.matmul %exp3A_174, %slice3A_161, %dot_general3A_178 {dimension_numbers = #tpu.dot_dimension_numbers<[1], [0], [0], [1], [0, 0, 1, 1], [], []>, transpose_lhs_hint = false} : vector<128x1024xf32>, vector<1024x8xf32>, vector<128x8xf32> -> vector<128x8xf32>
        %div3A_180 = vector.broadcast %broadcast_in_dim3A_177 : vector<128x1xf32> to vector<128x8xf32>
        %div3A_181 = arith.divf %dot_general3A_179, %div3A_180 : vector<128x8xf32>
        %slice3A_182 = vector.extract_strided_slice %dot_general3A_55 {offsets = [0, 40], sizes = [128, 8], strides = [1, 1]} : vector<128x64xf32> to vector<128x8xf32>
        %slice3A_183 = vector.extract_strided_slice %dot_general3A_60 {offsets = [0, 40], sizes = [1024, 8], strides = [1, 1]} : vector<1024x64xf32> to vector<1024x8xf32>
        %slice3A_184 = vector.extract_strided_slice %dot_general3A_65 {offsets = [0, 40], sizes = [1024, 8], strides = [1, 1]} : vector<1024x64xf32> to vector<1024x8xf32>
        %dot_general3A_185 = arith.constant dense<0.000000e+00> : vector<128x1024xf32>
        %dot_general3A_186 = tpu.matmul %slice3A_182, %slice3A_183, %dot_general3A_185 {dimension_numbers = #tpu.dot_dimension_numbers<[1], [1], [0], [0], [0, 0, 1, 0], [], []>, transpose_lhs_hint = false} : vector<128x8xf32>, vector<1024x8xf32>, vector<128x1024xf32> -> vector<128x1024xf32>
        %mul3A_187 = arith.constant 0.353553385 : f32
        %mul3A_188 = vector.broadcast %mul3A_187 : f32 to vector<128x1024xf32>
        %mul3A_189 = arith.mulf %dot_general3A_186, %mul3A_188 : vector<128x1024xf32>
        %add3A_190 = vector.broadcast %select_n3A_73 : vector<1x1024xf32> to vector<128x1024xf32>
        %add3A_191 = arith.addf %mul3A_189, %add3A_190 : vector<128x1024xf32>
        %reduce_max3A_192 = arith.constant dense<0xFF800000> : vector<128xf32>
        %reduce_max3A_193 = vector.multi_reduction <maximumf>, %add3A_191, %reduce_max3A_192 [1] : vector<128x1024xf32> to vector<128xf32>
        %broadcast_in_dim3A_194 = vector.shape_cast %reduce_max3A_193 : vector<128xf32> to vector<128x1xf32>
        %sub3A_195 = vector.broadcast %broadcast_in_dim3A_194 : vector<128x1xf32> to vector<128x1024xf32>
        %sub3A_196 = arith.subf %add3A_191, %sub3A_195 : vector<128x1024xf32>
        %exp3A_197 = math.exp %sub3A_196 : vector<128x1024xf32>
        %reduce_sum3A_198 = arith.constant dense<0.000000e+00> : vector<128xf32>
        %reduce_sum3A_199 = vector.multi_reduction <add>, %exp3A_197, %reduce_sum3A_198 [1] : vector<128x1024xf32> to vector<128xf32>
        %broadcast_in_dim3A_200 = vector.shape_cast %reduce_sum3A_199 : vector<128xf32> to vector<128x1xf32>
        %dot_general3A_201 = arith.constant dense<0.000000e+00> : vector<128x8xf32>
        %dot_general3A_202 = tpu.matmul %exp3A_197, %slice3A_184, %dot_general3A_201 {dimension_numbers = #tpu.dot_dimension_numbers<[1], [0], [0], [1], [0, 0, 1, 1], [], []>, transpose_lhs_hint = false} : vector<128x1024xf32>, vector<1024x8xf32>, vector<128x8xf32> -> vector<128x8xf32>
        %div3A_203 = vector.broadcast %broadcast_in_dim3A_200 : vector<128x1xf32> to vector<128x8xf32>
        %div3A_204 = arith.divf %dot_general3A_202, %div3A_203 : vector<128x8xf32>
        %slice3A_205 = vector.extract_strided_slice %dot_general3A_55 {offsets = [0, 48], sizes = [128, 8], strides = [1, 1]} : vector<128x64xf32> to vector<128x8xf32>
        %slice3A_206 = vector.extract_strided_slice %dot_general3A_60 {offsets = [0, 48], sizes = [1024, 8], strides = [1, 1]} : vector<1024x64xf32> to vector<1024x8xf32>
        %slice3A_207 = vector.extract_strided_slice %dot_general3A_65 {offsets = [0, 48], sizes = [1024, 8], strides = [1, 1]} : vector<1024x64xf32> to vector<1024x8xf32>
        %dot_general3A_208 = arith.constant dense<0.000000e+00> : vector<128x1024xf32>
        %dot_general3A_209 = tpu.matmul %slice3A_205, %slice3A_206, %dot_general3A_208 {dimension_numbers = #tpu.dot_dimension_numbers<[1], [1], [0], [0], [0, 0, 1, 0], [], []>, transpose_lhs_hint = false} : vector<128x8xf32>, vector<1024x8xf32>, vector<128x1024xf32> -> vector<128x1024xf32>
        %mul3A_210 = arith.constant 0.353553385 : f32
        %mul3A_211 = vector.broadcast %mul3A_210 : f32 to vector<128x1024xf32>
        %mul3A_212 = arith.mulf %dot_general3A_209, %mul3A_211 : vector<128x1024xf32>
        %add3A_213 = vector.broadcast %select_n3A_73 : vector<1x1024xf32> to vector<128x1024xf32>
        %add3A_214 = arith.addf %mul3A_212, %add3A_213 : vector<128x1024xf32>
        %reduce_max3A_215 = arith.constant dense<0xFF800000> : vector<128xf32>
        %reduce_max3A_216 = vector.multi_reduction <maximumf>, %add3A_214, %reduce_max3A_215 [1] : vector<128x1024xf32> to vector<128xf32>
        %broadcast_in_dim3A_217 = vector.shape_cast %reduce_max3A_216 : vector<128xf32> to vector<128x1xf32>
        %sub3A_218 = vector.broadcast %broadcast_in_dim3A_217 : vector<128x1xf32> to vector<128x1024xf32>
        %sub3A_219 = arith.subf %add3A_214, %sub3A_218 : vector<128x1024xf32>
        %exp3A_220 = math.exp %sub3A_219 : vector<128x1024xf32>
        %reduce_sum3A_221 = arith.constant dense<0.000000e+00> : vector<128xf32>
        %reduce_sum3A_222 = vector.multi_reduction <add>, %exp3A_220, %reduce_sum3A_221 [1] : vector<128x1024xf32> to vector<128xf32>
        %broadcast_in_dim3A_223 = vector.shape_cast %reduce_sum3A_222 : vector<128xf32> to vector<128x1xf32>
        %dot_general3A_224 = arith.constant dense<0.000000e+00> : vector<128x8xf32>
        %dot_general3A_225 = tpu.matmul %exp3A_220, %slice3A_207, %dot_general3A_224 {dimension_numbers = #tpu.dot_dimension_numbers<[1], [0], [0], [1], [0, 0, 1, 1], [], []>, transpose_lhs_hint = false} : vector<128x1024xf32>, vector<1024x8xf32>, vector<128x8xf32> -> vector<128x8xf32>
        %div3A_226 = vector.broadcast %broadcast_in_dim3A_223 : vector<128x1xf32> to vector<128x8xf32>
        %div3A_227 = arith.divf %dot_general3A_225, %div3A_226 : vector<128x8xf32>
        %slice3A_228 = vector.extract_strided_slice %dot_general3A_55 {offsets = [0, 56], sizes = [128, 8], strides = [1, 1]} : vector<128x64xf32> to vector<128x8xf32>
        %slice3A_229 = vector.extract_strided_slice %dot_general3A_60 {offsets = [0, 56], sizes = [1024, 8], strides = [1, 1]} : vector<1024x64xf32> to vector<1024x8xf32>
        %slice3A_230 = vector.extract_strided_slice %dot_general3A_65 {offsets = [0, 56], sizes = [1024, 8], strides = [1, 1]} : vector<1024x64xf32> to vector<1024x8xf32>
        %dot_general3A_231 = arith.constant dense<0.000000e+00> : vector<128x1024xf32>
        %dot_general3A_232 = tpu.matmul %slice3A_228, %slice3A_229, %dot_general3A_231 {dimension_numbers = #tpu.dot_dimension_numbers<[1], [1], [0], [0], [0, 0, 1, 0], [], []>, transpose_lhs_hint = false} : vector<128x8xf32>, vector<1024x8xf32>, vector<128x1024xf32> -> vector<128x1024xf32>
        %mul3A_233 = arith.constant 0.353553385 : f32
        %mul3A_234 = vector.broadcast %mul3A_233 : f32 to vector<128x1024xf32>
        %mul3A_235 = arith.mulf %dot_general3A_232, %mul3A_234 : vector<128x1024xf32>
        %add3A_236 = vector.broadcast %select_n3A_73 : vector<1x1024xf32> to vector<128x1024xf32>
        %add3A_237 = arith.addf %mul3A_235, %add3A_236 : vector<128x1024xf32>
        %reduce_max3A_238 = arith.constant dense<0xFF800000> : vector<128xf32>
        %reduce_max3A_239 = vector.multi_reduction <maximumf>, %add3A_237, %reduce_max3A_238 [1] : vector<128x1024xf32> to vector<128xf32>
        %broadcast_in_dim3A_240 = vector.shape_cast %reduce_max3A_239 : vector<128xf32> to vector<128x1xf32>
        %sub3A_241 = vector.broadcast %broadcast_in_dim3A_240 : vector<128x1xf32> to vector<128x1024xf32>
        %sub3A_242 = arith.subf %add3A_237, %sub3A_241 : vector<128x1024xf32>
        %exp3A_243 = math.exp %sub3A_242 : vector<128x1024xf32>
        %reduce_sum3A_244 = arith.constant dense<0.000000e+00> : vector<128xf32>
        %reduce_sum3A_245 = vector.multi_reduction <add>, %exp3A_243, %reduce_sum3A_244 [1] : vector<128x1024xf32> to vector<128xf32>
        %broadcast_in_dim3A_246 = vector.shape_cast %reduce_sum3A_245 : vector<128xf32> to vector<128x1xf32>
        %dot_general3A_247 = arith.constant dense<0.000000e+00> : vector<128x8xf32>
        %dot_general3A_248 = tpu.matmul %exp3A_243, %slice3A_230, %dot_general3A_247 {dimension_numbers = #tpu.dot_dimension_numbers<[1], [0], [0], [1], [0, 0, 1, 1], [], []>, transpose_lhs_hint = false} : vector<128x1024xf32>, vector<1024x8xf32>, vector<128x8xf32> -> vector<128x8xf32>
        %div3A_249 = vector.broadcast %broadcast_in_dim3A_246 : vector<128x1xf32> to vector<128x8xf32>
        %div3A_250 = arith.divf %dot_general3A_248, %div3A_249 : vector<128x8xf32>
        %concatenate3A = tpu.concatenate %div3A_89, %div3A_112, %div3A_135, %div3A_158, %div3A_181, %div3A_204, %div3A_227, %div3A_250 in 1 : vector<128x8xf32>, vector<128x8xf32>, vector<128x8xf32>, vector<128x8xf32>, vector<128x8xf32>, vector<128x8xf32>, vector<128x8xf32>, vector<128x8xf32> -> vector<128x64xf32>
        %get3A_251 = arith.constant 0 : index
        %get3A_252 = arith.constant 0 : index
        %get3A_253 = vector.load %arg7[%get3A_251, %get3A_252] : memref<64x64xf32, #tpu.memory_space<vmem>>, vector<64x64xf32>
        %dot_general3A_254 = arith.constant dense<0.000000e+00> : vector<128x64xf32>
        %dot_general3A_255 = tpu.matmul %concatenate3A, %get3A_253, %dot_general3A_254 {dimension_numbers = #tpu.dot_dimension_numbers<[1], [0], [0], [1], [0, 0, 1, 1], [], []>, transpose_lhs_hint = false} : vector<128x64xf32>, vector<64x64xf32>, vector<128x64xf32> -> vector<128x64xf32>
        %add3A_256 = arith.addf %get3A_13, %dot_general3A_255 : vector<128x64xf32>
        %swap3A = arith.constant 0 : index
        %swap3A_257 = arith.constant 0 : index
        %swap3A_258 = arith.constant 0 : index
        %swap3A_259 = vector.load %arg8[%swap3A, %swap3A_257, %swap3A_258] : memref<1x128x64xf32, #tpu.memory_space<vmem>>, vector<1x128x64xf32>
        %swap3A_260 = vector.shape_cast %swap3A_259 : vector<1x128x64xf32> to vector<128x64xf32>
        %swap3A_261 = vector.shape_cast %add3A_256 : vector<128x64xf32> to vector<1x128x64xf32>
        tpu.vector_store %arg8[%swap3A, %swap3A_257, %swap3A_258], %swap3A_261 {strides = array<i32>} : memref<1x128x64xf32, #tpu.memory_space<vmem>>, vector<1x128x64xf32>,
      } else {
      }
    } else {
    }
    return
  }
  func.func @transform_0(%arg0: i32, %arg1: i32) -> (i32, i32, i32) {
    %c0_i32 = arith.constant 0 : i32
    %c0_i32_0 = arith.constant 0 : i32
    %c0_i32_1 = arith.constant 0 : i32
    return %arg0, %c0_i32, %c0_i32_0 : i32, i32, i32
  }
  func.func @transform_1(%arg0: i32, %arg1: i32) -> (i32, i32, i32) {
    %c0_i32 = arith.constant 0 : i32
    %c0_i32_0 = arith.constant 0 : i32
    %c0_i32_1 = arith.constant 0 : i32
    return %arg0, %c0_i32, %c0_i32_0 : i32, i32, i32
  }
  func.func @transform_2(%arg0: i32, %arg1: i32) -> (i32, i32) {
    %c0_i32 = arith.constant 0 : i32
    %c0_i32_0 = arith.constant 0 : i32
    %c0_i32_1 = arith.constant 0 : i32
    return %c0_i32, %c0_i32_0 : i32, i32
  }
  func.func @transform_3(%arg0: i32, %arg1: i32) -> (i32, i32) {
    %c0_i32 = arith.constant 0 : i32
    %c0_i32_0 = arith.constant 0 : i32
    %c0_i32_1 = arith.constant 0 : i32
    return %c0_i32, %c0_i32_0 : i32, i32
  }
  func.func @transform_4(%arg0: i32, %arg1: i32) -> (i32, i32) {
    %c0_i32 = arith.constant 0 : i32
    %c0_i32_0 = arith.constant 0 : i32
    %c0_i32_1 = arith.constant 0 : i32
    return %c0_i32, %c0_i32_0 : i32, i32
  }
  func.func @transform_5(%arg0: i32, %arg1: i32) -> (i32, i32) {
    %c0_i32 = arith.constant 0 : i32
    %c0_i32_0 = arith.constant 0 : i32
    %c0_i32_1 = arith.constant 0 : i32
    return %c0_i32, %c0_i32_0 : i32, i32
  }
  func.func @transform_6(%arg0: i32, %arg1: i32) -> (i32, i32, i32) {
    %c0_i32 = arith.constant 0 : i32
    %c0_i32_0 = arith.constant 0 : i32
    return %arg0, %arg1, %c0_i32 : i32, i32, i32
  }
}

module attributes {stable_mosaic.version = 14 : i64} {
  func.func @_dec_body(%arg0: i32, %arg1: i32, %arg2: memref<1x1024x64xf32, #tpu.memory_space<vmem>>, %arg3: memref<1x128x64xf32, #tpu.memory_space<vmem>>, %arg4: memref<1x1x1xf32, #tpu.memory_space<vmem>>, %arg5: memref<64x64xf32, #tpu.memory_space<vmem>>, %arg6: memref<64x64xf32, #tpu.memory_space<vmem>>, %arg7: memref<64x64xf32, #tpu.memory_space<vmem>>, %arg8: memref<64x64xf32, #tpu.memory_space<vmem>>, %arg9: memref<16x64xf32, #tpu.memory_space<vmem>>, %arg10: memref<64x16xf32, #tpu.memory_space<vmem>>, %arg11: memref<64x24xf32, #tpu.memory_space<vmem>>, %arg12: memref<1x128x24xf32, #tpu.memory_space<vmem>>, %arg13: memref<1x1x64xf32, #tpu.memory_space<vmem>>, %arg14: memref<1x1x16xf32, #tpu.memory_space<vmem>>) attributes {dimension_semantics = [#tpu.dimension_semantics<arbitrary>, #tpu.dimension_semantics<arbitrary>], iteration_bounds = array<i64: 4, 8>, scalar_prefetch = 0 : i64, scratch_operands = 0 : i64, tpu.core_type = #tpu.core_type<tc>, window_params = [{transform_indices = @transform_0, window_bounds = array<i64: 1, 1024, 64>}, {transform_indices = @transform_1, window_bounds = array<i64: 1, 128, 64>}, {transform_indices = @transform_2, window_bounds = array<i64: 1, 1, 1>}, {pipeline_mode = #tpu.pipeline_mode<synchronous>, transform_indices = @transform_3, window_bounds = array<i64: 64, 64>}, {pipeline_mode = #tpu.pipeline_mode<synchronous>, transform_indices = @transform_4, window_bounds = array<i64: 64, 64>}, {pipeline_mode = #tpu.pipeline_mode<synchronous>, transform_indices = @transform_5, window_bounds = array<i64: 64, 64>}, {pipeline_mode = #tpu.pipeline_mode<synchronous>, transform_indices = @transform_6, window_bounds = array<i64: 64, 64>}, {pipeline_mode = #tpu.pipeline_mode<synchronous>, transform_indices = @transform_7, window_bounds = array<i64: 16, 64>}, {pipeline_mode = #tpu.pipeline_mode<synchronous>, transform_indices = @transform_8, window_bounds = array<i64: 64, 16>}, {pipeline_mode = #tpu.pipeline_mode<synchronous>, transform_indices = @transform_9, window_bounds = array<i64: 64, 24>}, {transform_indices = @transform_10, window_bounds = array<i64: 1, 128, 24>}, {transform_indices = @transform_11, window_bounds = array<i64: 1, 1, 64>}, {transform_indices = @transform_12, window_bounds = array<i64: 1, 1, 16>}]} {
    %get3A = arith.constant 0 : index
    %get3A_0 = arith.constant 0 : index
    %get3A_1 = arith.constant 0 : index
    %get3A_2 = vector.load %arg4[%get3A, %get3A_0, %get3A_1] : memref<1x1x1xf32, #tpu.memory_space<vmem>>, vector<1x1x1xf32>
    %get3A_3 = vector.extract %get3A_2[0, 0, 0] : f32 from vector<1x1x1xf32>
    %convert_element_type3A = arith.fptosi %get3A_3 : f32 to i32
    %add3A = arith.constant 1 : i32
    %add3A_4 = arith.addi %arg1, %add3A : i32
    %mul3A = arith.constant 128 : i32
    %mul3A_5 = arith.muli %add3A_4, %mul3A : i32
    %gt3A = arith.cmpi sgt, %mul3A_5, %convert_element_type3A : i32
    %convert_element_type3A_6 = arith.extui %gt3A : i1 to i32
    %cond3A = arith.constant 0 : i32
    %cond3A_7 = arith.cmpi ne, %convert_element_type3A_6, %cond3A : i32
    scf.if %cond3A_7 {
      %gt3A_8 = arith.constant 0 : i32
      %gt3A_9 = arith.cmpi sgt, %convert_element_type3A, %gt3A_8 : i32
      %le3A = arith.constant 256 : i32
      %le3A_10 = arith.cmpi sle, %convert_element_type3A, %le3A : i32
      %and3A = arith.andi %gt3A_9, %le3A_10 : i1
      %convert_element_type3A_11 = arith.extui %and3A : i1 to i32
      %cond3A_12 = arith.constant 0 : i32
      %cond3A_13 = arith.cmpi ne, %convert_element_type3A_11, %cond3A_12 : i32
      scf.if %cond3A_13 {
        %get3A_38 = arith.constant 0 : index
        %get3A_39 = arith.constant 0 : index
        %get3A_40 = arith.constant 0 : index
        %get3A_41 = vector.load %arg2[%get3A_38, %get3A_39, %get3A_40] : memref<1x1024x64xf32, #tpu.memory_space<vmem>>, vector<1x256x64xf32>
        %get3A_42 = vector.shape_cast %get3A_41 : vector<1x256x64xf32> to vector<256x64xf32>
        %iota3A = tpu.iota {dimensions = array<i32: 0>} : vector<256x1xi32>
        %lt3A = vector.broadcast %convert_element_type3A : i32 to vector<256x1xi32>
        %lt3A_43 = arith.cmpi slt, %iota3A, %lt3A : vector<256x1xi32>
        %jit3A = arith.constant 0.000000e+00 : f32
        %broadcast_in_dim3A = vector.shape_cast %lt3A_43 : vector<256x1xi1> to vector<256x1xi1>
        %broadcast_in_dim3A_44 = vector.broadcast %broadcast_in_dim3A : vector<256x1xi1> to vector<256x64xi1>
        %broadcast_in_dim3A_45 = vector.broadcast %jit3A : f32 to vector<256x64xf32>
        %select_n3A = arith.select %broadcast_in_dim3A_44, %get3A_42, %broadcast_in_dim3A_45 : vector<256x64xi1>, vector<256x64xf32>
        %reduce_sum3A = arith.constant dense<0.000000e+00> : vector<64xf32>
        %reduce_sum3A_46 = vector.multi_reduction <add>, %select_n3A, %reduce_sum3A [0] : vector<256x64xf32> to vector<64xf32>
        %broadcast_in_dim3A_47 = vector.shape_cast %reduce_sum3A_46 : vector<64xf32> to vector<1x64xf32>
        %div3A = vector.broadcast %get3A_3 : f32 to vector<1x64xf32>
        %div3A_48 = arith.divf %broadcast_in_dim3A_47, %div3A : vector<1x64xf32>
        %get3A_49 = arith.constant 0 : index
        %get3A_50 = arith.constant 0 : index
        %get3A_51 = vector.load %arg10[%get3A_49, %get3A_50] : memref<64x16xf32, #tpu.memory_space<vmem>>, vector<64x16xf32>
        %mul3A_52 = arith.mulf %get3A_51, %get3A_51 : vector<64x16xf32>
        %reduce_sum3A_53 = arith.constant dense<0.000000e+00> : vector<16xf32>
        %reduce_sum3A_54 = vector.multi_reduction <add>, %mul3A_52, %reduce_sum3A_53 [0] : vector<64x16xf32> to vector<16xf32>
        %broadcast_in_dim3A_55 = vector.shape_cast %reduce_sum3A_54 : vector<16xf32> to vector<1x16xf32>
        %dot_general3A = arith.constant dense<0.000000e+00> : vector<1x16xf32>
        %dot_general3A_56 = tpu.matmul %div3A_48, %get3A_51, %dot_general3A {dimension_numbers = #tpu.dot_dimension_numbers<[1], [0], [0], [1], [0, 0, 1, 1], [], []>, transpose_lhs_hint = false} : vector<1x64xf32>, vector<64x16xf32>, vector<1x16xf32> -> vector<1x16xf32>
        %mul3A_57 = arith.constant 2.000000e+00 : f32
        %mul3A_58 = vector.broadcast %mul3A_57 : f32 to vector<1x16xf32>
        %mul3A_59 = arith.mulf %mul3A_58, %dot_general3A_56 : vector<1x16xf32>
        %sub3A = arith.subf %mul3A_59, %broadcast_in_dim3A_55 : vector<1x16xf32>
        %mul3A_60 = arith.constant 2.000000e+00 : f32
        %mul3A_61 = vector.broadcast %mul3A_60 : f32 to vector<1x16xf32>
        %mul3A_62 = arith.mulf %sub3A, %mul3A_61 : vector<1x16xf32>
        %reduce_max3A = arith.constant dense<0xFF800000> : vector<1xf32>
        %reduce_max3A_63 = vector.multi_reduction <maximumf>, %mul3A_62, %reduce_max3A [1] : vector<1x16xf32> to vector<1xf32>
        %broadcast_in_dim3A_64 = vector.shape_cast %reduce_max3A_63 : vector<1xf32> to vector<1x1xf32>
        %sub3A_65 = vector.broadcast %broadcast_in_dim3A_64 : vector<1x1xf32> to vector<1x16xf32>
        %sub3A_66 = arith.subf %mul3A_62, %sub3A_65 : vector<1x16xf32>
        %exp3A = math.exp %sub3A_66 : vector<1x16xf32>
        %reduce_sum3A_67 = arith.constant dense<0.000000e+00> : vector<1xf32>
        %reduce_sum3A_68 = vector.multi_reduction <add>, %exp3A, %reduce_sum3A_67 [1] : vector<1x16xf32> to vector<1xf32>
        %broadcast_in_dim3A_69 = vector.shape_cast %reduce_sum3A_68 : vector<1xf32> to vector<1x1xf32>
        %div3A_70 = vector.broadcast %broadcast_in_dim3A_69 : vector<1x1xf32> to vector<1x16xf32>
        %div3A_71 = arith.divf %exp3A, %div3A_70 : vector<1x16xf32>
        %eq3A = arith.constant 7 : i32
        %eq3A_72 = arith.cmpi eq, %arg1, %eq3A : i32
        %convert_element_type3A_73 = arith.extui %eq3A_72 : i1 to i32
        %cond3A_74 = arith.constant 0 : i32
        %cond3A_75 = arith.cmpi ne, %convert_element_type3A_73, %cond3A_74 : i32
        scf.if %cond3A_75 {
          %swap3A_147 = arith.constant 0 : index
          %swap3A_148 = arith.constant 0 : index
          %swap3A_149 = arith.constant 0 : index
          %swap3A_150 = vector.load %arg13[%swap3A_147, %swap3A_148, %swap3A_149] : memref<1x1x64xf32, #tpu.memory_space<vmem>>, vector<1x1x64xf32>
          %swap3A_151 = vector.shape_cast %swap3A_150 : vector<1x1x64xf32> to vector<1x64xf32>
          %swap3A_152 = vector.shape_cast %div3A_48 : vector<1x64xf32> to vector<1x1x64xf32>
          tpu.vector_store %arg13[%swap3A_147, %swap3A_148, %swap3A_149], %swap3A_152 {strides = array<i32>} : memref<1x1x64xf32, #tpu.memory_space<vmem>>, vector<1x1x64xf32>,
          %swap3A_153 = arith.constant 0 : index
          %swap3A_154 = arith.constant 0 : index
          %swap3A_155 = arith.constant 0 : index
          %swap3A_156 = vector.load %arg14[%swap3A_153, %swap3A_154, %swap3A_155] : memref<1x1x16xf32, #tpu.memory_space<vmem>>, vector<1x1x16xf32>
          %swap3A_157 = vector.shape_cast %swap3A_156 : vector<1x1x16xf32> to vector<1x16xf32>
          %swap3A_158 = vector.shape_cast %div3A_71 : vector<1x16xf32> to vector<1x1x16xf32>
          tpu.vector_store %arg14[%swap3A_153, %swap3A_154, %swap3A_155], %swap3A_158 {strides = array<i32>} : memref<1x1x16xf32, #tpu.memory_space<vmem>>, vector<1x1x16xf32>,
        } else {
        }
        %get3A_76 = arith.constant 0 : index
        %get3A_77 = arith.constant 0 : index
        %get3A_78 = arith.constant 0 : index
        %get3A_79 = vector.load %arg3[%get3A_76, %get3A_77, %get3A_78] : memref<1x128x64xf32, #tpu.memory_space<vmem>>, vector<1x128x64xf32>
        %get3A_80 = vector.shape_cast %get3A_79 : vector<1x128x64xf32> to vector<128x64xf32>
        %get3A_81 = arith.constant 0 : index
        %get3A_82 = arith.constant 0 : index
        %get3A_83 = vector.load %arg9[%get3A_81, %get3A_82] : memref<16x64xf32, #tpu.memory_space<vmem>>, vector<16x64xf32>
        %dot_general3A_84 = arith.constant dense<0.000000e+00> : vector<1x64xf32>
        %dot_general3A_85 = tpu.matmul %div3A_71, %get3A_83, %dot_general3A_84 {dimension_numbers = #tpu.dot_dimension_numbers<[1], [0], [0], [1], [0, 0, 1, 1], [], []>, transpose_lhs_hint = false} : vector<1x16xf32>, vector<16x64xf32>, vector<1x64xf32> -> vector<1x64xf32>
        %add3A_86 = vector.broadcast %dot_general3A_85 : vector<1x64xf32> to vector<128x64xf32>
        %add3A_87 = arith.addf %get3A_80, %add3A_86 : vector<128x64xf32>
        %get3A_88 = arith.constant 0 : index
        %get3A_89 = arith.constant 0 : index
        %get3A_90 = vector.load %arg5[%get3A_88, %get3A_89] : memref<64x64xf32, #tpu.memory_space<vmem>>, vector<64x64xf32>
        %dot_general3A_91 = arith.constant dense<0.000000e+00> : vector<128x64xf32>
        %dot_general3A_92 = tpu.matmul %add3A_87, %get3A_90, %dot_general3A_91 {dimension_numbers = #tpu.dot_dimension_numbers<[1], [0], [0], [1], [0, 0, 1, 1], [], []>, transpose_lhs_hint = false} : vector<128x64xf32>, vector<64x64xf32>, vector<128x64xf32> -> vector<128x64xf32>
        %get3A_93 = arith.constant 0 : index
        %get3A_94 = arith.constant 0 : index
        %get3A_95 = vector.load %arg6[%get3A_93, %get3A_94] : memref<64x64xf32, #tpu.memory_space<vmem>>, vector<64x64xf32>
        %dot_general3A_96 = arith.constant dense<0.000000e+00> : vector<256x64xf32>
        %dot_general3A_97 = tpu.matmul %select_n3A, %get3A_95, %dot_general3A_96 {dimension_numbers = #tpu.dot_dimension_numbers<[1], [0], [0], [1], [0, 0, 1, 1], [], []>, transpose_lhs_hint = false} : vector<256x64xf32>, vector<64x64xf32>, vector<256x64xf32> -> vector<256x64xf32>
        %get3A_98 = arith.constant 0 : index
        %get3A_99 = arith.constant 0 : index
        %get3A_100 = vector.load %arg7[%get3A_98, %get3A_99] : memref<64x64xf32, #tpu.memory_space<vmem>>, vector<64x64xf32>
        %dot_general3A_101 = arith.constant dense<0.000000e+00> : vector<256x64xf32>
        %dot_general3A_102 = tpu.matmul %select_n3A, %get3A_100, %dot_general3A_101 {dimension_numbers = #tpu.dot_dimension_numbers<[1], [0], [0], [1], [0, 0, 1, 1], [], []>, transpose_lhs_hint = false} : vector<256x64xf32>, vector<64x64xf32>, vector<256x64xf32> -> vector<256x64xf32>
        %iota3A_103 = tpu.iota {dimensions = array<i32: 1>} : vector<1x256xi32>
        %lt3A_104 = vector.broadcast %convert_element_type3A : i32 to vector<1x256xi32>
        %lt3A_105 = arith.cmpi slt, %iota3A_103, %lt3A_104 : vector<1x256xi32>
        %jit3A_106 = arith.constant 0.000000e+00 : f32
        %jit3A_107 = arith.constant -1.000000e+09 : f32
        %broadcast_in_dim3A_108 = vector.broadcast %jit3A_106 : f32 to vector<1x256xf32>
        %broadcast_in_dim3A_109 = vector.broadcast %jit3A_107 : f32 to vector<1x256xf32>
        %select_n3A_110 = arith.select %lt3A_105, %broadcast_in_dim3A_108, %broadcast_in_dim3A_109 : vector<1x256xi1>, vector<1x256xf32>
        %dot_general3A_111 = arith.constant dense<0.000000e+00> : vector<128x256xf32>
        %dot_general3A_112 = tpu.matmul %dot_general3A_92, %dot_general3A_97, %dot_general3A_111 {dimension_numbers = #tpu.dot_dimension_numbers<[1], [1], [0], [0], [0, 0, 1, 0], [], []>, transpose_lhs_hint = false} : vector<128x64xf32>, vector<256x64xf32>, vector<128x256xf32> -> vector<128x256xf32>
        %mul3A_113 = arith.constant 1.250000e-01 : f32
        %mul3A_114 = vector.broadcast %mul3A_113 : f32 to vector<128x256xf32>
        %mul3A_115 = arith.mulf %dot_general3A_112, %mul3A_114 : vector<128x256xf32>
        %add3A_116 = vector.broadcast %select_n3A_110 : vector<1x256xf32> to vector<128x256xf32>
        %add3A_117 = arith.addf %mul3A_115, %add3A_116 : vector<128x256xf32>
        %reduce_max3A_118 = arith.constant dense<0xFF800000> : vector<128xf32>
        %reduce_max3A_119 = vector.multi_reduction <maximumf>, %add3A_117, %reduce_max3A_118 [1] : vector<128x256xf32> to vector<128xf32>
        %broadcast_in_dim3A_120 = vector.shape_cast %reduce_max3A_119 : vector<128xf32> to vector<128x1xf32>
        %sub3A_121 = vector.broadcast %broadcast_in_dim3A_120 : vector<128x1xf32> to vector<128x256xf32>
        %sub3A_122 = arith.subf %add3A_117, %sub3A_121 : vector<128x256xf32>
        %exp3A_123 = math.exp %sub3A_122 : vector<128x256xf32>
        %reduce_sum3A_124 = arith.constant dense<0.000000e+00> : vector<128xf32>
        %reduce_sum3A_125 = vector.multi_reduction <add>, %exp3A_123, %reduce_sum3A_124 [1] : vector<128x256xf32> to vector<128xf32>
        %broadcast_in_dim3A_126 = vector.shape_cast %reduce_sum3A_125 : vector<128xf32> to vector<128x1xf32>
        %dot_general3A_127 = arith.constant dense<0.000000e+00> : vector<128x64xf32>
        %dot_general3A_128 = tpu.matmul %exp3A_123, %dot_general3A_102, %dot_general3A_127 {dimension_numbers = #tpu.dot_dimension_numbers<[1], [0], [0], [1], [0, 0, 1, 1], [], []>, transpose_lhs_hint = false} : vector<128x256xf32>, vector<256x64xf32>, vector<128x64xf32> -> vector<128x64xf32>
        %div3A_129 = vector.broadcast %broadcast_in_dim3A_126 : vector<128x1xf32> to vector<128x64xf32>
        %div3A_130 = arith.divf %dot_general3A_128, %div3A_129 : vector<128x64xf32>
        %get3A_131 = arith.constant 0 : index
        %get3A_132 = arith.constant 0 : index
        %get3A_133 = vector.load %arg8[%get3A_131, %get3A_132] : memref<64x64xf32, #tpu.memory_space<vmem>>, vector<64x64xf32>
        %dot_general3A_134 = arith.constant dense<0.000000e+00> : vector<128x64xf32>
        %dot_general3A_135 = tpu.matmul %div3A_130, %get3A_133, %dot_general3A_134 {dimension_numbers = #tpu.dot_dimension_numbers<[1], [0], [0], [1], [0, 0, 1, 1], [], []>, transpose_lhs_hint = false} : vector<128x64xf32>, vector<64x64xf32>, vector<128x64xf32> -> vector<128x64xf32>
        %add3A_136 = arith.addf %add3A_87, %dot_general3A_135 : vector<128x64xf32>
        %get3A_137 = arith.constant 0 : index
        %get3A_138 = arith.constant 0 : index
        %get3A_139 = vector.load %arg11[%get3A_137, %get3A_138] : memref<64x24xf32, #tpu.memory_space<vmem>>, vector<64x24xf32>
        %dot_general3A_140 = arith.constant dense<0.000000e+00> : vector<128x24xf32>
        %dot_general3A_141 = tpu.matmul %add3A_136, %get3A_139, %dot_general3A_140 {dimension_numbers = #tpu.dot_dimension_numbers<[1], [0], [0], [1], [0, 0, 1, 1], [], []>, transpose_lhs_hint = false} : vector<128x64xf32>, vector<64x24xf32>, vector<128x24xf32> -> vector<128x24xf32>
        %swap3A = arith.constant 0 : index
        %swap3A_142 = arith.constant 0 : index
        %swap3A_143 = arith.constant 0 : index
        %swap3A_144 = vector.load %arg12[%swap3A, %swap3A_142, %swap3A_143] : memref<1x128x24xf32, #tpu.memory_space<vmem>>, vector<1x128x24xf32>
        %swap3A_145 = vector.shape_cast %swap3A_144 : vector<1x128x24xf32> to vector<128x24xf32>
        %swap3A_146 = vector.shape_cast %dot_general3A_141 : vector<128x24xf32> to vector<1x128x24xf32>
        tpu.vector_store %arg12[%swap3A, %swap3A_142, %swap3A_143], %swap3A_146 {strides = array<i32>} : memref<1x128x24xf32, #tpu.memory_space<vmem>>, vector<1x128x24xf32>,
      } else {
      }
      %gt3A_14 = arith.constant 256 : i32
      %gt3A_15 = arith.cmpi sgt, %convert_element_type3A, %gt3A_14 : i32
      %le3A_16 = arith.constant 512 : i32
      %le3A_17 = arith.cmpi sle, %convert_element_type3A, %le3A_16 : i32
      %and3A_18 = arith.andi %gt3A_15, %le3A_17 : i1
      %convert_element_type3A_19 = arith.extui %and3A_18 : i1 to i32
      %cond3A_20 = arith.constant 0 : i32
      %cond3A_21 = arith.cmpi ne, %convert_element_type3A_19, %cond3A_20 : i32
      scf.if %cond3A_21 {
        %get3A_38 = arith.constant 0 : index
        %get3A_39 = arith.constant 0 : index
        %get3A_40 = arith.constant 0 : index
        %get3A_41 = vector.load %arg2[%get3A_38, %get3A_39, %get3A_40] : memref<1x1024x64xf32, #tpu.memory_space<vmem>>, vector<1x512x64xf32>
        %get3A_42 = vector.shape_cast %get3A_41 : vector<1x512x64xf32> to vector<512x64xf32>
        %iota3A = tpu.iota {dimensions = array<i32: 0>} : vector<512x1xi32>
        %lt3A = vector.broadcast %convert_element_type3A : i32 to vector<512x1xi32>
        %lt3A_43 = arith.cmpi slt, %iota3A, %lt3A : vector<512x1xi32>
        %jit3A = arith.constant 0.000000e+00 : f32
        %broadcast_in_dim3A = vector.shape_cast %lt3A_43 : vector<512x1xi1> to vector<512x1xi1>
        %broadcast_in_dim3A_44 = vector.broadcast %broadcast_in_dim3A : vector<512x1xi1> to vector<512x64xi1>
        %broadcast_in_dim3A_45 = vector.broadcast %jit3A : f32 to vector<512x64xf32>
        %select_n3A = arith.select %broadcast_in_dim3A_44, %get3A_42, %broadcast_in_dim3A_45 : vector<512x64xi1>, vector<512x64xf32>
        %reduce_sum3A = arith.constant dense<0.000000e+00> : vector<64xf32>
        %reduce_sum3A_46 = vector.multi_reduction <add>, %select_n3A, %reduce_sum3A [0] : vector<512x64xf32> to vector<64xf32>
        %broadcast_in_dim3A_47 = vector.shape_cast %reduce_sum3A_46 : vector<64xf32> to vector<1x64xf32>
        %div3A = vector.broadcast %get3A_3 : f32 to vector<1x64xf32>
        %div3A_48 = arith.divf %broadcast_in_dim3A_47, %div3A : vector<1x64xf32>
        %get3A_49 = arith.constant 0 : index
        %get3A_50 = arith.constant 0 : index
        %get3A_51 = vector.load %arg10[%get3A_49, %get3A_50] : memref<64x16xf32, #tpu.memory_space<vmem>>, vector<64x16xf32>
        %mul3A_52 = arith.mulf %get3A_51, %get3A_51 : vector<64x16xf32>
        %reduce_sum3A_53 = arith.constant dense<0.000000e+00> : vector<16xf32>
        %reduce_sum3A_54 = vector.multi_reduction <add>, %mul3A_52, %reduce_sum3A_53 [0] : vector<64x16xf32> to vector<16xf32>
        %broadcast_in_dim3A_55 = vector.shape_cast %reduce_sum3A_54 : vector<16xf32> to vector<1x16xf32>
        %dot_general3A = arith.constant dense<0.000000e+00> : vector<1x16xf32>
        %dot_general3A_56 = tpu.matmul %div3A_48, %get3A_51, %dot_general3A {dimension_numbers = #tpu.dot_dimension_numbers<[1], [0], [0], [1], [0, 0, 1, 1], [], []>, transpose_lhs_hint = false} : vector<1x64xf32>, vector<64x16xf32>, vector<1x16xf32> -> vector<1x16xf32>
        %mul3A_57 = arith.constant 2.000000e+00 : f32
        %mul3A_58 = vector.broadcast %mul3A_57 : f32 to vector<1x16xf32>
        %mul3A_59 = arith.mulf %mul3A_58, %dot_general3A_56 : vector<1x16xf32>
        %sub3A = arith.subf %mul3A_59, %broadcast_in_dim3A_55 : vector<1x16xf32>
        %mul3A_60 = arith.constant 2.000000e+00 : f32
        %mul3A_61 = vector.broadcast %mul3A_60 : f32 to vector<1x16xf32>
        %mul3A_62 = arith.mulf %sub3A, %mul3A_61 : vector<1x16xf32>
        %reduce_max3A = arith.constant dense<0xFF800000> : vector<1xf32>
        %reduce_max3A_63 = vector.multi_reduction <maximumf>, %mul3A_62, %reduce_max3A [1] : vector<1x16xf32> to vector<1xf32>
        %broadcast_in_dim3A_64 = vector.shape_cast %reduce_max3A_63 : vector<1xf32> to vector<1x1xf32>
        %sub3A_65 = vector.broadcast %broadcast_in_dim3A_64 : vector<1x1xf32> to vector<1x16xf32>
        %sub3A_66 = arith.subf %mul3A_62, %sub3A_65 : vector<1x16xf32>
        %exp3A = math.exp %sub3A_66 : vector<1x16xf32>
        %reduce_sum3A_67 = arith.constant dense<0.000000e+00> : vector<1xf32>
        %reduce_sum3A_68 = vector.multi_reduction <add>, %exp3A, %reduce_sum3A_67 [1] : vector<1x16xf32> to vector<1xf32>
        %broadcast_in_dim3A_69 = vector.shape_cast %reduce_sum3A_68 : vector<1xf32> to vector<1x1xf32>
        %div3A_70 = vector.broadcast %broadcast_in_dim3A_69 : vector<1x1xf32> to vector<1x16xf32>
        %div3A_71 = arith.divf %exp3A, %div3A_70 : vector<1x16xf32>
        %eq3A = arith.constant 7 : i32
        %eq3A_72 = arith.cmpi eq, %arg1, %eq3A : i32
        %convert_element_type3A_73 = arith.extui %eq3A_72 : i1 to i32
        %cond3A_74 = arith.constant 0 : i32
        %cond3A_75 = arith.cmpi ne, %convert_element_type3A_73, %cond3A_74 : i32
        scf.if %cond3A_75 {
          %swap3A_147 = arith.constant 0 : index
          %swap3A_148 = arith.constant 0 : index
          %swap3A_149 = arith.constant 0 : index
          %swap3A_150 = vector.load %arg13[%swap3A_147, %swap3A_148, %swap3A_149] : memref<1x1x64xf32, #tpu.memory_space<vmem>>, vector<1x1x64xf32>
          %swap3A_151 = vector.shape_cast %swap3A_150 : vector<1x1x64xf32> to vector<1x64xf32>
          %swap3A_152 = vector.shape_cast %div3A_48 : vector<1x64xf32> to vector<1x1x64xf32>
          tpu.vector_store %arg13[%swap3A_147, %swap3A_148, %swap3A_149], %swap3A_152 {strides = array<i32>} : memref<1x1x64xf32, #tpu.memory_space<vmem>>, vector<1x1x64xf32>,
          %swap3A_153 = arith.constant 0 : index
          %swap3A_154 = arith.constant 0 : index
          %swap3A_155 = arith.constant 0 : index
          %swap3A_156 = vector.load %arg14[%swap3A_153, %swap3A_154, %swap3A_155] : memref<1x1x16xf32, #tpu.memory_space<vmem>>, vector<1x1x16xf32>
          %swap3A_157 = vector.shape_cast %swap3A_156 : vector<1x1x16xf32> to vector<1x16xf32>
          %swap3A_158 = vector.shape_cast %div3A_71 : vector<1x16xf32> to vector<1x1x16xf32>
          tpu.vector_store %arg14[%swap3A_153, %swap3A_154, %swap3A_155], %swap3A_158 {strides = array<i32>} : memref<1x1x16xf32, #tpu.memory_space<vmem>>, vector<1x1x16xf32>,
        } else {
        }
        %get3A_76 = arith.constant 0 : index
        %get3A_77 = arith.constant 0 : index
        %get3A_78 = arith.constant 0 : index
        %get3A_79 = vector.load %arg3[%get3A_76, %get3A_77, %get3A_78] : memref<1x128x64xf32, #tpu.memory_space<vmem>>, vector<1x128x64xf32>
        %get3A_80 = vector.shape_cast %get3A_79 : vector<1x128x64xf32> to vector<128x64xf32>
        %get3A_81 = arith.constant 0 : index
        %get3A_82 = arith.constant 0 : index
        %get3A_83 = vector.load %arg9[%get3A_81, %get3A_82] : memref<16x64xf32, #tpu.memory_space<vmem>>, vector<16x64xf32>
        %dot_general3A_84 = arith.constant dense<0.000000e+00> : vector<1x64xf32>
        %dot_general3A_85 = tpu.matmul %div3A_71, %get3A_83, %dot_general3A_84 {dimension_numbers = #tpu.dot_dimension_numbers<[1], [0], [0], [1], [0, 0, 1, 1], [], []>, transpose_lhs_hint = false} : vector<1x16xf32>, vector<16x64xf32>, vector<1x64xf32> -> vector<1x64xf32>
        %add3A_86 = vector.broadcast %dot_general3A_85 : vector<1x64xf32> to vector<128x64xf32>
        %add3A_87 = arith.addf %get3A_80, %add3A_86 : vector<128x64xf32>
        %get3A_88 = arith.constant 0 : index
        %get3A_89 = arith.constant 0 : index
        %get3A_90 = vector.load %arg5[%get3A_88, %get3A_89] : memref<64x64xf32, #tpu.memory_space<vmem>>, vector<64x64xf32>
        %dot_general3A_91 = arith.constant dense<0.000000e+00> : vector<128x64xf32>
        %dot_general3A_92 = tpu.matmul %add3A_87, %get3A_90, %dot_general3A_91 {dimension_numbers = #tpu.dot_dimension_numbers<[1], [0], [0], [1], [0, 0, 1, 1], [], []>, transpose_lhs_hint = false} : vector<128x64xf32>, vector<64x64xf32>, vector<128x64xf32> -> vector<128x64xf32>
        %get3A_93 = arith.constant 0 : index
        %get3A_94 = arith.constant 0 : index
        %get3A_95 = vector.load %arg6[%get3A_93, %get3A_94] : memref<64x64xf32, #tpu.memory_space<vmem>>, vector<64x64xf32>
        %dot_general3A_96 = arith.constant dense<0.000000e+00> : vector<512x64xf32>
        %dot_general3A_97 = tpu.matmul %select_n3A, %get3A_95, %dot_general3A_96 {dimension_numbers = #tpu.dot_dimension_numbers<[1], [0], [0], [1], [0, 0, 1, 1], [], []>, transpose_lhs_hint = false} : vector<512x64xf32>, vector<64x64xf32>, vector<512x64xf32> -> vector<512x64xf32>
        %get3A_98 = arith.constant 0 : index
        %get3A_99 = arith.constant 0 : index
        %get3A_100 = vector.load %arg7[%get3A_98, %get3A_99] : memref<64x64xf32, #tpu.memory_space<vmem>>, vector<64x64xf32>
        %dot_general3A_101 = arith.constant dense<0.000000e+00> : vector<512x64xf32>
        %dot_general3A_102 = tpu.matmul %select_n3A, %get3A_100, %dot_general3A_101 {dimension_numbers = #tpu.dot_dimension_numbers<[1], [0], [0], [1], [0, 0, 1, 1], [], []>, transpose_lhs_hint = false} : vector<512x64xf32>, vector<64x64xf32>, vector<512x64xf32> -> vector<512x64xf32>
        %iota3A_103 = tpu.iota {dimensions = array<i32: 1>} : vector<1x512xi32>
        %lt3A_104 = vector.broadcast %convert_element_type3A : i32 to vector<1x512xi32>
        %lt3A_105 = arith.cmpi slt, %iota3A_103, %lt3A_104 : vector<1x512xi32>
        %jit3A_106 = arith.constant 0.000000e+00 : f32
        %jit3A_107 = arith.constant -1.000000e+09 : f32
        %broadcast_in_dim3A_108 = vector.broadcast %jit3A_106 : f32 to vector<1x512xf32>
        %broadcast_in_dim3A_109 = vector.broadcast %jit3A_107 : f32 to vector<1x512xf32>
        %select_n3A_110 = arith.select %lt3A_105, %broadcast_in_dim3A_108, %broadcast_in_dim3A_109 : vector<1x512xi1>, vector<1x512xf32>
        %dot_general3A_111 = arith.constant dense<0.000000e+00> : vector<128x512xf32>
        %dot_general3A_112 = tpu.matmul %dot_general3A_92, %dot_general3A_97, %dot_general3A_111 {dimension_numbers = #tpu.dot_dimension_numbers<[1], [1], [0], [0], [0, 0, 1, 0], [], []>, transpose_lhs_hint = false} : vector<128x64xf32>, vector<512x64xf32>, vector<128x512xf32> -> vector<128x512xf32>
        %mul3A_113 = arith.constant 1.250000e-01 : f32
        %mul3A_114 = vector.broadcast %mul3A_113 : f32 to vector<128x512xf32>
        %mul3A_115 = arith.mulf %dot_general3A_112, %mul3A_114 : vector<128x512xf32>
        %add3A_116 = vector.broadcast %select_n3A_110 : vector<1x512xf32> to vector<128x512xf32>
        %add3A_117 = arith.addf %mul3A_115, %add3A_116 : vector<128x512xf32>
        %reduce_max3A_118 = arith.constant dense<0xFF800000> : vector<128xf32>
        %reduce_max3A_119 = vector.multi_reduction <maximumf>, %add3A_117, %reduce_max3A_118 [1] : vector<128x512xf32> to vector<128xf32>
        %broadcast_in_dim3A_120 = vector.shape_cast %reduce_max3A_119 : vector<128xf32> to vector<128x1xf32>
        %sub3A_121 = vector.broadcast %broadcast_in_dim3A_120 : vector<128x1xf32> to vector<128x512xf32>
        %sub3A_122 = arith.subf %add3A_117, %sub3A_121 : vector<128x512xf32>
        %exp3A_123 = math.exp %sub3A_122 : vector<128x512xf32>
        %reduce_sum3A_124 = arith.constant dense<0.000000e+00> : vector<128xf32>
        %reduce_sum3A_125 = vector.multi_reduction <add>, %exp3A_123, %reduce_sum3A_124 [1] : vector<128x512xf32> to vector<128xf32>
        %broadcast_in_dim3A_126 = vector.shape_cast %reduce_sum3A_125 : vector<128xf32> to vector<128x1xf32>
        %dot_general3A_127 = arith.constant dense<0.000000e+00> : vector<128x64xf32>
        %dot_general3A_128 = tpu.matmul %exp3A_123, %dot_general3A_102, %dot_general3A_127 {dimension_numbers = #tpu.dot_dimension_numbers<[1], [0], [0], [1], [0, 0, 1, 1], [], []>, transpose_lhs_hint = false} : vector<128x512xf32>, vector<512x64xf32>, vector<128x64xf32> -> vector<128x64xf32>
        %div3A_129 = vector.broadcast %broadcast_in_dim3A_126 : vector<128x1xf32> to vector<128x64xf32>
        %div3A_130 = arith.divf %dot_general3A_128, %div3A_129 : vector<128x64xf32>
        %get3A_131 = arith.constant 0 : index
        %get3A_132 = arith.constant 0 : index
        %get3A_133 = vector.load %arg8[%get3A_131, %get3A_132] : memref<64x64xf32, #tpu.memory_space<vmem>>, vector<64x64xf32>
        %dot_general3A_134 = arith.constant dense<0.000000e+00> : vector<128x64xf32>
        %dot_general3A_135 = tpu.matmul %div3A_130, %get3A_133, %dot_general3A_134 {dimension_numbers = #tpu.dot_dimension_numbers<[1], [0], [0], [1], [0, 0, 1, 1], [], []>, transpose_lhs_hint = false} : vector<128x64xf32>, vector<64x64xf32>, vector<128x64xf32> -> vector<128x64xf32>
        %add3A_136 = arith.addf %add3A_87, %dot_general3A_135 : vector<128x64xf32>
        %get3A_137 = arith.constant 0 : index
        %get3A_138 = arith.constant 0 : index
        %get3A_139 = vector.load %arg11[%get3A_137, %get3A_138] : memref<64x24xf32, #tpu.memory_space<vmem>>, vector<64x24xf32>
        %dot_general3A_140 = arith.constant dense<0.000000e+00> : vector<128x24xf32>
        %dot_general3A_141 = tpu.matmul %add3A_136, %get3A_139, %dot_general3A_140 {dimension_numbers = #tpu.dot_dimension_numbers<[1], [0], [0], [1], [0, 0, 1, 1], [], []>, transpose_lhs_hint = false} : vector<128x64xf32>, vector<64x24xf32>, vector<128x24xf32> -> vector<128x24xf32>
        %swap3A = arith.constant 0 : index
        %swap3A_142 = arith.constant 0 : index
        %swap3A_143 = arith.constant 0 : index
        %swap3A_144 = vector.load %arg12[%swap3A, %swap3A_142, %swap3A_143] : memref<1x128x24xf32, #tpu.memory_space<vmem>>, vector<1x128x24xf32>
        %swap3A_145 = vector.shape_cast %swap3A_144 : vector<1x128x24xf32> to vector<128x24xf32>
        %swap3A_146 = vector.shape_cast %dot_general3A_141 : vector<128x24xf32> to vector<1x128x24xf32>
        tpu.vector_store %arg12[%swap3A, %swap3A_142, %swap3A_143], %swap3A_146 {strides = array<i32>} : memref<1x128x24xf32, #tpu.memory_space<vmem>>, vector<1x128x24xf32>,
      } else {
      }
      %gt3A_22 = arith.constant 512 : i32
      %gt3A_23 = arith.cmpi sgt, %convert_element_type3A, %gt3A_22 : i32
      %le3A_24 = arith.constant 768 : i32
      %le3A_25 = arith.cmpi sle, %convert_element_type3A, %le3A_24 : i32
      %and3A_26 = arith.andi %gt3A_23, %le3A_25 : i1
      %convert_element_type3A_27 = arith.extui %and3A_26 : i1 to i32
      %cond3A_28 = arith.constant 0 : i32
      %cond3A_29 = arith.cmpi ne, %convert_element_type3A_27, %cond3A_28 : i32
      scf.if %cond3A_29 {
        %get3A_38 = arith.constant 0 : index
        %get3A_39 = arith.constant 0 : index
        %get3A_40 = arith.constant 0 : index
        %get3A_41 = vector.load %arg2[%get3A_38, %get3A_39, %get3A_40] : memref<1x1024x64xf32, #tpu.memory_space<vmem>>, vector<1x768x64xf32>
        %get3A_42 = vector.shape_cast %get3A_41 : vector<1x768x64xf32> to vector<768x64xf32>
        %iota3A = tpu.iota {dimensions = array<i32: 0>} : vector<768x1xi32>
        %lt3A = vector.broadcast %convert_element_type3A : i32 to vector<768x1xi32>
        %lt3A_43 = arith.cmpi slt, %iota3A, %lt3A : vector<768x1xi32>
        %jit3A = arith.constant 0.000000e+00 : f32
        %broadcast_in_dim3A = vector.shape_cast %lt3A_43 : vector<768x1xi1> to vector<768x1xi1>
        %broadcast_in_dim3A_44 = vector.broadcast %broadcast_in_dim3A : vector<768x1xi1> to vector<768x64xi1>
        %broadcast_in_dim3A_45 = vector.broadcast %jit3A : f32 to vector<768x64xf32>
        %select_n3A = arith.select %broadcast_in_dim3A_44, %get3A_42, %broadcast_in_dim3A_45 : vector<768x64xi1>, vector<768x64xf32>
        %reduce_sum3A = arith.constant dense<0.000000e+00> : vector<64xf32>
        %reduce_sum3A_46 = vector.multi_reduction <add>, %select_n3A, %reduce_sum3A [0] : vector<768x64xf32> to vector<64xf32>
        %broadcast_in_dim3A_47 = vector.shape_cast %reduce_sum3A_46 : vector<64xf32> to vector<1x64xf32>
        %div3A = vector.broadcast %get3A_3 : f32 to vector<1x64xf32>
        %div3A_48 = arith.divf %broadcast_in_dim3A_47, %div3A : vector<1x64xf32>
        %get3A_49 = arith.constant 0 : index
        %get3A_50 = arith.constant 0 : index
        %get3A_51 = vector.load %arg10[%get3A_49, %get3A_50] : memref<64x16xf32, #tpu.memory_space<vmem>>, vector<64x16xf32>
        %mul3A_52 = arith.mulf %get3A_51, %get3A_51 : vector<64x16xf32>
        %reduce_sum3A_53 = arith.constant dense<0.000000e+00> : vector<16xf32>
        %reduce_sum3A_54 = vector.multi_reduction <add>, %mul3A_52, %reduce_sum3A_53 [0] : vector<64x16xf32> to vector<16xf32>
        %broadcast_in_dim3A_55 = vector.shape_cast %reduce_sum3A_54 : vector<16xf32> to vector<1x16xf32>
        %dot_general3A = arith.constant dense<0.000000e+00> : vector<1x16xf32>
        %dot_general3A_56 = tpu.matmul %div3A_48, %get3A_51, %dot_general3A {dimension_numbers = #tpu.dot_dimension_numbers<[1], [0], [0], [1], [0, 0, 1, 1], [], []>, transpose_lhs_hint = false} : vector<1x64xf32>, vector<64x16xf32>, vector<1x16xf32> -> vector<1x16xf32>
        %mul3A_57 = arith.constant 2.000000e+00 : f32
        %mul3A_58 = vector.broadcast %mul3A_57 : f32 to vector<1x16xf32>
        %mul3A_59 = arith.mulf %mul3A_58, %dot_general3A_56 : vector<1x16xf32>
        %sub3A = arith.subf %mul3A_59, %broadcast_in_dim3A_55 : vector<1x16xf32>
        %mul3A_60 = arith.constant 2.000000e+00 : f32
        %mul3A_61 = vector.broadcast %mul3A_60 : f32 to vector<1x16xf32>
        %mul3A_62 = arith.mulf %sub3A, %mul3A_61 : vector<1x16xf32>
        %reduce_max3A = arith.constant dense<0xFF800000> : vector<1xf32>
        %reduce_max3A_63 = vector.multi_reduction <maximumf>, %mul3A_62, %reduce_max3A [1] : vector<1x16xf32> to vector<1xf32>
        %broadcast_in_dim3A_64 = vector.shape_cast %reduce_max3A_63 : vector<1xf32> to vector<1x1xf32>
        %sub3A_65 = vector.broadcast %broadcast_in_dim3A_64 : vector<1x1xf32> to vector<1x16xf32>
        %sub3A_66 = arith.subf %mul3A_62, %sub3A_65 : vector<1x16xf32>
        %exp3A = math.exp %sub3A_66 : vector<1x16xf32>
        %reduce_sum3A_67 = arith.constant dense<0.000000e+00> : vector<1xf32>
        %reduce_sum3A_68 = vector.multi_reduction <add>, %exp3A, %reduce_sum3A_67 [1] : vector<1x16xf32> to vector<1xf32>
        %broadcast_in_dim3A_69 = vector.shape_cast %reduce_sum3A_68 : vector<1xf32> to vector<1x1xf32>
        %div3A_70 = vector.broadcast %broadcast_in_dim3A_69 : vector<1x1xf32> to vector<1x16xf32>
        %div3A_71 = arith.divf %exp3A, %div3A_70 : vector<1x16xf32>
        %eq3A = arith.constant 7 : i32
        %eq3A_72 = arith.cmpi eq, %arg1, %eq3A : i32
        %convert_element_type3A_73 = arith.extui %eq3A_72 : i1 to i32
        %cond3A_74 = arith.constant 0 : i32
        %cond3A_75 = arith.cmpi ne, %convert_element_type3A_73, %cond3A_74 : i32
        scf.if %cond3A_75 {
          %swap3A_147 = arith.constant 0 : index
          %swap3A_148 = arith.constant 0 : index
          %swap3A_149 = arith.constant 0 : index
          %swap3A_150 = vector.load %arg13[%swap3A_147, %swap3A_148, %swap3A_149] : memref<1x1x64xf32, #tpu.memory_space<vmem>>, vector<1x1x64xf32>
          %swap3A_151 = vector.shape_cast %swap3A_150 : vector<1x1x64xf32> to vector<1x64xf32>
          %swap3A_152 = vector.shape_cast %div3A_48 : vector<1x64xf32> to vector<1x1x64xf32>
          tpu.vector_store %arg13[%swap3A_147, %swap3A_148, %swap3A_149], %swap3A_152 {strides = array<i32>} : memref<1x1x64xf32, #tpu.memory_space<vmem>>, vector<1x1x64xf32>,
          %swap3A_153 = arith.constant 0 : index
          %swap3A_154 = arith.constant 0 : index
          %swap3A_155 = arith.constant 0 : index
          %swap3A_156 = vector.load %arg14[%swap3A_153, %swap3A_154, %swap3A_155] : memref<1x1x16xf32, #tpu.memory_space<vmem>>, vector<1x1x16xf32>
          %swap3A_157 = vector.shape_cast %swap3A_156 : vector<1x1x16xf32> to vector<1x16xf32>
          %swap3A_158 = vector.shape_cast %div3A_71 : vector<1x16xf32> to vector<1x1x16xf32>
          tpu.vector_store %arg14[%swap3A_153, %swap3A_154, %swap3A_155], %swap3A_158 {strides = array<i32>} : memref<1x1x16xf32, #tpu.memory_space<vmem>>, vector<1x1x16xf32>,
        } else {
        }
        %get3A_76 = arith.constant 0 : index
        %get3A_77 = arith.constant 0 : index
        %get3A_78 = arith.constant 0 : index
        %get3A_79 = vector.load %arg3[%get3A_76, %get3A_77, %get3A_78] : memref<1x128x64xf32, #tpu.memory_space<vmem>>, vector<1x128x64xf32>
        %get3A_80 = vector.shape_cast %get3A_79 : vector<1x128x64xf32> to vector<128x64xf32>
        %get3A_81 = arith.constant 0 : index
        %get3A_82 = arith.constant 0 : index
        %get3A_83 = vector.load %arg9[%get3A_81, %get3A_82] : memref<16x64xf32, #tpu.memory_space<vmem>>, vector<16x64xf32>
        %dot_general3A_84 = arith.constant dense<0.000000e+00> : vector<1x64xf32>
        %dot_general3A_85 = tpu.matmul %div3A_71, %get3A_83, %dot_general3A_84 {dimension_numbers = #tpu.dot_dimension_numbers<[1], [0], [0], [1], [0, 0, 1, 1], [], []>, transpose_lhs_hint = false} : vector<1x16xf32>, vector<16x64xf32>, vector<1x64xf32> -> vector<1x64xf32>
        %add3A_86 = vector.broadcast %dot_general3A_85 : vector<1x64xf32> to vector<128x64xf32>
        %add3A_87 = arith.addf %get3A_80, %add3A_86 : vector<128x64xf32>
        %get3A_88 = arith.constant 0 : index
        %get3A_89 = arith.constant 0 : index
        %get3A_90 = vector.load %arg5[%get3A_88, %get3A_89] : memref<64x64xf32, #tpu.memory_space<vmem>>, vector<64x64xf32>
        %dot_general3A_91 = arith.constant dense<0.000000e+00> : vector<128x64xf32>
        %dot_general3A_92 = tpu.matmul %add3A_87, %get3A_90, %dot_general3A_91 {dimension_numbers = #tpu.dot_dimension_numbers<[1], [0], [0], [1], [0, 0, 1, 1], [], []>, transpose_lhs_hint = false} : vector<128x64xf32>, vector<64x64xf32>, vector<128x64xf32> -> vector<128x64xf32>
        %get3A_93 = arith.constant 0 : index
        %get3A_94 = arith.constant 0 : index
        %get3A_95 = vector.load %arg6[%get3A_93, %get3A_94] : memref<64x64xf32, #tpu.memory_space<vmem>>, vector<64x64xf32>
        %dot_general3A_96 = arith.constant dense<0.000000e+00> : vector<768x64xf32>
        %dot_general3A_97 = tpu.matmul %select_n3A, %get3A_95, %dot_general3A_96 {dimension_numbers = #tpu.dot_dimension_numbers<[1], [0], [0], [1], [0, 0, 1, 1], [], []>, transpose_lhs_hint = false} : vector<768x64xf32>, vector<64x64xf32>, vector<768x64xf32> -> vector<768x64xf32>
        %get3A_98 = arith.constant 0 : index
        %get3A_99 = arith.constant 0 : index
        %get3A_100 = vector.load %arg7[%get3A_98, %get3A_99] : memref<64x64xf32, #tpu.memory_space<vmem>>, vector<64x64xf32>
        %dot_general3A_101 = arith.constant dense<0.000000e+00> : vector<768x64xf32>
        %dot_general3A_102 = tpu.matmul %select_n3A, %get3A_100, %dot_general3A_101 {dimension_numbers = #tpu.dot_dimension_numbers<[1], [0], [0], [1], [0, 0, 1, 1], [], []>, transpose_lhs_hint = false} : vector<768x64xf32>, vector<64x64xf32>, vector<768x64xf32> -> vector<768x64xf32>
        %iota3A_103 = tpu.iota {dimensions = array<i32: 1>} : vector<1x768xi32>
        %lt3A_104 = vector.broadcast %convert_element_type3A : i32 to vector<1x768xi32>
        %lt3A_105 = arith.cmpi slt, %iota3A_103, %lt3A_104 : vector<1x768xi32>
        %jit3A_106 = arith.constant 0.000000e+00 : f32
        %jit3A_107 = arith.constant -1.000000e+09 : f32
        %broadcast_in_dim3A_108 = vector.broadcast %jit3A_106 : f32 to vector<1x768xf32>
        %broadcast_in_dim3A_109 = vector.broadcast %jit3A_107 : f32 to vector<1x768xf32>
        %select_n3A_110 = arith.select %lt3A_105, %broadcast_in_dim3A_108, %broadcast_in_dim3A_109 : vector<1x768xi1>, vector<1x768xf32>
        %dot_general3A_111 = arith.constant dense<0.000000e+00> : vector<128x768xf32>
        %dot_general3A_112 = tpu.matmul %dot_general3A_92, %dot_general3A_97, %dot_general3A_111 {dimension_numbers = #tpu.dot_dimension_numbers<[1], [1], [0], [0], [0, 0, 1, 0], [], []>, transpose_lhs_hint = false} : vector<128x64xf32>, vector<768x64xf32>, vector<128x768xf32> -> vector<128x768xf32>
        %mul3A_113 = arith.constant 1.250000e-01 : f32
        %mul3A_114 = vector.broadcast %mul3A_113 : f32 to vector<128x768xf32>
        %mul3A_115 = arith.mulf %dot_general3A_112, %mul3A_114 : vector<128x768xf32>
        %add3A_116 = vector.broadcast %select_n3A_110 : vector<1x768xf32> to vector<128x768xf32>
        %add3A_117 = arith.addf %mul3A_115, %add3A_116 : vector<128x768xf32>
        %reduce_max3A_118 = arith.constant dense<0xFF800000> : vector<128xf32>
        %reduce_max3A_119 = vector.multi_reduction <maximumf>, %add3A_117, %reduce_max3A_118 [1] : vector<128x768xf32> to vector<128xf32>
        %broadcast_in_dim3A_120 = vector.shape_cast %reduce_max3A_119 : vector<128xf32> to vector<128x1xf32>
        %sub3A_121 = vector.broadcast %broadcast_in_dim3A_120 : vector<128x1xf32> to vector<128x768xf32>
        %sub3A_122 = arith.subf %add3A_117, %sub3A_121 : vector<128x768xf32>
        %exp3A_123 = math.exp %sub3A_122 : vector<128x768xf32>
        %reduce_sum3A_124 = arith.constant dense<0.000000e+00> : vector<128xf32>
        %reduce_sum3A_125 = vector.multi_reduction <add>, %exp3A_123, %reduce_sum3A_124 [1] : vector<128x768xf32> to vector<128xf32>
        %broadcast_in_dim3A_126 = vector.shape_cast %reduce_sum3A_125 : vector<128xf32> to vector<128x1xf32>
        %dot_general3A_127 = arith.constant dense<0.000000e+00> : vector<128x64xf32>
        %dot_general3A_128 = tpu.matmul %exp3A_123, %dot_general3A_102, %dot_general3A_127 {dimension_numbers = #tpu.dot_dimension_numbers<[1], [0], [0], [1], [0, 0, 1, 1], [], []>, transpose_lhs_hint = false} : vector<128x768xf32>, vector<768x64xf32>, vector<128x64xf32> -> vector<128x64xf32>
        %div3A_129 = vector.broadcast %broadcast_in_dim3A_126 : vector<128x1xf32> to vector<128x64xf32>
        %div3A_130 = arith.divf %dot_general3A_128, %div3A_129 : vector<128x64xf32>
        %get3A_131 = arith.constant 0 : index
        %get3A_132 = arith.constant 0 : index
        %get3A_133 = vector.load %arg8[%get3A_131, %get3A_132] : memref<64x64xf32, #tpu.memory_space<vmem>>, vector<64x64xf32>
        %dot_general3A_134 = arith.constant dense<0.000000e+00> : vector<128x64xf32>
        %dot_general3A_135 = tpu.matmul %div3A_130, %get3A_133, %dot_general3A_134 {dimension_numbers = #tpu.dot_dimension_numbers<[1], [0], [0], [1], [0, 0, 1, 1], [], []>, transpose_lhs_hint = false} : vector<128x64xf32>, vector<64x64xf32>, vector<128x64xf32> -> vector<128x64xf32>
        %add3A_136 = arith.addf %add3A_87, %dot_general3A_135 : vector<128x64xf32>
        %get3A_137 = arith.constant 0 : index
        %get3A_138 = arith.constant 0 : index
        %get3A_139 = vector.load %arg11[%get3A_137, %get3A_138] : memref<64x24xf32, #tpu.memory_space<vmem>>, vector<64x24xf32>
        %dot_general3A_140 = arith.constant dense<0.000000e+00> : vector<128x24xf32>
        %dot_general3A_141 = tpu.matmul %add3A_136, %get3A_139, %dot_general3A_140 {dimension_numbers = #tpu.dot_dimension_numbers<[1], [0], [0], [1], [0, 0, 1, 1], [], []>, transpose_lhs_hint = false} : vector<128x64xf32>, vector<64x24xf32>, vector<128x24xf32> -> vector<128x24xf32>
        %swap3A = arith.constant 0 : index
        %swap3A_142 = arith.constant 0 : index
        %swap3A_143 = arith.constant 0 : index
        %swap3A_144 = vector.load %arg12[%swap3A, %swap3A_142, %swap3A_143] : memref<1x128x24xf32, #tpu.memory_space<vmem>>, vector<1x128x24xf32>
        %swap3A_145 = vector.shape_cast %swap3A_144 : vector<1x128x24xf32> to vector<128x24xf32>
        %swap3A_146 = vector.shape_cast %dot_general3A_141 : vector<128x24xf32> to vector<1x128x24xf32>
        tpu.vector_store %arg12[%swap3A, %swap3A_142, %swap3A_143], %swap3A_146 {strides = array<i32>} : memref<1x128x24xf32, #tpu.memory_space<vmem>>, vector<1x128x24xf32>,
      } else {
      }
      %gt3A_30 = arith.constant 768 : i32
      %gt3A_31 = arith.cmpi sgt, %convert_element_type3A, %gt3A_30 : i32
      %le3A_32 = arith.constant 1024 : i32
      %le3A_33 = arith.cmpi sle, %convert_element_type3A, %le3A_32 : i32
      %and3A_34 = arith.andi %gt3A_31, %le3A_33 : i1
      %convert_element_type3A_35 = arith.extui %and3A_34 : i1 to i32
      %cond3A_36 = arith.constant 0 : i32
      %cond3A_37 = arith.cmpi ne, %convert_element_type3A_35, %cond3A_36 : i32
      scf.if %cond3A_37 {
        %get3A_38 = arith.constant 0 : index
        %get3A_39 = arith.constant 0 : index
        %get3A_40 = arith.constant 0 : index
        %get3A_41 = vector.load %arg2[%get3A_38, %get3A_39, %get3A_40] : memref<1x1024x64xf32, #tpu.memory_space<vmem>>, vector<1x1024x64xf32>
        %get3A_42 = vector.shape_cast %get3A_41 : vector<1x1024x64xf32> to vector<1024x64xf32>
        %iota3A = tpu.iota {dimensions = array<i32: 0>} : vector<1024x1xi32>
        %lt3A = vector.broadcast %convert_element_type3A : i32 to vector<1024x1xi32>
        %lt3A_43 = arith.cmpi slt, %iota3A, %lt3A : vector<1024x1xi32>
        %jit3A = arith.constant 0.000000e+00 : f32
        %broadcast_in_dim3A = vector.shape_cast %lt3A_43 : vector<1024x1xi1> to vector<1024x1xi1>
        %broadcast_in_dim3A_44 = vector.broadcast %broadcast_in_dim3A : vector<1024x1xi1> to vector<1024x64xi1>
        %broadcast_in_dim3A_45 = vector.broadcast %jit3A : f32 to vector<1024x64xf32>
        %select_n3A = arith.select %broadcast_in_dim3A_44, %get3A_42, %broadcast_in_dim3A_45 : vector<1024x64xi1>, vector<1024x64xf32>
        %reduce_sum3A = arith.constant dense<0.000000e+00> : vector<64xf32>
        %reduce_sum3A_46 = vector.multi_reduction <add>, %select_n3A, %reduce_sum3A [0] : vector<1024x64xf32> to vector<64xf32>
        %broadcast_in_dim3A_47 = vector.shape_cast %reduce_sum3A_46 : vector<64xf32> to vector<1x64xf32>
        %div3A = vector.broadcast %get3A_3 : f32 to vector<1x64xf32>
        %div3A_48 = arith.divf %broadcast_in_dim3A_47, %div3A : vector<1x64xf32>
        %get3A_49 = arith.constant 0 : index
        %get3A_50 = arith.constant 0 : index
        %get3A_51 = vector.load %arg10[%get3A_49, %get3A_50] : memref<64x16xf32, #tpu.memory_space<vmem>>, vector<64x16xf32>
        %mul3A_52 = arith.mulf %get3A_51, %get3A_51 : vector<64x16xf32>
        %reduce_sum3A_53 = arith.constant dense<0.000000e+00> : vector<16xf32>
        %reduce_sum3A_54 = vector.multi_reduction <add>, %mul3A_52, %reduce_sum3A_53 [0] : vector<64x16xf32> to vector<16xf32>
        %broadcast_in_dim3A_55 = vector.shape_cast %reduce_sum3A_54 : vector<16xf32> to vector<1x16xf32>
        %dot_general3A = arith.constant dense<0.000000e+00> : vector<1x16xf32>
        %dot_general3A_56 = tpu.matmul %div3A_48, %get3A_51, %dot_general3A {dimension_numbers = #tpu.dot_dimension_numbers<[1], [0], [0], [1], [0, 0, 1, 1], [], []>, transpose_lhs_hint = false} : vector<1x64xf32>, vector<64x16xf32>, vector<1x16xf32> -> vector<1x16xf32>
        %mul3A_57 = arith.constant 2.000000e+00 : f32
        %mul3A_58 = vector.broadcast %mul3A_57 : f32 to vector<1x16xf32>
        %mul3A_59 = arith.mulf %mul3A_58, %dot_general3A_56 : vector<1x16xf32>
        %sub3A = arith.subf %mul3A_59, %broadcast_in_dim3A_55 : vector<1x16xf32>
        %mul3A_60 = arith.constant 2.000000e+00 : f32
        %mul3A_61 = vector.broadcast %mul3A_60 : f32 to vector<1x16xf32>
        %mul3A_62 = arith.mulf %sub3A, %mul3A_61 : vector<1x16xf32>
        %reduce_max3A = arith.constant dense<0xFF800000> : vector<1xf32>
        %reduce_max3A_63 = vector.multi_reduction <maximumf>, %mul3A_62, %reduce_max3A [1] : vector<1x16xf32> to vector<1xf32>
        %broadcast_in_dim3A_64 = vector.shape_cast %reduce_max3A_63 : vector<1xf32> to vector<1x1xf32>
        %sub3A_65 = vector.broadcast %broadcast_in_dim3A_64 : vector<1x1xf32> to vector<1x16xf32>
        %sub3A_66 = arith.subf %mul3A_62, %sub3A_65 : vector<1x16xf32>
        %exp3A = math.exp %sub3A_66 : vector<1x16xf32>
        %reduce_sum3A_67 = arith.constant dense<0.000000e+00> : vector<1xf32>
        %reduce_sum3A_68 = vector.multi_reduction <add>, %exp3A, %reduce_sum3A_67 [1] : vector<1x16xf32> to vector<1xf32>
        %broadcast_in_dim3A_69 = vector.shape_cast %reduce_sum3A_68 : vector<1xf32> to vector<1x1xf32>
        %div3A_70 = vector.broadcast %broadcast_in_dim3A_69 : vector<1x1xf32> to vector<1x16xf32>
        %div3A_71 = arith.divf %exp3A, %div3A_70 : vector<1x16xf32>
        %eq3A = arith.constant 7 : i32
        %eq3A_72 = arith.cmpi eq, %arg1, %eq3A : i32
        %convert_element_type3A_73 = arith.extui %eq3A_72 : i1 to i32
        %cond3A_74 = arith.constant 0 : i32
        %cond3A_75 = arith.cmpi ne, %convert_element_type3A_73, %cond3A_74 : i32
        scf.if %cond3A_75 {
          %swap3A_147 = arith.constant 0 : index
          %swap3A_148 = arith.constant 0 : index
          %swap3A_149 = arith.constant 0 : index
          %swap3A_150 = vector.load %arg13[%swap3A_147, %swap3A_148, %swap3A_149] : memref<1x1x64xf32, #tpu.memory_space<vmem>>, vector<1x1x64xf32>
          %swap3A_151 = vector.shape_cast %swap3A_150 : vector<1x1x64xf32> to vector<1x64xf32>
          %swap3A_152 = vector.shape_cast %div3A_48 : vector<1x64xf32> to vector<1x1x64xf32>
          tpu.vector_store %arg13[%swap3A_147, %swap3A_148, %swap3A_149], %swap3A_152 {strides = array<i32>} : memref<1x1x64xf32, #tpu.memory_space<vmem>>, vector<1x1x64xf32>,
          %swap3A_153 = arith.constant 0 : index
          %swap3A_154 = arith.constant 0 : index
          %swap3A_155 = arith.constant 0 : index
          %swap3A_156 = vector.load %arg14[%swap3A_153, %swap3A_154, %swap3A_155] : memref<1x1x16xf32, #tpu.memory_space<vmem>>, vector<1x1x16xf32>
          %swap3A_157 = vector.shape_cast %swap3A_156 : vector<1x1x16xf32> to vector<1x16xf32>
          %swap3A_158 = vector.shape_cast %div3A_71 : vector<1x16xf32> to vector<1x1x16xf32>
          tpu.vector_store %arg14[%swap3A_153, %swap3A_154, %swap3A_155], %swap3A_158 {strides = array<i32>} : memref<1x1x16xf32, #tpu.memory_space<vmem>>, vector<1x1x16xf32>,
        } else {
        }
        %get3A_76 = arith.constant 0 : index
        %get3A_77 = arith.constant 0 : index
        %get3A_78 = arith.constant 0 : index
        %get3A_79 = vector.load %arg3[%get3A_76, %get3A_77, %get3A_78] : memref<1x128x64xf32, #tpu.memory_space<vmem>>, vector<1x128x64xf32>
        %get3A_80 = vector.shape_cast %get3A_79 : vector<1x128x64xf32> to vector<128x64xf32>
        %get3A_81 = arith.constant 0 : index
        %get3A_82 = arith.constant 0 : index
        %get3A_83 = vector.load %arg9[%get3A_81, %get3A_82] : memref<16x64xf32, #tpu.memory_space<vmem>>, vector<16x64xf32>
        %dot_general3A_84 = arith.constant dense<0.000000e+00> : vector<1x64xf32>
        %dot_general3A_85 = tpu.matmul %div3A_71, %get3A_83, %dot_general3A_84 {dimension_numbers = #tpu.dot_dimension_numbers<[1], [0], [0], [1], [0, 0, 1, 1], [], []>, transpose_lhs_hint = false} : vector<1x16xf32>, vector<16x64xf32>, vector<1x64xf32> -> vector<1x64xf32>
        %add3A_86 = vector.broadcast %dot_general3A_85 : vector<1x64xf32> to vector<128x64xf32>
        %add3A_87 = arith.addf %get3A_80, %add3A_86 : vector<128x64xf32>
        %get3A_88 = arith.constant 0 : index
        %get3A_89 = arith.constant 0 : index
        %get3A_90 = vector.load %arg5[%get3A_88, %get3A_89] : memref<64x64xf32, #tpu.memory_space<vmem>>, vector<64x64xf32>
        %dot_general3A_91 = arith.constant dense<0.000000e+00> : vector<128x64xf32>
        %dot_general3A_92 = tpu.matmul %add3A_87, %get3A_90, %dot_general3A_91 {dimension_numbers = #tpu.dot_dimension_numbers<[1], [0], [0], [1], [0, 0, 1, 1], [], []>, transpose_lhs_hint = false} : vector<128x64xf32>, vector<64x64xf32>, vector<128x64xf32> -> vector<128x64xf32>
        %get3A_93 = arith.constant 0 : index
        %get3A_94 = arith.constant 0 : index
        %get3A_95 = vector.load %arg6[%get3A_93, %get3A_94] : memref<64x64xf32, #tpu.memory_space<vmem>>, vector<64x64xf32>
        %dot_general3A_96 = arith.constant dense<0.000000e+00> : vector<1024x64xf32>
        %dot_general3A_97 = tpu.matmul %select_n3A, %get3A_95, %dot_general3A_96 {dimension_numbers = #tpu.dot_dimension_numbers<[1], [0], [0], [1], [0, 0, 1, 1], [], []>, transpose_lhs_hint = false} : vector<1024x64xf32>, vector<64x64xf32>, vector<1024x64xf32> -> vector<1024x64xf32>
        %get3A_98 = arith.constant 0 : index
        %get3A_99 = arith.constant 0 : index
        %get3A_100 = vector.load %arg7[%get3A_98, %get3A_99] : memref<64x64xf32, #tpu.memory_space<vmem>>, vector<64x64xf32>
        %dot_general3A_101 = arith.constant dense<0.000000e+00> : vector<1024x64xf32>
        %dot_general3A_102 = tpu.matmul %select_n3A, %get3A_100, %dot_general3A_101 {dimension_numbers = #tpu.dot_dimension_numbers<[1], [0], [0], [1], [0, 0, 1, 1], [], []>, transpose_lhs_hint = false} : vector<1024x64xf32>, vector<64x64xf32>, vector<1024x64xf32> -> vector<1024x64xf32>
        %iota3A_103 = tpu.iota {dimensions = array<i32: 1>} : vector<1x1024xi32>
        %lt3A_104 = vector.broadcast %convert_element_type3A : i32 to vector<1x1024xi32>
        %lt3A_105 = arith.cmpi slt, %iota3A_103, %lt3A_104 : vector<1x1024xi32>
        %jit3A_106 = arith.constant 0.000000e+00 : f32
        %jit3A_107 = arith.constant -1.000000e+09 : f32
        %broadcast_in_dim3A_108 = vector.broadcast %jit3A_106 : f32 to vector<1x1024xf32>
        %broadcast_in_dim3A_109 = vector.broadcast %jit3A_107 : f32 to vector<1x1024xf32>
        %select_n3A_110 = arith.select %lt3A_105, %broadcast_in_dim3A_108, %broadcast_in_dim3A_109 : vector<1x1024xi1>, vector<1x1024xf32>
        %dot_general3A_111 = arith.constant dense<0.000000e+00> : vector<128x1024xf32>
        %dot_general3A_112 = tpu.matmul %dot_general3A_92, %dot_general3A_97, %dot_general3A_111 {dimension_numbers = #tpu.dot_dimension_numbers<[1], [1], [0], [0], [0, 0, 1, 0], [], []>, transpose_lhs_hint = false} : vector<128x64xf32>, vector<1024x64xf32>, vector<128x1024xf32> -> vector<128x1024xf32>
        %mul3A_113 = arith.constant 1.250000e-01 : f32
        %mul3A_114 = vector.broadcast %mul3A_113 : f32 to vector<128x1024xf32>
        %mul3A_115 = arith.mulf %dot_general3A_112, %mul3A_114 : vector<128x1024xf32>
        %add3A_116 = vector.broadcast %select_n3A_110 : vector<1x1024xf32> to vector<128x1024xf32>
        %add3A_117 = arith.addf %mul3A_115, %add3A_116 : vector<128x1024xf32>
        %reduce_max3A_118 = arith.constant dense<0xFF800000> : vector<128xf32>
        %reduce_max3A_119 = vector.multi_reduction <maximumf>, %add3A_117, %reduce_max3A_118 [1] : vector<128x1024xf32> to vector<128xf32>
        %broadcast_in_dim3A_120 = vector.shape_cast %reduce_max3A_119 : vector<128xf32> to vector<128x1xf32>
        %sub3A_121 = vector.broadcast %broadcast_in_dim3A_120 : vector<128x1xf32> to vector<128x1024xf32>
        %sub3A_122 = arith.subf %add3A_117, %sub3A_121 : vector<128x1024xf32>
        %exp3A_123 = math.exp %sub3A_122 : vector<128x1024xf32>
        %reduce_sum3A_124 = arith.constant dense<0.000000e+00> : vector<128xf32>
        %reduce_sum3A_125 = vector.multi_reduction <add>, %exp3A_123, %reduce_sum3A_124 [1] : vector<128x1024xf32> to vector<128xf32>
        %broadcast_in_dim3A_126 = vector.shape_cast %reduce_sum3A_125 : vector<128xf32> to vector<128x1xf32>
        %dot_general3A_127 = arith.constant dense<0.000000e+00> : vector<128x64xf32>
        %dot_general3A_128 = tpu.matmul %exp3A_123, %dot_general3A_102, %dot_general3A_127 {dimension_numbers = #tpu.dot_dimension_numbers<[1], [0], [0], [1], [0, 0, 1, 1], [], []>, transpose_lhs_hint = false} : vector<128x1024xf32>, vector<1024x64xf32>, vector<128x64xf32> -> vector<128x64xf32>
        %div3A_129 = vector.broadcast %broadcast_in_dim3A_126 : vector<128x1xf32> to vector<128x64xf32>
        %div3A_130 = arith.divf %dot_general3A_128, %div3A_129 : vector<128x64xf32>
        %get3A_131 = arith.constant 0 : index
        %get3A_132 = arith.constant 0 : index
        %get3A_133 = vector.load %arg8[%get3A_131, %get3A_132] : memref<64x64xf32, #tpu.memory_space<vmem>>, vector<64x64xf32>
        %dot_general3A_134 = arith.constant dense<0.000000e+00> : vector<128x64xf32>
        %dot_general3A_135 = tpu.matmul %div3A_130, %get3A_133, %dot_general3A_134 {dimension_numbers = #tpu.dot_dimension_numbers<[1], [0], [0], [1], [0, 0, 1, 1], [], []>, transpose_lhs_hint = false} : vector<128x64xf32>, vector<64x64xf32>, vector<128x64xf32> -> vector<128x64xf32>
        %add3A_136 = arith.addf %add3A_87, %dot_general3A_135 : vector<128x64xf32>
        %get3A_137 = arith.constant 0 : index
        %get3A_138 = arith.constant 0 : index
        %get3A_139 = vector.load %arg11[%get3A_137, %get3A_138] : memref<64x24xf32, #tpu.memory_space<vmem>>, vector<64x24xf32>
        %dot_general3A_140 = arith.constant dense<0.000000e+00> : vector<128x24xf32>
        %dot_general3A_141 = tpu.matmul %add3A_136, %get3A_139, %dot_general3A_140 {dimension_numbers = #tpu.dot_dimension_numbers<[1], [0], [0], [1], [0, 0, 1, 1], [], []>, transpose_lhs_hint = false} : vector<128x64xf32>, vector<64x24xf32>, vector<128x24xf32> -> vector<128x24xf32>
        %swap3A = arith.constant 0 : index
        %swap3A_142 = arith.constant 0 : index
        %swap3A_143 = arith.constant 0 : index
        %swap3A_144 = vector.load %arg12[%swap3A, %swap3A_142, %swap3A_143] : memref<1x128x24xf32, #tpu.memory_space<vmem>>, vector<1x128x24xf32>
        %swap3A_145 = vector.shape_cast %swap3A_144 : vector<1x128x24xf32> to vector<128x24xf32>
        %swap3A_146 = vector.shape_cast %dot_general3A_141 : vector<128x24xf32> to vector<1x128x24xf32>
        tpu.vector_store %arg12[%swap3A, %swap3A_142, %swap3A_143], %swap3A_146 {strides = array<i32>} : memref<1x128x24xf32, #tpu.memory_space<vmem>>, vector<1x128x24xf32>,
      } else {
      }
    } else {
    }
    return
  }
  func.func @transform_0(%arg0: i32, %arg1: i32) -> (i32, i32, i32) {
    %c0_i32 = arith.constant 0 : i32
    %c0_i32_0 = arith.constant 0 : i32
    %c0_i32_1 = arith.constant 0 : i32
    return %arg0, %c0_i32, %c0_i32_0 : i32, i32, i32
  }
  func.func @transform_1(%arg0: i32, %arg1: i32) -> (i32, i32, i32) {
    %c0_i32 = arith.constant 0 : i32
    %c0_i32_0 = arith.constant 0 : i32
    return %arg0, %arg1, %c0_i32 : i32, i32, i32
  }
  func.func @transform_2(%arg0: i32, %arg1: i32) -> (i32, i32, i32) {
    %c0_i32 = arith.constant 0 : i32
    %c0_i32_0 = arith.constant 0 : i32
    %c0_i32_1 = arith.constant 0 : i32
    return %arg0, %c0_i32, %c0_i32_0 : i32, i32, i32
  }
  func.func @transform_3(%arg0: i32, %arg1: i32) -> (i32, i32) {
    %c0_i32 = arith.constant 0 : i32
    %c0_i32_0 = arith.constant 0 : i32
    %c0_i32_1 = arith.constant 0 : i32
    return %c0_i32, %c0_i32_0 : i32, i32
  }
  func.func @transform_4(%arg0: i32, %arg1: i32) -> (i32, i32) {
    %c0_i32 = arith.constant 0 : i32
    %c0_i32_0 = arith.constant 0 : i32
    %c0_i32_1 = arith.constant 0 : i32
    return %c0_i32, %c0_i32_0 : i32, i32
  }
  func.func @transform_5(%arg0: i32, %arg1: i32) -> (i32, i32) {
    %c0_i32 = arith.constant 0 : i32
    %c0_i32_0 = arith.constant 0 : i32
    %c0_i32_1 = arith.constant 0 : i32
    return %c0_i32, %c0_i32_0 : i32, i32
  }
  func.func @transform_6(%arg0: i32, %arg1: i32) -> (i32, i32) {
    %c0_i32 = arith.constant 0 : i32
    %c0_i32_0 = arith.constant 0 : i32
    %c0_i32_1 = arith.constant 0 : i32
    return %c0_i32, %c0_i32_0 : i32, i32
  }
  func.func @transform_7(%arg0: i32, %arg1: i32) -> (i32, i32) {
    %c0_i32 = arith.constant 0 : i32
    %c0_i32_0 = arith.constant 0 : i32
    %c0_i32_1 = arith.constant 0 : i32
    return %c0_i32, %c0_i32_0 : i32, i32
  }
  func.func @transform_8(%arg0: i32, %arg1: i32) -> (i32, i32) {
    %c0_i32 = arith.constant 0 : i32
    %c0_i32_0 = arith.constant 0 : i32
    %c0_i32_1 = arith.constant 0 : i32
    return %c0_i32, %c0_i32_0 : i32, i32
  }
  func.func @transform_9(%arg0: i32, %arg1: i32) -> (i32, i32) {
    %c0_i32 = arith.constant 0 : i32
    %c0_i32_0 = arith.constant 0 : i32
    %c0_i32_1 = arith.constant 0 : i32
    return %c0_i32, %c0_i32_0 : i32, i32
  }
  func.func @transform_10(%arg0: i32, %arg1: i32) -> (i32, i32, i32) {
    %c0_i32 = arith.constant 0 : i32
    %c0_i32_0 = arith.constant 0 : i32
    return %arg0, %arg1, %c0_i32 : i32, i32, i32
  }
  func.func @transform_11(%arg0: i32, %arg1: i32) -> (i32, i32, i32) {
    %c0_i32 = arith.constant 0 : i32
    %c0_i32_0 = arith.constant 0 : i32
    %c0_i32_1 = arith.constant 0 : i32
    return %arg0, %c0_i32, %c0_i32_0 : i32, i32, i32
  }
  func.func @transform_12(%arg0: i32, %arg1: i32) -> (i32, i32, i32) {
    %c0_i32 = arith.constant 0 : i32
    %c0_i32_0 = arith.constant 0 : i32
    %c0_i32_1 = arith.constant 0 : i32
    return %arg0, %c0_i32, %c0_i32_0 : i32, i32, i32
  }
}

module attributes {stable_mosaic.version = 14 : i64} {
  func.func @_fin_body(%arg0: i32, %arg1: memref<1x1024x1xf32, #tpu.memory_space<vmem>>, %arg2: memref<1x1024x24xf32, #tpu.memory_space<vmem>>, %arg3: memref<1x1024x24xf32, #tpu.memory_space<vmem>>, %arg4: memref<1x24xf32, #tpu.memory_space<vmem>>, %arg5: memref<1x1024x24xf32, #tpu.memory_space<vmem>>) attributes {dimension_semantics = [#tpu.dimension_semantics<arbitrary>], iteration_bounds = array<i64: 4>, scalar_prefetch = 0 : i64, scratch_operands = 0 : i64, tpu.core_type = #tpu.core_type<tc>, window_params = [{transform_indices = @transform_0, window_bounds = array<i64: 1, 1024, 1>}, {transform_indices = @transform_1, window_bounds = array<i64: 1, 1024, 24>}, {transform_indices = @transform_2, window_bounds = array<i64: 1, 1024, 24>}, {pipeline_mode = #tpu.pipeline_mode<synchronous>, transform_indices = @transform_3, window_bounds = array<i64: 1, 24>}, {transform_indices = @transform_4, window_bounds = array<i64: 1, 1024, 24>}]} {
    %get3A = arith.constant 0 : index
    %get3A_0 = arith.constant 0 : index
    %get3A_1 = arith.constant 0 : index
    %get3A_2 = vector.load %arg1[%get3A, %get3A_0, %get3A_1] : memref<1x1024x1xf32, #tpu.memory_space<vmem>>, vector<1x1024x1xf32>
    %get3A_3 = vector.shape_cast %get3A_2 : vector<1x1024x1xf32> to vector<1024x1xf32>
    %broadcast_in_dim3A = arith.constant 0.000000e+00 : f32
    %broadcast_in_dim3A_4 = vector.broadcast %broadcast_in_dim3A : f32 to vector<1x1xf32>
    %slice3A = vector.extract_strided_slice %get3A_3 {offsets = [0, 0], sizes = [1023, 1], strides = [1, 1]} : vector<1024x1xf32> to vector<1023x1xf32>
    %concatenate3A = tpu.concatenate %broadcast_in_dim3A_4, %slice3A in 0 : vector<1x1xf32>, vector<1023x1xf32> -> vector<1024x1xf32>
    %add3A = arith.addf %get3A_3, %concatenate3A : vector<1024x1xf32>
    %broadcast_in_dim3A_5 = arith.constant 0.000000e+00 : f32
    %broadcast_in_dim3A_6 = vector.broadcast %broadcast_in_dim3A_5 : f32 to vector<2x1xf32>
    %slice3A_7 = vector.extract_strided_slice %add3A {offsets = [0, 0], sizes = [1022, 1], strides = [1, 1]} : vector<1024x1xf32> to vector<1022x1xf32>
    %concatenate3A_8 = tpu.concatenate %broadcast_in_dim3A_6, %slice3A_7 in 0 : vector<2x1xf32>, vector<1022x1xf32> -> vector<1024x1xf32>
    %add3A_9 = arith.addf %add3A, %concatenate3A_8 : vector<1024x1xf32>
    %broadcast_in_dim3A_10 = arith.constant 0.000000e+00 : f32
    %broadcast_in_dim3A_11 = vector.broadcast %broadcast_in_dim3A_10 : f32 to vector<4x1xf32>
    %slice3A_12 = vector.extract_strided_slice %add3A_9 {offsets = [0, 0], sizes = [1020, 1], strides = [1, 1]} : vector<1024x1xf32> to vector<1020x1xf32>
    %concatenate3A_13 = tpu.concatenate %broadcast_in_dim3A_11, %slice3A_12 in 0 : vector<4x1xf32>, vector<1020x1xf32> -> vector<1024x1xf32>
    %add3A_14 = arith.addf %add3A_9, %concatenate3A_13 : vector<1024x1xf32>
    %broadcast_in_dim3A_15 = arith.constant 0.000000e+00 : f32
    %broadcast_in_dim3A_16 = vector.broadcast %broadcast_in_dim3A_15 : f32 to vector<8x1xf32>
    %slice3A_17 = vector.extract_strided_slice %add3A_14 {offsets = [0, 0], sizes = [1016, 1], strides = [1, 1]} : vector<1024x1xf32> to vector<1016x1xf32>
    %concatenate3A_18 = tpu.concatenate %broadcast_in_dim3A_16, %slice3A_17 in 0 : vector<8x1xf32>, vector<1016x1xf32> -> vector<1024x1xf32>
    %add3A_19 = arith.addf %add3A_14, %concatenate3A_18 : vector<1024x1xf32>
    %broadcast_in_dim3A_20 = arith.constant 0.000000e+00 : f32
    %broadcast_in_dim3A_21 = vector.broadcast %broadcast_in_dim3A_20 : f32 to vector<16x1xf32>
    %slice3A_22 = vector.extract_strided_slice %add3A_19 {offsets = [0, 0], sizes = [1008, 1], strides = [1, 1]} : vector<1024x1xf32> to vector<1008x1xf32>
    %concatenate3A_23 = tpu.concatenate %broadcast_in_dim3A_21, %slice3A_22 in 0 : vector<16x1xf32>, vector<1008x1xf32> -> vector<1024x1xf32>
    %add3A_24 = arith.addf %add3A_19, %concatenate3A_23 : vector<1024x1xf32>
    %broadcast_in_dim3A_25 = arith.constant 0.000000e+00 : f32
    %broadcast_in_dim3A_26 = vector.broadcast %broadcast_in_dim3A_25 : f32 to vector<32x1xf32>
    %slice3A_27 = vector.extract_strided_slice %add3A_24 {offsets = [0, 0], sizes = [992, 1], strides = [1, 1]} : vector<1024x1xf32> to vector<992x1xf32>
    %concatenate3A_28 = tpu.concatenate %broadcast_in_dim3A_26, %slice3A_27 in 0 : vector<32x1xf32>, vector<992x1xf32> -> vector<1024x1xf32>
    %add3A_29 = arith.addf %add3A_24, %concatenate3A_28 : vector<1024x1xf32>
    %broadcast_in_dim3A_30 = arith.constant 0.000000e+00 : f32
    %broadcast_in_dim3A_31 = vector.broadcast %broadcast_in_dim3A_30 : f32 to vector<64x1xf32>
    %slice3A_32 = vector.extract_strided_slice %add3A_29 {offsets = [0, 0], sizes = [960, 1], strides = [1, 1]} : vector<1024x1xf32> to vector<960x1xf32>
    %concatenate3A_33 = tpu.concatenate %broadcast_in_dim3A_31, %slice3A_32 in 0 : vector<64x1xf32>, vector<960x1xf32> -> vector<1024x1xf32>
    %add3A_34 = arith.addf %add3A_29, %concatenate3A_33 : vector<1024x1xf32>
    %broadcast_in_dim3A_35 = arith.constant 0.000000e+00 : f32
    %broadcast_in_dim3A_36 = vector.broadcast %broadcast_in_dim3A_35 : f32 to vector<128x1xf32>
    %slice3A_37 = vector.extract_strided_slice %add3A_34 {offsets = [0, 0], sizes = [896, 1], strides = [1, 1]} : vector<1024x1xf32> to vector<896x1xf32>
    %concatenate3A_38 = tpu.concatenate %broadcast_in_dim3A_36, %slice3A_37 in 0 : vector<128x1xf32>, vector<896x1xf32> -> vector<1024x1xf32>
    %add3A_39 = arith.addf %add3A_34, %concatenate3A_38 : vector<1024x1xf32>
    %broadcast_in_dim3A_40 = arith.constant 0.000000e+00 : f32
    %broadcast_in_dim3A_41 = vector.broadcast %broadcast_in_dim3A_40 : f32 to vector<256x1xf32>
    %slice3A_42 = vector.extract_strided_slice %add3A_39 {offsets = [0, 0], sizes = [768, 1], strides = [1, 1]} : vector<1024x1xf32> to vector<768x1xf32>
    %concatenate3A_43 = tpu.concatenate %broadcast_in_dim3A_41, %slice3A_42 in 0 : vector<256x1xf32>, vector<768x1xf32> -> vector<1024x1xf32>
    %add3A_44 = arith.addf %add3A_39, %concatenate3A_43 : vector<1024x1xf32>
    %broadcast_in_dim3A_45 = arith.constant 0.000000e+00 : f32
    %broadcast_in_dim3A_46 = vector.broadcast %broadcast_in_dim3A_45 : f32 to vector<512x1xf32>
    %slice3A_47 = vector.extract_strided_slice %add3A_44 {offsets = [0, 0], sizes = [512, 1], strides = [1, 1]} : vector<1024x1xf32> to vector<512x1xf32>
    %concatenate3A_48 = tpu.concatenate %broadcast_in_dim3A_46, %slice3A_47 in 0 : vector<512x1xf32>, vector<512x1xf32> -> vector<1024x1xf32>
    %add3A_49 = arith.addf %add3A_44, %concatenate3A_48 : vector<1024x1xf32>
    %slice3A_50 = vector.extract_strided_slice %add3A_49 {offsets = [1023, 0], sizes = [1, 1], strides = [1, 1]} : vector<1024x1xf32> to vector<1x1xf32>
    %iota3A = tpu.iota {dimensions = array<i32: 0>} : vector<1024x1xi32>
    %convert_element_type3A = arith.sitofp %iota3A : vector<1024x1xi32> to vector<1024x1xf32>
    %gt3A = arith.constant 0.000000e+00 : f32
    %gt3A_51 = vector.broadcast %gt3A : f32 to vector<1024x1xf32>
    %gt3A_52 = arith.cmpf ogt, %get3A_3, %gt3A_51 : vector<1024x1xf32>
    %sub3A = arith.constant 1.000000e+00 : f32
    %sub3A_53 = vector.broadcast %sub3A : f32 to vector<1024x1xf32>
    %sub3A_54 = arith.subf %add3A_49, %sub3A_53 : vector<1024x1xf32>
    %add3A_55 = vector.broadcast %slice3A_50 : vector<1x1xf32> to vector<1024x1xf32>
    %add3A_56 = arith.addf %add3A_55, %convert_element_type3A : vector<1024x1xf32>
    %sub3A_57 = arith.subf %add3A_56, %add3A_49 : vector<1024x1xf32>
    %select_n3A = arith.select %gt3A_52, %sub3A_54, %sub3A_57 : vector<1024x1xi1>, vector<1024x1xf32>
    %iota3A_58 = tpu.iota {dimensions = array<i32: 1>} : vector<1024x1024xi32>
    %convert_element_type3A_59 = arith.fptosi %select_n3A : vector<1024x1xf32> to vector<1024x1xi32>
    %eq3A = vector.broadcast %convert_element_type3A_59 : vector<1024x1xi32> to vector<1024x1024xi32>
    %eq3A_60 = arith.cmpi eq, %iota3A_58, %eq3A : vector<1024x1024xi32>
    %convert_element_type3A_61 = arith.extui %eq3A_60 : vector<1024x1024xi1> to vector<1024x1024xi32>
    %convert_element_type3A_62 = arith.sitofp %convert_element_type3A_61 : vector<1024x1024xi32> to vector<1024x1024xf32>
    %lt3A = vector.broadcast %slice3A_50 : vector<1x1xf32> to vector<1024x1xf32>
    %lt3A_63 = arith.cmpf olt, %convert_element_type3A, %lt3A : vector<1024x1xf32>
    %get3A_64 = arith.constant 0 : index
    %get3A_65 = arith.constant 0 : index
    %get3A_66 = arith.constant 0 : index
    %get3A_67 = vector.load %arg2[%get3A_64, %get3A_65, %get3A_66] : memref<1x1024x24xf32, #tpu.memory_space<vmem>>, vector<1x1024x24xf32>
    %get3A_68 = vector.shape_cast %get3A_67 : vector<1x1024x24xf32> to vector<1024x24xf32>
    %get3A_69 = arith.constant 0 : index
    %get3A_70 = arith.constant 0 : index
    %get3A_71 = arith.constant 0 : index
    %get3A_72 = vector.load %arg3[%get3A_69, %get3A_70, %get3A_71] : memref<1x1024x24xf32, #tpu.memory_space<vmem>>, vector<1x1024x24xf32>
    %get3A_73 = vector.shape_cast %get3A_72 : vector<1x1024x24xf32> to vector<1024x24xf32>
    %broadcast_in_dim3A_74 = vector.shape_cast %lt3A_63 : vector<1024x1xi1> to vector<1024x1xi1>
    %broadcast_in_dim3A_75 = vector.broadcast %broadcast_in_dim3A_74 : vector<1024x1xi1> to vector<1024x24xi1>
    %select_n3A_76 = arith.select %broadcast_in_dim3A_75, %get3A_68, %get3A_73 : vector<1024x24xi1>, vector<1024x24xf32>
    %dot_general3A = arith.constant dense<0.000000e+00> : vector<1024x24xf32>
    %dot_general3A_77 = tpu.matmul %convert_element_type3A_62, %select_n3A_76, %dot_general3A {dimension_numbers = #tpu.dot_dimension_numbers<[1], [0], [0], [1], [0, 0, 1, 1], [], []>, transpose_lhs_hint = false} : vector<1024x1024xf32>, vector<1024x24xf32>, vector<1024x24xf32> -> vector<1024x24xf32>
    %get3A_78 = arith.constant 0 : index
    %get3A_79 = arith.constant 0 : index
    %get3A_80 = vector.load %arg4[%get3A_78, %get3A_79] : memref<1x24xf32, #tpu.memory_space<vmem>>, vector<1x24xf32>
    %add3A_81 = vector.broadcast %get3A_80 : vector<1x24xf32> to vector<1024x24xf32>
    %add3A_82 = arith.addf %dot_general3A_77, %add3A_81 : vector<1024x24xf32>
    %swap3A = arith.constant 0 : index
    %swap3A_83 = arith.constant 0 : index
    %swap3A_84 = arith.constant 0 : index
    %swap3A_85 = vector.load %arg5[%swap3A, %swap3A_83, %swap3A_84] : memref<1x1024x24xf32, #tpu.memory_space<vmem>>, vector<1x1024x24xf32>
    %swap3A_86 = vector.shape_cast %swap3A_85 : vector<1x1024x24xf32> to vector<1024x24xf32>
    %swap3A_87 = vector.shape_cast %add3A_82 : vector<1024x24xf32> to vector<1x1024x24xf32>
    tpu.vector_store %arg5[%swap3A, %swap3A_83, %swap3A_84], %swap3A_87 {strides = array<i32>} : memref<1x1024x24xf32, #tpu.memory_space<vmem>>, vector<1x1024x24xf32>,
    return
  }
  func.func @transform_0(%arg0: i32) -> (i32, i32, i32) {
    %c0_i32 = arith.constant 0 : i32
    %c0_i32_0 = arith.constant 0 : i32
    %c0_i32_1 = arith.constant 0 : i32
    return %arg0, %c0_i32, %c0_i32_0 : i32, i32, i32
  }
  func.func @transform_1(%arg0: i32) -> (i32, i32, i32) {
    %c0_i32 = arith.constant 0 : i32
    %c0_i32_0 = arith.constant 0 : i32
    %c0_i32_1 = arith.constant 0 : i32
    return %arg0, %c0_i32, %c0_i32_0 : i32, i32, i32
  }
  func.func @transform_2(%arg0: i32) -> (i32, i32, i32) {
    %c0_i32 = arith.constant 0 : i32
    %c0_i32_0 = arith.constant 0 : i32
    %c0_i32_1 = arith.constant 0 : i32
    return %arg0, %c0_i32, %c0_i32_0 : i32, i32, i32
  }
  func.func @transform_3(%arg0: i32) -> (i32, i32) {
    %c0_i32 = arith.constant 0 : i32
    %c0_i32_0 = arith.constant 0 : i32
    %c0_i32_1 = arith.constant 0 : i32
    return %c0_i32, %c0_i32_0 : i32, i32
  }
  func.func @transform_4(%arg0: i32) -> (i32, i32, i32) {
    %c0_i32 = arith.constant 0 : i32
    %c0_i32_0 = arith.constant 0 : i32
    %c0_i32_1 = arith.constant 0 : i32
    return %arg0, %c0_i32, %c0_i32_0 : i32, i32, i32
  }
}

</mosaic_0001>

<sc_bundles>
// kernel: kernel.9.cloned.1.call-start
scs
__scs_entry_jumppad:
0x0: {  	(pc) =	sbr.rel $0x88, $3  }
0x1: {  	(tag) =	ssettag $0x0;
	lr =	simm.s32 $0x1  }
0x2: {  	[smem:$0x3F8E] =	sst lr;
	_ =	strace $0xD0000000  }
0x3: {  	_ = 	snop  }
0x4: {  	_ = 	snop  }
0x5: {  	_ = 	snop  }
0x6: {  	_ = 	snop  }
0x7: {  	_ = 	snop  }
__scs_overlays_trampoline_lowered:
0x8: {  	[smem:$0x3F9D] =	sst s0  }
0x9: {  	[smem:$0x3F9E] =	sst s1  }
0xa: {  	[smem:$0x3F9F] =	sst s2  }
0xb: {  	[smem:$0x3FA0] =	sst s3  }
0xc: {  	[smem:$0x3FA1] =	sst s4  }
0xd: {  	[smem:$0x3FA2] =	sst s5  }
0xe: {  	[smem:$0x3FA3] =	sst s6  }
0xf: {  	[smem:$0x3FA4] =	sst s7  }
0x10: {  	[smem:$0x3FA5] =	sst s8  }
0x11: {  	[smem:$0x3FA6] =	sst s9;
	s0 =	simm.s32 @!p0 $0x0  }
0x12: {  	s1 =	sld [smem:$0x3F8C];
	s0 =	simm.s32 @p0 $0x1  }
0x13: {  	[smem:$0x3FA7] =	sst s0;
	s0 =	simm.s32 @!p1 $0x0  }
0x14: {  	s2 =	sld [smem:$0x3F8B];
	s0 =	simm.s32 @p1 $0x1  }
0x15: {  	[smem:$0x3FA8] =	sst s0;
	s0 =	simm.s32 @!p2 $0x0  }
0x16: {  	s3 =	sld [smem:$0x3FDB];
	s0 =	simm.s32 @p2 $0x1  }
0x17: {  	s4 =	simm.s32 $0x1BF5;
	[smem:$0x3FAA] =	sst s0  }
0x18: {  	s0 =	sld [smem:$0x3F8D];
	_ =	swait.ge [sflag:s4], $0x0  }
0x19: {  	s7 =	sld [smem:$0x3F8E]  }
0x1a: {  	s8 =	sadd.s32 $0xFFFFE003, lr  }
0x1b: {  	s9 =	sadd.s32 $0xFFFFFEF7, lr;
	s5 =	simm.s32 $0xFFFFFFFF;
	p2 =	slt.u32 s8, $0xFFFFF086  }
0x1c: {  	p1 =	slt.u32 s9, $0xF7A;
	s5 =	simm.s32 @!p2 $0x0  }
0x1d: {  	s5 =	simm.s32 @p1 $0x1;
	p0 =	seq.s32 s7, s2  }
0x1e: {  	s7 =	smul.u32 @!p0 $0xF7A, s2;
	p2 =	seq.s32 @!p0 s5, $0x0  }
0x1f: {  	s9 =	smul.u32 $0xF7A, s1;
	s8 =	simm.s32 @!p0 $0x1BF5;
	p2 =	por !p2, p0  }
0x20: {  	[sflag:s8] =	ssyncset.s32 @!p0 $0xFFFFF086;
	s6 =	sadd.s32 @!p0 s3, s7;
	s7 =	simm.s32 @!p0 $0x108  }
0x21: {  	s3 =	sadd.s32 s3, s9;
	s6 =	sadd.s32 @!p0 $0x88, s6;
	s7 =	simm.s32 @p2 $0x1082  }
0x22: {  	[simem:s7], [sflag:s8] =	dma.local @!p0 [hbm:s6], $0xF7A  }
0x23: {  	s9 =	sor.u32 $0xD0000000, s2;
	s6 =	simm.s32 $0x108;
	_ =	swait.ge @!p0 [sflag:s8], $0x0  }
0x24: {  	s3 =	sadd.s32 $0x88, s3;
	s6 =	simm.s32 @!p1 $0x1082;
	[sflag:s4] =	ssyncset.s32 $0xFFFFF086  }
0x25: {  	[simem:s6], [sflag:s4] =	dma.local [hbm:s3], $0xF7A  }
0x26: {  	[smem:$0x3F8E] =	sst s1;
	(tag) =	ssettag s2;
	_ =	strace s9  }
0x27: {  	s1 =	sld [smem:$0x3F9E]  }
0x28: {  	s2 =	sld [smem:$0x3F9F]  }
0x29: {  	s4 =	sld [smem:$0x3FA1]  }
0x2a: {  	p0 =	seq.s32 s5, $0x0;
	s5 =	sld [smem:$0x3FA2]  }
0x2b: {  	s6 =	sld [smem:$0x3FA3]  }
0x2c: {  	s7 =	sld [smem:$0x3FA4]  }
0x2d: {  	s3 =	simm.s32 $0x108;
	s8 =	sld [smem:$0x3FA5]  }
0x2e: {  	s3 =	simm.s32 @!p0 $0x1082;
	s9 =	sld [smem:$0x3FA6]  }
0x2f: {  	lr =	sadd.s32 s0, s3;
	s0 =	sld [smem:$0x3F9D]  }
0x30: {  	s3 =	sld [smem:$0x3FA0]  }
0x31: {  	[smem:$0x3FA9] =	sst s10  }
0x32: {  	s10 =	sld [smem:$0x3FA7];
	_ =	sdelay $0x3  }
0x33: {  	p0 =	seq.s32 s10, $0x1;
	s10 =	sld [smem:$0x3FA9];
	_ =	sdelay $0x3  }
0x34: {  	[smem:$0x3FA9] =	sst s10  }
0x35: {  	s10 =	sld [smem:$0x3FA8];
	_ =	sdelay $0x3  }
0x36: {  	p1 =	seq.s32 s10, $0x1;
	s10 =	sld [smem:$0x3FA9];
	_ =	sdelay $0x3  }
0x37: {  	[smem:$0x3FA9] =	sst s10  }
0x38: {  	s10 =	sld [smem:$0x3FAA]  }
0x39: {  	_ = 	snop;
	(pc) =	sbr.ind lr, $3  }
0x3a: {  	_ = 	snop  }
0x3b: {  	_ = 	snop  }
0x3c: {  	p2 =	seq.s32 s10, $0x1;
	s10 =	sld [smem:$0x3FA9]  }
0x3d: {  	_ =	shalt  }
0x3e: {  	_ =	shalt  }
0x3f: {  	_ =	shalt  }
0x40: {  	_ =	shalt  }
0x41: {  	_ =	shalt  }
0x42: {  	_ =	shalt  }
0x43: {  	_ =	shalt  }
0x44: {  	_ =	shalt  }
0x45: {  	_ =	shalt  }
0x46: {  	_ =	shalt  }
0x47: {  	_ =	shalt  }
0x48: {  	_ =	shalt  }
0x49: {  	_ =	shalt  }
0x4a: {  	_ =	shalt  }
0x4b: {  	_ =	shalt  }
0x4c: {  	_ =	shalt  }
0x4d: {  	_ =	shalt  }
0x4e: {  	_ =	shalt  }
0x4f: {  	_ =	shalt  }
0x50: {  	_ =	shalt  }
0x51: {  	_ =	shalt  }
0x52: {  	_ =	shalt  }
0x53: {  	_ =	shalt  }
0x54: {  	_ =	shalt  }
0x55: {  	_ =	shalt  }
0x56: {  	_ =	shalt  }
0x57: {  	_ =	shalt  }
0x58: {  	_ =	shalt  }
0x59: {  	_ =	shalt  }
0x5a: {  	_ =	shalt  }
0x5b: {  	_ =	shalt  }
0x5c: {  	_ =	shalt  }
0x5d: {  	_ =	shalt  }
0x5e: {  	_ =	shalt  }
0x5f: {  	_ =	shalt  }
0x60: {  	_ =	shalt  }
0x61: {  	_ =	shalt  }
0x62: {  	_ =	shalt  }
0x63: {  	_ =	shalt  }
0x64: {  	_ =	shalt  }
0x65: {  	_ =	shalt  }
0x66: {  	_ =	shalt  }
0x67: {  	_ =	shalt  }
0x68: {  	_ =	shalt  }
0x69: {  	_ =	shalt  }
0x6a: {  	_ =	shalt  }
0x6b: {  	_ =	shalt  }
0x6c: {  	_ =	shalt  }
0x6d: {  	_ =	shalt  }
0x6e: {  	_ =	shalt  }
0x6f: {  	_ =	shalt  }
0x70: {  	_ =	shalt  }
0x71: {  	_ =	shalt  }
0x72: {  	_ =	shalt  }
0x73: {  	_ =	shalt  }
0x74: {  	_ =	shalt  }
0x75: {  	_ =	shalt  }
0x76: {  	_ =	shalt  }
0x77: {  	_ =	shalt  }
0x78: {  	_ =	shalt  }
0x79: {  	_ =	shalt  }
0x7a: {  	_ =	shalt  }
0x7b: {  	_ =	shalt  }
0x7c: {  	_ =	shalt  }
0x7d: {  	_ =	shalt  }
0x7e: {  	_ =	shalt  }
0x7f: {  	_ =	shalt  }
0x80: {  	_ =	shalt  }
0x81: {  	_ =	shalt  }
0x82: {  	_ =	shalt  }
0x83: {  	_ =	shalt  }
0x84: {  	_ =	shalt  }
0x85: {  	_ =	shalt  }
0x86: {  	_ =	shalt  }
0x87: {  	_ =	shalt  }
.Lfunc_end0:
.L_simem_size_0:
called_computation_lowered:
.L_overlay_start_0:
0x88: {  	s2 =	sld [smem:$0x3FD9]  }
0x89: {  	s3 =	sld [smem:$0x3FFE];
	_ =	sdelay $0x1  }
0x8a: {  	s1 =	srdreg.scid  }
0x8b: {  	s0 =	sand.u32 $0x1, s1  }
0x8c: {  	s14 =	sshll.u32 s0, $0xA;
	s2 =	sadd.s32 s3, s2  }
0x8d: {  	s2 =	sadd.s32 s2, s14  }
0x8e: {  	[smem:$0x3FB5] =	sst s2  }
0x8f: {  	_ = 	snop  }
0x90: {  	s2 =	sld [smem:$0x3FD0];
	_ =	sdelay $0x2  }
0x91: {  	s15 =	simm.s32 $0xA;
	s4 =	simm.s32 $0x10  }
0x92: {  	[smem:s4], [sflag:s15] =	dma.local [hbm:s2], $0x1  }
0x93: {  	_ =	swait.eq [sflag:s15], $0x1  }
0x94: {  	[sflag:s15] =	ssyncset.done $0x0  }
0x95: {  	[sflag:s15] =	ssyncadd.s32 $0xFFFFFFFF  }
0x96: {  	s16 =	sld [smem:$0x10];
	(tm) =	ssettm $0x1  }
0x97: {  	s17 =	sld [smem:$0x3FFB];
	_ =	sdelay $0x3  }
0x98: {  	_ =	strace s17  }
0x99: {  	s3 =	sld [smem:$0x3FFC];
	_ =	sdelay $0x3  }
0x9a: {  	_ =	strace s3  }
0x9b: {  	s3 =	sld [smem:$0x3FFD];
	_ =	sdelay $0x3  }
0x9c: {  	_ =	strace s3  }
0x9d: {  	_ =	strace $0x8FFFFFFF  }
0x9e: {  	s18 =	sld [smem:$0x3FDB];
	_ =	sdelay $0x1  }
0x9f: {  	s19 =	simm.s32 $_scs_section_size  }
0xa0: {  	s5 =	simm.s32 $_size__tile_overlayer_lowered;
	s6 =	simm.s32 $_tile_overlayer_lowered  }
0xa1: {  	s22 =	simm.s32 $0x1BFF;
	s21 =	sshll.u32 s6, $0x1;
	s3 =	sadd.s32 s19, s18  }
0xa2: {  	s7 =	simm.s32 $0x0;
	s20 =	sshll.u32 s5, $0x1;
	s5 =	sadd.s32 s21, s3  }
0xa3: {  	[timem:s7], [sflag:s22] =	dma.local [hbm:s5], s20  }
0xa4: {  	_ =	swait.ge [sflag:s22], s20  }
0xa5: {  	s4 =	ssub.s32 $0x0, s20;
	[sflag:s22] =	ssyncset.done $0x0  }
0xa6: {  	[sflag:s22] =	ssyncadd.s32 s4;
	_ =	sdelay $0x1  }
0xa7: {  	s23 =	simm.s32 $0x1B8B  }
0xa8: {  	_ =	swait.ge [sflag:s23], $0x1  }
0xa9: {  	[sflag:s23] =	ssyncset.done $0x0  }
0xaa: {  	s25 =	simm.s32 $0x1B8E;
	s24 =	sld [smem:$0x3FFE];
	[sflag:s23] =	ssyncadd.s32 $0xFFFFFFFF  }
0xab: {  	s26 =	simm.s32 $execute0_lowered;
	[smem:$0x3FD2] =	sst s25  }
0xac: {  	s5 =	sshll.u32 s26, $0x1;
	_ =	strace $0x80000046;
	[dreg:$0x1] =	wrdreg $0xFFFFFFFF  }
0xad: {  	s28 =	simm.s32 $_size_execute0_lowered;
	s3 =	sadd.s32 s3, s5;
	[dreg:$0x0] =	wrdreg $0x0  }
0xae: {  	s5 =	sshll.u32 s28, $0x1;
	[dreg:$0x2] =	wrdreg s3  }
0xaf: {  	[dreg:$0x3] =	wrdreg s5  }
0xb0: {  	[dreg:$0x4] =	wrdreg $0xC0  }
0xb1: {  	_ =	task [dreg:s7], $0x5FFFF  }
0xb2: {  	[dreg:$0x1] =	wrdreg $0xFFFFFFFF  }
0xb3: {  	[dreg:$0x0] =	wrdreg $0x60  }
0xb4: {  	[dreg:$0x2] =	wrdreg s24  }
0xb5: {  	[dreg:$0x3] =	wrdreg s16  }
0xb6: {  	[dreg:$0x4] =	wrdreg $0x9  }
0xb7: {  	_ =	task.clear_ibuf [dreg:s7], $0x5FFFF;
	_ =	strace $0x90000046  }
0xb8: {  	s29 =	simm.s32 $0x9;
	_ =	strace $0x80000048  }
0xb9: {  	_ =	swait.ge [sflag:s29], $0x1  }
0xba: {  	[sflag:s29] =	ssyncadd.s32 $0xFFFFFFFF  }
0xbb: {  	_ =	strace $0x90000048  }
0xbc: {  	_ =	sfence  }
0xbd: {  	s30 =	sld [smem:$0x0];
	_ =	sdelay $0x2  }
0xbe: {  	s31 =	sshll.u32 s1, $0xD;
	s1 =	sshrl.u32 s1, $0x2  }
0xbf: {  	s3 =	sand.u32 $0x4000, s31;
	s1 =	sadd.s32 s1, s30  }
0xc0: {  	s0 =	sor.u32 s3, s0;
	s1 =	sshll.u32 s1, $0x11  }
0xc1: {  	s0 =	sor.u32 s1, s0  }
0xc2: {  	s0 =	sadd.s32 $0x8F2B, s0  }
0xc3: {  	[sflag:s0] =	ssyncadd.remote.s32 $0x1  }
0xc4: {  	_ =	sfence.sel $0xFFFF  }
0xc5: {  	[dreg:$0x0] =	wrdreg $0xFFFFFFFF;
	(pc) =	sbr.abs _section_cstart, $3  }
0xc6: {  	[dreg:$0x1] =	wrdreg $0xFFFFFFFF  }
0xc7: {  	_ =	task.clear_ibuf [dreg:s7], $0x2FFFF;
	_ =	strace $0x9FFFFFFF  }
0xc8: {  	(tm) =	ssettm $0x7FFFFFFF  }
0xc9: {  	_ =	shalt  }
tec
execute0_lowered:
.L_overlay_start_1:
0x0: {  	(tag) =	ssettag $0x1  }
0x1: {  	s1 =	srdreg.scid  }
0x2: {  	s10 =	rddreg [dreg:$0x0];
	s0 =	stileid.u32;
	s11 =	sand.u32 $0x1, s1  }
0x3: {  	s3 =	rddreg [dreg:$0x1];
	s4 =	sshll.u32 s0, $0x8;
	s5 =	sshll.u32 s11, $0x7  }
0x4: {  	s2 =	simm.s32 $0x0;
	s1 =	rddreg [dreg:$0x2];
	s5 =	sor.u32 s5, s4  }
0x5: {  	[smem:$0x7FF] =	sst s2;
	s4 =	sshrl.u32 s5, $0x3  }
0x6: {  	_ =	strace $0x80000047;
	s3 =	sadd.s32 s3, s4;
	s4 =	simm.s32 $0x3  }
0x7: {  	[tilespmem:s2], [sflag:$0x3] =	stream.linear.gather [hbm4b:s3+s2], $0x80, $0x38;
	[tilespmem:$0x8080] =	vst v63  }
0x8: {  	s7 =	sshll.u32 s5, $0x4;
	_ =	swait.ge [sflag:s4], $0x80  }
0x9: {  	s5 =	sadd.s32 s7, s10;
	[sflag:s4] =	ssyncset.done $0x0  }
0xa: {  	s6 =	simm.s32 $0x80;
	s5 =	sadd.s32 $0x3600, s5;
	[sflag:s4] =	ssyncadd.s32 $0xFFFFFF80  }
0xb: {  	[tilespmem:s6], [sflag:$0x3] =	stream.linear.gather [hbm4b:s5+s2], $0x4000, $0x38;
	[tilespmem:$0x8080] =	vst v63  }
0xc: {  	s7 =	sand.u32 $0x3800, s7;
	_ =	swait.ge [sflag:s4], $0x4000  }
0xd: {  	s8 =	simm.s32 $0x4080;
	s7 =	sadd.s32 s7, s10;
	[sflag:s4] =	ssyncset.done $0x0  }
0xe: {  	s12 =	ssub.s32 $0x2, s11;
	s7 =	sadd.s32 $0x13600, s7;
	[sflag:s4] =	ssyncadd.s32 $0xFFFFC000  }
0xf: {  	[tilespmem:s8], [sflag:$0x3] =	stream.linear.gather [hbm4b:s7+s2], $0x4000, $0x38;
	[tilespmem:$0x8080] =	vst v63  }
0x10: {  	s13 =	sshrl.u32 s12, $0x1;
	_ =	swait.ge [sflag:s4], $0x4000  }
0x11: {  	s12 =	ssub.s32 s12, s13;
	[sflag:s4] =	ssyncset.done $0x0  }
0x12: {  	s9 =	sadd.s32 $0x17600, s10;
	s13 =	smax.u32 s12, $0x1;
	[sflag:s4] =	ssyncadd.s32 $0xFFFFC000  }
0x13: {  	[hbm4b:s9+s6] =	stream.indirect.scatter [tilespmem:s6], [sflag:$0x1], $0x80, s2, s6, $0xb8;
	[tilespmem:$0x8080] =	vst v63  }
0x14: {  	s11 =	simm.s32 $0x1;
	s10 =	sadd.s32 $0x27600, s10;
	p0 =	sne.s32 s13, $0x1  }
0x15: {  	[hbm4b:s10+s6] =	stream.indirect.scatter [tilespmem:s8], [sflag:$0x2], $0x80, s2, s6, $0xb8;
	[tilespmem:$0x8080] =	vst v63  }
.Ltmp0:
0x16: {  	_ =	swait.ge [sflag:s11], $0x4000;
	(pc) =	sbr.rel @!p0 .LBB2_2-.Ltmp0, $4  }
0x17: {  	[sflag:s11] =	ssyncset.done $0x0  }
0x18: {  	s12 =	simm.s32 $0x2;
	[sflag:s11] =	ssyncadd.s32 $0xFFFFC000  }
0x19: {  	_ =	swait.ge [sflag:s12], $0x4000  }
0x1a: {  	s13 =	sadd.s32 $0xFFFFFFFF, s13;
	[sflag:s12] =	ssyncset.done $0x0  }
.LBB2_1:
0x1b: {  	p0 =	sne.s32 s13, $0x1;
	s13 =	sadd.s32 $0xFFFFFFFF, s13;
	[sflag:s12] =	ssyncadd.s32 $0xFFFFC000  }
0x1c: {  	[tilespmem:s2], [sflag:$0x3] =	stream.linear.gather [hbm4b:s3+s2], $0x80, $0x38;
	[tilespmem:$0x8080] =	vst v63  }
0x1d: {  	_ =	swait.ge [sflag:s4], $0x80  }
0x1e: {  	[sflag:s4] =	ssyncset.done $0x0  }
0x1f: {  	[sflag:s4] =	ssyncadd.s32 $0xFFFFFF80  }
0x20: {  	[tilespmem:s6], [sflag:$0x3] =	stream.linear.gather [hbm4b:s5+s2], $0x4000, $0x38;
	[tilespmem:$0x8080] =	vst v63  }
0x21: {  	_ =	swait.ge [sflag:s4], $0x4000  }
0x22: {  	[sflag:s4] =	ssyncset.done $0x0  }
0x23: {  	[sflag:s4] =	ssyncadd.s32 $0xFFFFC000  }
0x24: {  	[tilespmem:s8], [sflag:$0x3] =	stream.linear.gather [hbm4b:s7+s2], $0x4000, $0x38;
	[tilespmem:$0x8080] =	vst v63  }
0x25: {  	_ =	swait.ge [sflag:s4], $0x4000  }
0x26: {  	[sflag:s4] =	ssyncset.done $0x0  }
0x27: {  	[sflag:s4] =	ssyncadd.s32 $0xFFFFC000  }
0x28: {  	[hbm4b:s9+s6] =	stream.indirect.scatter [tilespmem:s6], [sflag:$0x1], $0x80, s2, s6, $0xb8;
	[tilespmem:$0x8080] =	vst v63  }
0x29: {  	_ = 	snop  }
0x2a: {  	[hbm4b:s10+s6] =	stream.indirect.scatter [tilespmem:s8], [sflag:$0x2], $0x80, s2, s6, $0xb8;
	[tilespmem:$0x8080] =	vst v63  }
.Ltmp1:
0x2b: {  	_ =	swait.ge [sflag:s11], $0x4000;
	(pc) =	sbr.rel @p0 .LBB2_1-.Ltmp1, $4  }
0x2c: {  	[sflag:s11] =	ssyncset.done $0x0  }
0x2d: {  	[sflag:s11] =	ssyncadd.s32 $0xFFFFC000  }
0x2e: {  	_ =	swait.ge [sflag:s12], $0x4000  }
0x2f: {  	[sflag:s12] =	ssyncset.done $0x0  }
.LBB2_2:
0x30: {  	[sflag:s12] =	ssyncadd.s32 $0xFFFFC000  }
0x31: {  	_ =	sfence.sel $0x180000  }
0x32: {  	[bflag:$0x0] =	sbarrier.arrive $0xFFFF  }
0x33: {  	p0 =	sne.s32 s0, $0x0;
	_ =	strace $0x90000047  }
0x34: {  	s0 =	sadd.s32 @!p0 $0x100000, s1;
	[bflag:$0x2] =	sbarrier.arrive $0xFFFF  }
0x35: {  	[sflag:s0] =	ssyncadd.tile.s32 @!p0 $0x1;
	_ =	shalt  }
.Lfunc_end2:
_tile_overlayer_lowered:
.L_overlay_start_2:
0x36: {  	(tag) =	ssettag $0x2  }
0x37: {  	s0 =	rddreg [dreg:$0x0];
	s2 =	stileid.u32  }
0x38: {  	s1 =	rddreg [dreg:$0x1];
	p0 =	sne.s32 s2, $0x0  }
0x39: {  	s3 =	rddreg [dreg:$0x2];
	[bflag:$0x3] =	sbarrier.arrive $0xFFFF;
	s2 =	simm.s32 @!p0 $0x1C03  }
0x3a: {  	[timem:s3], [sflag:s2] =	dma.local @!p0 [hbm:s0], s1  }
0x3b: {  	s0 =	simm.s32 @!p0 $0x3  }
0x3c: {  	_ =	swait.ge @!p0 [sflag:s0], s1  }
0x3d: {  	s1 =	ssub.s32 @!p0 $0x0, s1;
	[sflag:s0] =	ssyncset.done @!p0 $0x0  }
0x3e: {  	[sflag:s0] =	ssyncadd.s32 @!p0 s1  }
0x3f: {  	[bflag:$0x3] =	sbarrier.arrive $0xFFFF  }
0x40: {  	_ =	shalt  }

</sc_bundles>
